<compile_context>
chip_gen: v7x
topology: tpu7x:2x2x1
jax: 0.10.2.dev20260603
libtpu: 0.0.44.dev20260713+nightly
codegen_flags: <defaults>
</compile_context>

<pallas_src>
import functools

import jax
import jax.numpy as jnp
from jax import lax
from jax.experimental import pallas as pl
from jax.experimental.pallas import tpu as pltpu
from jax.experimental.pallas import tpu_sc as plsc

EMBED = 64
SEQ = 200
B = 4096
N = B * SEQ
NC = 2
NS = 16
NW = NC * NS
N_PER_W = N // NW
CHUNK = 128
N_CHUNKS = N_PER_W // CHUNK
NQ = EMBED // 16
NG = CHUNK // 16


def _make_kernel():
    mesh = plsc.VectorSubcoreMesh(core_axis_name="c", subcore_axis_name="s")

    @functools.partial(
        pl.kernel,
        mesh=mesh,
        out_type=jax.ShapeDtypeStruct((N, EMBED), jnp.float32),
        compiler_params=pltpu.CompilerParams(use_tc_tiling_on_sc=False),
        scratch_types=[
            pltpu.VMEM((4, CHUNK), jnp.int32),
            pltpu.VMEM((4, CHUNK), jnp.int32),
            pltpu.VMEM((4, CHUNK, EMBED), jnp.float32),
            pltpu.VMEM((2 * SEQ, EMBED), jnp.float32),
            pltpu.VMEM((2, EMBED), jnp.float32),
            pltpu.SemaphoreType.DMA,
            pltpu.SemaphoreType.DMA,
            pltpu.SemaphoreType.DMA,
            pltpu.SemaphoreType.DMA,
        ],
    )
    def k(tok_hbm, seg_hbm, table_hbm, segtab_hbm, pos_hbm, out_hbm,
          tok_v, seg_v, rows_v, fused_v, st_v, sem_it, sem_is, sem_g, sem_w):
        wid = lax.axis_index("s") * NC + lax.axis_index("c")
        base = wid * N_PER_W

        pltpu.sync_copy(segtab_hbm, st_v)
        pltpu.sync_copy(pos_hbm, fused_v.at[pl.ds(0, SEQ)])
        pltpu.sync_copy(pos_hbm, fused_v.at[pl.ds(SEQ, SEQ)])

        def fuse_body(l, _):
            for q in range(NQ):
                sl = pl.ds(q * 16, 16)
                fused_v[l, sl] = fused_v[l, sl] + st_v[0, sl]
                fused_v[SEQ + l, sl] = fused_v[SEQ + l, sl] + st_v[1, sl]
            return 0

        lax.fori_loop(0, SEQ, fuse_body, 0)

        def stage_idx(c):
            buf = lax.rem(c, 4)
            cbase = base + c * CHUNK
            pltpu.async_copy(tok_hbm.at[pl.ds(cbase, CHUNK)], tok_v.at[buf],
                             sem_it)
            pltpu.async_copy(seg_hbm.at[pl.ds(cbase, CHUNK)], seg_v.at[buf],
                             sem_is)

        def wait_idx(c):
            buf = lax.rem(c, 4)
            cbase = base + c * CHUNK
            pltpu.make_async_copy(tok_hbm.at[pl.ds(cbase, CHUNK)],
                                  tok_v.at[buf], sem_it).wait()
            pltpu.make_async_copy(seg_hbm.at[pl.ds(cbase, CHUNK)],
                                  seg_v.at[buf], sem_is).wait()

        def start_gather(c):
            buf = lax.rem(c, 4)
            pltpu.async_copy(table_hbm.at[tok_v.at[buf]], rows_v.at[buf],
                             sem_g)

        def wait_gather(c):
            buf = lax.rem(c, 4)
            pltpu.make_async_copy(table_hbm.at[tok_v.at[buf]],
                                  rows_v.at[buf], sem_g).wait()

        def start_write(c):
            buf = lax.rem(c, 4)
            cbase = base + c * CHUNK
            pltpu.async_copy(rows_v.at[buf],
                             out_hbm.at[pl.ds(cbase, CHUNK)], sem_w)

        def wait_write(c):
            buf = lax.rem(c, 4)
            cbase = base + c * CHUNK
            pltpu.make_async_copy(rows_v.at[buf],
                                  out_hbm.at[pl.ds(cbase, CHUNK)],
                                  sem_w).wait()

        def chunk_body(c, _):
            buf = lax.rem(c, 4)

            @pl.when(c + 3 < N_CHUNKS)
            def _():
                stage_idx(c + 3)

            @pl.when(c >= 2)
            def _():
                wait_write(c - 2)

            @pl.when(c + 2 < N_CHUNKS)
            def _():
                wait_idx(c + 2)
                start_gather(c + 2)

            l0 = lax.rem(c * CHUNK, SEQ)
            wait_gather(c)

            def add_group(g, _):
                g16 = g * 16
                l = l0 + g16 + lax.iota(jnp.int32, 16)
                l = jnp.where(l >= SEQ, l - SEQ, l)
                fidx = seg_v[buf, pl.ds(g16, 16)] * SEQ + l
                for i in range(16):
                    r = fidx[i]
                    row = g16 + i
                    for q in range(NQ):
                        sl = pl.ds(q * 16, 16)
                        rows_v[buf, row, sl] = (rows_v[buf, row, sl]
                                                + fused_v[r, sl])
                return 0

            lax.fori_loop(0, NG, add_group, 0)
            start_write(c)
            return 0

        stage_idx(0)
        stage_idx(1)
        stage_idx(2)
        wait_idx(0)
        start_gather(0)
        wait_idx(1)
        start_gather(1)
        lax.fori_loop(0, N_CHUNKS, chunk_body, 0)
        wait_write(N_CHUNKS - 2)
        wait_write(N_CHUNKS - 1)

    return k


_sc_kernel = _make_kernel()


def kernel(tokens, segments, token_table, segment_table, pos_encoding):
    b, l = tokens.shape
    tok = tokens.reshape(-1).astype(jnp.int32)
    seg = segments.reshape(-1).astype(jnp.int32)
    pos = pos_encoding[0, :l]
    out = _sc_kernel(tok, seg, token_table, segment_table, pos)
    return out.reshape(b, l, EMBED)

# --- scband reference (transcript-rebuilt; emitter-appended) ---
"""Pipeline reference for scband-bert-embedding-26448408609025 (READ-ONLY COPY).

The authoritative reference and input builder live on the scoring server;
editing this copy changes nothing except your own understanding.
"""

import jax, jax.numpy as jnp
import numpy as np

VOCAB = 100000
EMBED = 64
MAX_LEN = 512
B, L = 4096, 200

def setup_inputs(seed: int = 0) -> dict:
    key = jax.random.key(seed)
    k1, k2, k3, k4, k5 = jax.random.split(key, 5)
    tokens = jax.random.randint(k1, (B, L), 0, VOCAB, dtype=jnp.int64 if jax.config.jax_enable_x64 else jnp.int32)
    segments = jax.random.randint(k2, (B, L), 0, 2, dtype=jnp.int64 if jax.config.jax_enable_x64 else jnp.int32)
    token_table = jax.random.normal(k3, (VOCAB, EMBED), dtype=jnp.float32)
    segment_table = jax.random.normal(k4, (2, EMBED), dtype=jnp.float32)
    pos_encoding = jax.random.normal(k5, (1, MAX_LEN, EMBED), dtype=jnp.float32)
    return {"tokens": tokens, "segments": segments, "token_table": token_table, "segment_table": segment_table, "pos_encoding": pos_encoding}

def reference(tokens, segments, token_table, segment_table, pos_encoding):
    X = jnp.take(token_table, tokens, axis=0) + jnp.take(segment_table, segments, axis=0)
    X = X + pos_encoding[:, :X.shape[1]]
    return X

if __name__ == "__main__":
    import jax
    _d = setup_inputs()
    print(jax.jit(kernel)(*tuple(_d.values())))

</pallas_src>

<mosaic_0001>
#map = affine_map<(d0, d1) -> (0)>
#map1 = affine_map<(d0, d1) -> (0, 0)>
module attributes {stable_mosaic.version = 14 : i64} {
  func.func @k(%arg0: i32, %arg1: i32, %arg2: memref<819200xi32, #tpu.memory_space<hbm>>, %arg3: memref<819200xi32, #tpu.memory_space<hbm>>, %arg4: memref<100000x64xf32, #tpu.memory_space<hbm>>, %arg5: memref<2x64xf32, #tpu.memory_space<hbm>>, %arg6: memref<200x64xf32, #tpu.memory_space<hbm>>, %arg7: memref<819200x64xf32, #tpu.memory_space<hbm>>, %arg8: memref<4x128xi32, #tpu.memory_space<vmem>>, %arg9: memref<4x128xi32, #tpu.memory_space<vmem>>, %arg10: memref<4x128x64xf32, #tpu.memory_space<vmem>>, %arg11: memref<400x64xf32, #tpu.memory_space<vmem>>, %arg12: memref<2x64xf32, #tpu.memory_space<vmem>>, %arg13: memref<!tpu.dma_semaphore, #tpu.memory_space<semaphore_mem>>, %arg14: memref<!tpu.dma_semaphore, #tpu.memory_space<semaphore_mem>>, %arg15: memref<!tpu.dma_semaphore, #tpu.memory_space<semaphore_mem>>, %arg16: memref<!tpu.dma_semaphore, #tpu.memory_space<semaphore_mem>>) attributes {dimension_semantics = [#tpu.dimension_semantics<core_parallel>, #tpu.dimension_semantics<subcore_parallel>], iteration_bounds = array<i64: 2, 16>, scalar_prefetch = 0 : i64, scratch_operands = 9 : i64, tpu.core_type = #tpu.core_type<sc_vector_subcore>, window_params = [{transform_indices = #map}, {transform_indices = #map}, {transform_indices = #map1}, {transform_indices = #map1}, {transform_indices = #map1}, {transform_indices = #map1}]} {
    %mul3A = arith.constant 2 : i32
    %mul3A_0 = arith.muli %arg1, %mul3A : i32
    %add3A = arith.addi %mul3A_0, %arg0 : i32
    %mul3A_1 = arith.constant 25600 : i32
    %mul3A_2 = arith.muli %add3A, %mul3A_1 : i32
    "tpu.region"() ({
      %run_scoped3A = tpu.sem_alloc : memref<!tpu.dma_semaphore, #tpu.memory_space<semaphore_mem>>
      tpu.enqueue_dma source(%arg5 : memref<2x64xf32, #tpu.memory_space<hbm>>) target(%arg12 : memref<2x64xf32, #tpu.memory_space<vmem>>) target_semaphore(%run_scoped3A : memref<!tpu.dma_semaphore, #tpu.memory_space<semaphore_mem>>)
      tpu.wait_dma2 semaphore(%run_scoped3A : memref<!tpu.dma_semaphore, #tpu.memory_space<semaphore_mem>>) src(%arg5 : memref<2x64xf32, #tpu.memory_space<hbm>>) dst(%arg12 : memref<2x64xf32, #tpu.memory_space<vmem>>)
      tpu.yield
    }) : () -> ()
    "tpu.region"() ({
      %run_scoped3A = tpu.sem_alloc : memref<!tpu.dma_semaphore, #tpu.memory_space<semaphore_mem>>
      %dma_start3A_178 = arith.constant 0 : i32
      %dma_start3A_179 = arith.constant 0 : i32
      %dma_start3A_180 = tpu.memref_slice %arg11[%dma_start3A_178, %dma_start3A_179] : memref<400x64xf32, #tpu.memory_space<vmem>> -> memref<200x64xf32, #tpu.memory_space<vmem>>
      %dma_start3A_181 = arith.constant 0 : i32
      %dma_start3A_182 = arith.constant 0 : i32
      %dma_start3A_183 = tpu.memref_slice %arg11[%dma_start3A_181, %dma_start3A_182] : memref<400x64xf32, #tpu.memory_space<vmem>> -> memref<200x64xf32, #tpu.memory_space<vmem>>
      tpu.enqueue_dma source(%arg6 : memref<200x64xf32, #tpu.memory_space<hbm>>) target(%dma_start3A_183 : memref<200x64xf32, #tpu.memory_space<vmem>>) target_semaphore(%run_scoped3A : memref<!tpu.dma_semaphore, #tpu.memory_space<semaphore_mem>>)
      %dma_wait3A_184 = arith.constant 0 : i32
      %dma_wait3A_185 = arith.constant 0 : i32
      %dma_wait3A_186 = tpu.memref_slice %arg11[%dma_wait3A_184, %dma_wait3A_185] : memref<400x64xf32, #tpu.memory_space<vmem>> -> memref<200x64xf32, #tpu.memory_space<vmem>>
      %dma_wait3A_187 = arith.constant 0 : i32
      %dma_wait3A_188 = arith.constant 0 : i32
      %dma_wait3A_189 = tpu.memref_slice %arg11[%dma_wait3A_187, %dma_wait3A_188] : memref<400x64xf32, #tpu.memory_space<vmem>> -> memref<200x64xf32, #tpu.memory_space<vmem>>
      tpu.wait_dma2 semaphore(%run_scoped3A : memref<!tpu.dma_semaphore, #tpu.memory_space<semaphore_mem>>) src(%arg6 : memref<200x64xf32, #tpu.memory_space<hbm>>) dst(%dma_wait3A_189 : memref<200x64xf32, #tpu.memory_space<vmem>>)
      tpu.yield
    }) : () -> ()
    "tpu.region"() ({
      %run_scoped3A = tpu.sem_alloc : memref<!tpu.dma_semaphore, #tpu.memory_space<semaphore_mem>>
      %dma_start3A_178 = arith.constant 200 : i32
      %dma_start3A_179 = arith.constant 0 : i32
      %dma_start3A_180 = tpu.memref_slice %arg11[%dma_start3A_178, %dma_start3A_179] : memref<400x64xf32, #tpu.memory_space<vmem>> -> memref<200x64xf32, #tpu.memory_space<vmem>>
      %dma_start3A_181 = arith.constant 200 : i32
      %dma_start3A_182 = arith.constant 0 : i32
      %dma_start3A_183 = tpu.memref_slice %arg11[%dma_start3A_181, %dma_start3A_182] : memref<400x64xf32, #tpu.memory_space<vmem>> -> memref<200x64xf32, #tpu.memory_space<vmem>>
      tpu.enqueue_dma source(%arg6 : memref<200x64xf32, #tpu.memory_space<hbm>>) target(%dma_start3A_183 : memref<200x64xf32, #tpu.memory_space<vmem>>) target_semaphore(%run_scoped3A : memref<!tpu.dma_semaphore, #tpu.memory_space<semaphore_mem>>)
      %dma_wait3A_184 = arith.constant 200 : i32
      %dma_wait3A_185 = arith.constant 0 : i32
      %dma_wait3A_186 = tpu.memref_slice %arg11[%dma_wait3A_184, %dma_wait3A_185] : memref<400x64xf32, #tpu.memory_space<vmem>> -> memref<200x64xf32, #tpu.memory_space<vmem>>
      %dma_wait3A_187 = arith.constant 200 : i32
      %dma_wait3A_188 = arith.constant 0 : i32
      %dma_wait3A_189 = tpu.memref_slice %arg11[%dma_wait3A_187, %dma_wait3A_188] : memref<400x64xf32, #tpu.memory_space<vmem>> -> memref<200x64xf32, #tpu.memory_space<vmem>>
      tpu.wait_dma2 semaphore(%run_scoped3A : memref<!tpu.dma_semaphore, #tpu.memory_space<semaphore_mem>>) src(%arg6 : memref<200x64xf32, #tpu.memory_space<hbm>>) dst(%dma_wait3A_189 : memref<200x64xf32, #tpu.memory_space<vmem>>)
      tpu.yield
    }) : () -> ()
    %scan3A = arith.constant 0 : i32
    %scan3A_3 = arith.constant 0 : i32
    %scan3A_4 = arith.constant 200 : i32
    %scan3A_5 = arith.addi %scan3A_3, %scan3A_4 : i32
    %scan3A_6 = arith.constant 1 : i32
    %scan3A_7 = scf.for %scan3A_178 = %scan3A_3 to %scan3A_5 step %scan3A_6 iter_args(%scan3A_179 = %scan3A) -> (i32)  : i32 {
      %get3A = arith.index_cast %scan3A_178 : i32 to index
      %get3A_180 = arith.constant 0 : index
      %get3A_181 = tpu.vector_load %arg11[%get3A, %get3A_180] {strides = array<i32>} : memref<400x64xf32, #tpu.memory_space<vmem>>, vector<1x16xf32>,
      %get3A_182 = vector.shape_cast %get3A_181 : vector<1x16xf32> to vector<16xf32>
      %get3A_183 = arith.constant 0 : i32
      %get3A_184 = arith.index_cast %get3A_183 : i32 to index
      %get3A_185 = arith.constant 0 : index
      %get3A_186 = tpu.vector_load %arg12[%get3A_184, %get3A_185] {strides = array<i32>} : memref<2x64xf32, #tpu.memory_space<vmem>>, vector<1x16xf32>,
      %get3A_187 = vector.shape_cast %get3A_186 : vector<1x16xf32> to vector<16xf32>
      %add3A_188 = arith.addf %get3A_182, %get3A_187 : vector<16xf32>
      %swap3A = arith.index_cast %scan3A_178 : i32 to index
      %swap3A_189 = arith.constant 0 : index
      %swap3A_190 = tpu.vector_load %arg11[%swap3A, %swap3A_189] {strides = array<i32>} : memref<400x64xf32, #tpu.memory_space<vmem>>, vector<1x16xf32>,
      %swap3A_191 = vector.shape_cast %swap3A_190 : vector<1x16xf32> to vector<16xf32>
      %swap3A_192 = vector.shape_cast %add3A_188 : vector<16xf32> to vector<1x16xf32>
      tpu.vector_store %arg11[%swap3A, %swap3A_189], %swap3A_192 {strides = array<i32>} : memref<400x64xf32, #tpu.memory_space<vmem>>, vector<1x16xf32>,
      %add3A_193 = arith.constant 200 : i32
      %add3A_194 = arith.addi %add3A_193, %scan3A_178 : i32
      %get3A_195 = arith.index_cast %add3A_194 : i32 to index
      %get3A_196 = arith.constant 0 : index
      %get3A_197 = tpu.vector_load %arg11[%get3A_195, %get3A_196] {strides = array<i32>} : memref<400x64xf32, #tpu.memory_space<vmem>>, vector<1x16xf32>,
      %get3A_198 = vector.shape_cast %get3A_197 : vector<1x16xf32> to vector<16xf32>
      %get3A_199 = arith.constant 1 : i32
      %get3A_200 = arith.index_cast %get3A_199 : i32 to index
      %get3A_201 = arith.constant 0 : index
      %get3A_202 = tpu.vector_load %arg12[%get3A_200, %get3A_201] {strides = array<i32>} : memref<2x64xf32, #tpu.memory_space<vmem>>, vector<1x16xf32>,
      %get3A_203 = vector.shape_cast %get3A_202 : vector<1x16xf32> to vector<16xf32>
      %add3A_204 = arith.addf %get3A_198, %get3A_203 : vector<16xf32>
      %add3A_205 = arith.constant 200 : i32
      %add3A_206 = arith.addi %add3A_205, %scan3A_178 : i32
      %swap3A_207 = arith.index_cast %add3A_206 : i32 to index
      %swap3A_208 = arith.constant 0 : index
      %swap3A_209 = tpu.vector_load %arg11[%swap3A_207, %swap3A_208] {strides = array<i32>} : memref<400x64xf32, #tpu.memory_space<vmem>>, vector<1x16xf32>,
      %swap3A_210 = vector.shape_cast %swap3A_209 : vector<1x16xf32> to vector<16xf32>
      %swap3A_211 = vector.shape_cast %add3A_204 : vector<16xf32> to vector<1x16xf32>
      tpu.vector_store %arg11[%swap3A_207, %swap3A_208], %swap3A_211 {strides = array<i32>} : memref<400x64xf32, #tpu.memory_space<vmem>>, vector<1x16xf32>,
      %get3A_212 = arith.index_cast %scan3A_178 : i32 to index
      %get3A_213 = arith.constant 16 : index
      %get3A_214 = tpu.vector_load %arg11[%get3A_212, %get3A_213] {strides = array<i32>} : memref<400x64xf32, #tpu.memory_space<vmem>>, vector<1x16xf32>,
      %get3A_215 = vector.shape_cast %get3A_214 : vector<1x16xf32> to vector<16xf32>
      %get3A_216 = arith.constant 0 : i32
      %get3A_217 = arith.index_cast %get3A_216 : i32 to index
      %get3A_218 = arith.constant 16 : index
      %get3A_219 = tpu.vector_load %arg12[%get3A_217, %get3A_218] {strides = array<i32>} : memref<2x64xf32, #tpu.memory_space<vmem>>, vector<1x16xf32>,
      %get3A_220 = vector.shape_cast %get3A_219 : vector<1x16xf32> to vector<16xf32>
      %add3A_221 = arith.addf %get3A_215, %get3A_220 : vector<16xf32>
      %swap3A_222 = arith.index_cast %scan3A_178 : i32 to index
      %swap3A_223 = arith.constant 16 : index
      %swap3A_224 = tpu.vector_load %arg11[%swap3A_222, %swap3A_223] {strides = array<i32>} : memref<400x64xf32, #tpu.memory_space<vmem>>, vector<1x16xf32>,
      %swap3A_225 = vector.shape_cast %swap3A_224 : vector<1x16xf32> to vector<16xf32>
      %swap3A_226 = vector.shape_cast %add3A_221 : vector<16xf32> to vector<1x16xf32>
      tpu.vector_store %arg11[%swap3A_222, %swap3A_223], %swap3A_226 {strides = array<i32>} : memref<400x64xf32, #tpu.memory_space<vmem>>, vector<1x16xf32>,
      %add3A_227 = arith.constant 200 : i32
      %add3A_228 = arith.addi %add3A_227, %scan3A_178 : i32
      %get3A_229 = arith.index_cast %add3A_228 : i32 to index
      %get3A_230 = arith.constant 16 : index
      %get3A_231 = tpu.vector_load %arg11[%get3A_229, %get3A_230] {strides = array<i32>} : memref<400x64xf32, #tpu.memory_space<vmem>>, vector<1x16xf32>,
      %get3A_232 = vector.shape_cast %get3A_231 : vector<1x16xf32> to vector<16xf32>
      %get3A_233 = arith.constant 1 : i32
      %get3A_234 = arith.index_cast %get3A_233 : i32 to index
      %get3A_235 = arith.constant 16 : index
      %get3A_236 = tpu.vector_load %arg12[%get3A_234, %get3A_235] {strides = array<i32>} : memref<2x64xf32, #tpu.memory_space<vmem>>, vector<1x16xf32>,
      %get3A_237 = vector.shape_cast %get3A_236 : vector<1x16xf32> to vector<16xf32>
      %add3A_238 = arith.addf %get3A_232, %get3A_237 : vector<16xf32>
      %add3A_239 = arith.constant 200 : i32
      %add3A_240 = arith.addi %add3A_239, %scan3A_178 : i32
      %swap3A_241 = arith.index_cast %add3A_240 : i32 to index
      %swap3A_242 = arith.constant 16 : index
      %swap3A_243 = tpu.vector_load %arg11[%swap3A_241, %swap3A_242] {strides = array<i32>} : memref<400x64xf32, #tpu.memory_space<vmem>>, vector<1x16xf32>,
      %swap3A_244 = vector.shape_cast %swap3A_243 : vector<1x16xf32> to vector<16xf32>
      %swap3A_245 = vector.shape_cast %add3A_238 : vector<16xf32> to vector<1x16xf32>
      tpu.vector_store %arg11[%swap3A_241, %swap3A_242], %swap3A_245 {strides = array<i32>} : memref<400x64xf32, #tpu.memory_space<vmem>>, vector<1x16xf32>,
      %get3A_246 = arith.index_cast %scan3A_178 : i32 to index
      %get3A_247 = arith.constant 32 : index
      %get3A_248 = tpu.vector_load %arg11[%get3A_246, %get3A_247] {strides = array<i32>} : memref<400x64xf32, #tpu.memory_space<vmem>>, vector<1x16xf32>,
      %get3A_249 = vector.shape_cast %get3A_248 : vector<1x16xf32> to vector<16xf32>
      %get3A_250 = arith.constant 0 : i32
      %get3A_251 = arith.index_cast %get3A_250 : i32 to index
      %get3A_252 = arith.constant 32 : index
      %get3A_253 = tpu.vector_load %arg12[%get3A_251, %get3A_252] {strides = array<i32>} : memref<2x64xf32, #tpu.memory_space<vmem>>, vector<1x16xf32>,
      %get3A_254 = vector.shape_cast %get3A_253 : vector<1x16xf32> to vector<16xf32>
      %add3A_255 = arith.addf %get3A_249, %get3A_254 : vector<16xf32>
      %swap3A_256 = arith.index_cast %scan3A_178 : i32 to index
      %swap3A_257 = arith.constant 32 : index
      %swap3A_258 = tpu.vector_load %arg11[%swap3A_256, %swap3A_257] {strides = array<i32>} : memref<400x64xf32, #tpu.memory_space<vmem>>, vector<1x16xf32>,
      %swap3A_259 = vector.shape_cast %swap3A_258 : vector<1x16xf32> to vector<16xf32>
      %swap3A_260 = vector.shape_cast %add3A_255 : vector<16xf32> to vector<1x16xf32>
      tpu.vector_store %arg11[%swap3A_256, %swap3A_257], %swap3A_260 {strides = array<i32>} : memref<400x64xf32, #tpu.memory_space<vmem>>, vector<1x16xf32>,
      %add3A_261 = arith.constant 200 : i32
      %add3A_262 = arith.addi %add3A_261, %scan3A_178 : i32
      %get3A_263 = arith.index_cast %add3A_262 : i32 to index
      %get3A_264 = arith.constant 32 : index
      %get3A_265 = tpu.vector_load %arg11[%get3A_263, %get3A_264] {strides = array<i32>} : memref<400x64xf32, #tpu.memory_space<vmem>>, vector<1x16xf32>,
      %get3A_266 = vector.shape_cast %get3A_265 : vector<1x16xf32> to vector<16xf32>
      %get3A_267 = arith.constant 1 : i32
      %get3A_268 = arith.index_cast %get3A_267 : i32 to index
      %get3A_269 = arith.constant 32 : index
      %get3A_270 = tpu.vector_load %arg12[%get3A_268, %get3A_269] {strides = array<i32>} : memref<2x64xf32, #tpu.memory_space<vmem>>, vector<1x16xf32>,
      %get3A_271 = vector.shape_cast %get3A_270 : vector<1x16xf32> to vector<16xf32>
      %add3A_272 = arith.addf %get3A_266, %get3A_271 : vector<16xf32>
      %add3A_273 = arith.constant 200 : i32
      %add3A_274 = arith.addi %add3A_273, %scan3A_178 : i32
      %swap3A_275 = arith.index_cast %add3A_274 : i32 to index
      %swap3A_276 = arith.constant 32 : index
      %swap3A_277 = tpu.vector_load %arg11[%swap3A_275, %swap3A_276] {strides = array<i32>} : memref<400x64xf32, #tpu.memory_space<vmem>>, vector<1x16xf32>,
      %swap3A_278 = vector.shape_cast %swap3A_277 : vector<1x16xf32> to vector<16xf32>
      %swap3A_279 = vector.shape_cast %add3A_272 : vector<16xf32> to vector<1x16xf32>
      tpu.vector_store %arg11[%swap3A_275, %swap3A_276], %swap3A_279 {strides = array<i32>} : memref<400x64xf32, #tpu.memory_space<vmem>>, vector<1x16xf32>,
      %get3A_280 = arith.index_cast %scan3A_178 : i32 to index
      %get3A_281 = arith.constant 48 : index
      %get3A_282 = tpu.vector_load %arg11[%get3A_280, %get3A_281] {strides = array<i32>} : memref<400x64xf32, #tpu.memory_space<vmem>>, vector<1x16xf32>,
      %get3A_283 = vector.shape_cast %get3A_282 : vector<1x16xf32> to vector<16xf32>
      %get3A_284 = arith.constant 0 : i32
      %get3A_285 = arith.index_cast %get3A_284 : i32 to index
      %get3A_286 = arith.constant 48 : index
      %get3A_287 = tpu.vector_load %arg12[%get3A_285, %get3A_286] {strides = array<i32>} : memref<2x64xf32, #tpu.memory_space<vmem>>, vector<1x16xf32>,
      %get3A_288 = vector.shape_cast %get3A_287 : vector<1x16xf32> to vector<16xf32>
      %add3A_289 = arith.addf %get3A_283, %get3A_288 : vector<16xf32>
      %swap3A_290 = arith.index_cast %scan3A_178 : i32 to index
      %swap3A_291 = arith.constant 48 : index
      %swap3A_292 = tpu.vector_load %arg11[%swap3A_290, %swap3A_291] {strides = array<i32>} : memref<400x64xf32, #tpu.memory_space<vmem>>, vector<1x16xf32>,
      %swap3A_293 = vector.shape_cast %swap3A_292 : vector<1x16xf32> to vector<16xf32>
      %swap3A_294 = vector.shape_cast %add3A_289 : vector<16xf32> to vector<1x16xf32>
      tpu.vector_store %arg11[%swap3A_290, %swap3A_291], %swap3A_294 {strides = array<i32>} : memref<400x64xf32, #tpu.memory_space<vmem>>, vector<1x16xf32>,
      %add3A_295 = arith.constant 200 : i32
      %add3A_296 = arith.addi %add3A_295, %scan3A_178 : i32
      %get3A_297 = arith.index_cast %add3A_296 : i32 to index
      %get3A_298 = arith.constant 48 : index
      %get3A_299 = tpu.vector_load %arg11[%get3A_297, %get3A_298] {strides = array<i32>} : memref<400x64xf32, #tpu.memory_space<vmem>>, vector<1x16xf32>,
      %get3A_300 = vector.shape_cast %get3A_299 : vector<1x16xf32> to vector<16xf32>
      %get3A_301 = arith.constant 1 : i32
      %get3A_302 = arith.index_cast %get3A_301 : i32 to index
      %get3A_303 = arith.constant 48 : index
      %get3A_304 = tpu.vector_load %arg12[%get3A_302, %get3A_303] {strides = array<i32>} : memref<2x64xf32, #tpu.memory_space<vmem>>, vector<1x16xf32>,
      %get3A_305 = vector.shape_cast %get3A_304 : vector<1x16xf32> to vector<16xf32>
      %add3A_306 = arith.addf %get3A_300, %get3A_305 : vector<16xf32>
      %add3A_307 = arith.constant 200 : i32
      %add3A_308 = arith.addi %add3A_307, %scan3A_178 : i32
      %swap3A_309 = arith.index_cast %add3A_308 : i32 to index
      %swap3A_310 = arith.constant 48 : index
      %swap3A_311 = tpu.vector_load %arg11[%swap3A_309, %swap3A_310] {strides = array<i32>} : memref<400x64xf32, #tpu.memory_space<vmem>>, vector<1x16xf32>,
      %swap3A_312 = vector.shape_cast %swap3A_311 : vector<1x16xf32> to vector<16xf32>
      %swap3A_313 = vector.shape_cast %add3A_306 : vector<16xf32> to vector<1x16xf32>
      tpu.vector_store %arg11[%swap3A_309, %swap3A_310], %swap3A_313 {strides = array<i32>} : memref<400x64xf32, #tpu.memory_space<vmem>>, vector<1x16xf32>,
      %scan3A_314 = arith.constant 0 : i32
      scf.yield %scan3A_314 : i32
    }
    %scan3A_8 = arith.constant 200 : i32
    %rem3A = arith.constant 0 : i32
    %rem3A_9 = arith.constant 4 : i32
    %rem3A_10 = arith.remsi %rem3A, %rem3A_9 : i32
    %add3A_11 = arith.constant 0 : i32
    %add3A_12 = arith.addi %mul3A_2, %add3A_11 : i32
    %dma_start3A = arith.constant 0 : i32
    %dma_start3A_13 = tpu.memref_slice %arg8[%rem3A_10, %dma_start3A] : memref<4x128xi32, #tpu.memory_space<vmem>> -> memref<1x128xi32, #tpu.memory_space<vmem>>
    %dma_start3A_14 = tpu.memref_squeeze %dma_start3A_13 : memref<1x128xi32, #tpu.memory_space<vmem>> -> memref<128xi32, #tpu.memory_space<vmem>>
    %dma_start3A_15 = tpu.memref_slice %arg2[%add3A_12] : memref<819200xi32, #tpu.memory_space<hbm>> -> memref<128xi32, #tpu.memory_space<hbm>>
    %dma_start3A_16 = arith.constant 0 : i32
    %dma_start3A_17 = tpu.memref_slice %arg8[%rem3A_10, %dma_start3A_16] : memref<4x128xi32, #tpu.memory_space<vmem>> -> memref<1x128xi32, #tpu.memory_space<vmem>>
    %dma_start3A_18 = tpu.memref_squeeze %dma_start3A_17 : memref<1x128xi32, #tpu.memory_space<vmem>> -> memref<128xi32, #tpu.memory_space<vmem>>
    %dma_start3A_19 = tpu.memref_slice %arg2[%add3A_12] : memref<819200xi32, #tpu.memory_space<hbm>> -> memref<128xi32, #tpu.memory_space<hbm>>
    tpu.enqueue_dma source(%dma_start3A_19 : memref<128xi32, #tpu.memory_space<hbm>>) target(%dma_start3A_18 : memref<128xi32, #tpu.memory_space<vmem>>) target_semaphore(%arg13 : memref<!tpu.dma_semaphore, #tpu.memory_space<semaphore_mem>>)
    %dma_start3A_20 = arith.constant 0 : i32
    %dma_start3A_21 = tpu.memref_slice %arg9[%rem3A_10, %dma_start3A_20] : memref<4x128xi32, #tpu.memory_space<vmem>> -> memref<1x128xi32, #tpu.memory_space<vmem>>
    %dma_start3A_22 = tpu.memref_squeeze %dma_start3A_21 : memref<1x128xi32, #tpu.memory_space<vmem>> -> memref<128xi32, #tpu.memory_space<vmem>>
    %dma_start3A_23 = tpu.memref_slice %arg3[%add3A_12] : memref<819200xi32, #tpu.memory_space<hbm>> -> memref<128xi32, #tpu.memory_space<hbm>>
    %dma_start3A_24 = arith.constant 0 : i32
    %dma_start3A_25 = tpu.memref_slice %arg9[%rem3A_10, %dma_start3A_24] : memref<4x128xi32, #tpu.memory_space<vmem>> -> memref<1x128xi32, #tpu.memory_space<vmem>>
    %dma_start3A_26 = tpu.memref_squeeze %dma_start3A_25 : memref<1x128xi32, #tpu.memory_space<vmem>> -> memref<128xi32, #tpu.memory_space<vmem>>
    %dma_start3A_27 = tpu.memref_slice %arg3[%add3A_12] : memref<819200xi32, #tpu.memory_space<hbm>> -> memref<128xi32, #tpu.memory_space<hbm>>
    tpu.enqueue_dma source(%dma_start3A_27 : memref<128xi32, #tpu.memory_space<hbm>>) target(%dma_start3A_26 : memref<128xi32, #tpu.memory_space<vmem>>) target_semaphore(%arg14 : memref<!tpu.dma_semaphore, #tpu.memory_space<semaphore_mem>>)
    %rem3A_28 = arith.constant 1 : i32
    %rem3A_29 = arith.constant 4 : i32
    %rem3A_30 = arith.remsi %rem3A_28, %rem3A_29 : i32
    %add3A_31 = arith.constant 128 : i32
    %add3A_32 = arith.addi %mul3A_2, %add3A_31 : i32
    %dma_start3A_33 = arith.constant 0 : i32
    %dma_start3A_34 = tpu.memref_slice %arg8[%rem3A_30, %dma_start3A_33] : memref<4x128xi32, #tpu.memory_space<vmem>> -> memref<1x128xi32, #tpu.memory_space<vmem>>
    %dma_start3A_35 = tpu.memref_squeeze %dma_start3A_34 : memref<1x128xi32, #tpu.memory_space<vmem>> -> memref<128xi32, #tpu.memory_space<vmem>>
    %dma_start3A_36 = tpu.memref_slice %arg2[%add3A_32] : memref<819200xi32, #tpu.memory_space<hbm>> -> memref<128xi32, #tpu.memory_space<hbm>>
    %dma_start3A_37 = arith.constant 0 : i32
    %dma_start3A_38 = tpu.memref_slice %arg8[%rem3A_30, %dma_start3A_37] : memref<4x128xi32, #tpu.memory_space<vmem>> -> memref<1x128xi32, #tpu.memory_space<vmem>>
    %dma_start3A_39 = tpu.memref_squeeze %dma_start3A_38 : memref<1x128xi32, #tpu.memory_space<vmem>> -> memref<128xi32, #tpu.memory_space<vmem>>
    %dma_start3A_40 = tpu.memref_slice %arg2[%add3A_32] : memref<819200xi32, #tpu.memory_space<hbm>> -> memref<128xi32, #tpu.memory_space<hbm>>
    tpu.enqueue_dma source(%dma_start3A_40 : memref<128xi32, #tpu.memory_space<hbm>>) target(%dma_start3A_39 : memref<128xi32, #tpu.memory_space<vmem>>) target_semaphore(%arg13 : memref<!tpu.dma_semaphore, #tpu.memory_space<semaphore_mem>>)
    %dma_start3A_41 = arith.constant 0 : i32
    %dma_start3A_42 = tpu.memref_slice %arg9[%rem3A_30, %dma_start3A_41] : memref<4x128xi32, #tpu.memory_space<vmem>> -> memref<1x128xi32, #tpu.memory_space<vmem>>
    %dma_start3A_43 = tpu.memref_squeeze %dma_start3A_42 : memref<1x128xi32, #tpu.memory_space<vmem>> -> memref<128xi32, #tpu.memory_space<vmem>>
    %dma_start3A_44 = tpu.memref_slice %arg3[%add3A_32] : memref<819200xi32, #tpu.memory_space<hbm>> -> memref<128xi32, #tpu.memory_space<hbm>>
    %dma_start3A_45 = arith.constant 0 : i32
    %dma_start3A_46 = tpu.memref_slice %arg9[%rem3A_30, %dma_start3A_45] : memref<4x128xi32, #tpu.memory_space<vmem>> -> memref<1x128xi32, #tpu.memory_space<vmem>>
    %dma_start3A_47 = tpu.memref_squeeze %dma_start3A_46 : memref<1x128xi32, #tpu.memory_space<vmem>> -> memref<128xi32, #tpu.memory_space<vmem>>
    %dma_start3A_48 = tpu.memref_slice %arg3[%add3A_32] : memref<819200xi32, #tpu.memory_space<hbm>> -> memref<128xi32, #tpu.memory_space<hbm>>
    tpu.enqueue_dma source(%dma_start3A_48 : memref<128xi32, #tpu.memory_space<hbm>>) target(%dma_start3A_47 : memref<128xi32, #tpu.memory_space<vmem>>) target_semaphore(%arg14 : memref<!tpu.dma_semaphore, #tpu.memory_space<semaphore_mem>>)
    %rem3A_49 = arith.constant 2 : i32
    %rem3A_50 = arith.constant 4 : i32
    %rem3A_51 = arith.remsi %rem3A_49, %rem3A_50 : i32
    %add3A_52 = arith.constant 256 : i32
    %add3A_53 = arith.addi %mul3A_2, %add3A_52 : i32
    %dma_start3A_54 = arith.constant 0 : i32
    %dma_start3A_55 = tpu.memref_slice %arg8[%rem3A_51, %dma_start3A_54] : memref<4x128xi32, #tpu.memory_space<vmem>> -> memref<1x128xi32, #tpu.memory_space<vmem>>
    %dma_start3A_56 = tpu.memref_squeeze %dma_start3A_55 : memref<1x128xi32, #tpu.memory_space<vmem>> -> memref<128xi32, #tpu.memory_space<vmem>>
    %dma_start3A_57 = tpu.memref_slice %arg2[%add3A_53] : memref<819200xi32, #tpu.memory_space<hbm>> -> memref<128xi32, #tpu.memory_space<hbm>>
    %dma_start3A_58 = arith.constant 0 : i32
    %dma_start3A_59 = tpu.memref_slice %arg8[%rem3A_51, %dma_start3A_58] : memref<4x128xi32, #tpu.memory_space<vmem>> -> memref<1x128xi32, #tpu.memory_space<vmem>>
    %dma_start3A_60 = tpu.memref_squeeze %dma_start3A_59 : memref<1x128xi32, #tpu.memory_space<vmem>> -> memref<128xi32, #tpu.memory_space<vmem>>
    %dma_start3A_61 = tpu.memref_slice %arg2[%add3A_53] : memref<819200xi32, #tpu.memory_space<hbm>> -> memref<128xi32, #tpu.memory_space<hbm>>
    tpu.enqueue_dma source(%dma_start3A_61 : memref<128xi32, #tpu.memory_space<hbm>>) target(%dma_start3A_60 : memref<128xi32, #tpu.memory_space<vmem>>) target_semaphore(%arg13 : memref<!tpu.dma_semaphore, #tpu.memory_space<semaphore_mem>>)
    %dma_start3A_62 = arith.constant 0 : i32
    %dma_start3A_63 = tpu.memref_slice %arg9[%rem3A_51, %dma_start3A_62] : memref<4x128xi32, #tpu.memory_space<vmem>> -> memref<1x128xi32, #tpu.memory_space<vmem>>
    %dma_start3A_64 = tpu.memref_squeeze %dma_start3A_63 : memref<1x128xi32, #tpu.memory_space<vmem>> -> memref<128xi32, #tpu.memory_space<vmem>>
    %dma_start3A_65 = tpu.memref_slice %arg3[%add3A_53] : memref<819200xi32, #tpu.memory_space<hbm>> -> memref<128xi32, #tpu.memory_space<hbm>>
    %dma_start3A_66 = arith.constant 0 : i32
    %dma_start3A_67 = tpu.memref_slice %arg9[%rem3A_51, %dma_start3A_66] : memref<4x128xi32, #tpu.memory_space<vmem>> -> memref<1x128xi32, #tpu.memory_space<vmem>>
    %dma_start3A_68 = tpu.memref_squeeze %dma_start3A_67 : memref<1x128xi32, #tpu.memory_space<vmem>> -> memref<128xi32, #tpu.memory_space<vmem>>
    %dma_start3A_69 = tpu.memref_slice %arg3[%add3A_53] : memref<819200xi32, #tpu.memory_space<hbm>> -> memref<128xi32, #tpu.memory_space<hbm>>
    tpu.enqueue_dma source(%dma_start3A_69 : memref<128xi32, #tpu.memory_space<hbm>>) target(%dma_start3A_68 : memref<128xi32, #tpu.memory_space<vmem>>) target_semaphore(%arg14 : memref<!tpu.dma_semaphore, #tpu.memory_space<semaphore_mem>>)
    %rem3A_70 = arith.constant 0 : i32
    %rem3A_71 = arith.constant 4 : i32
    %rem3A_72 = arith.remsi %rem3A_70, %rem3A_71 : i32
    %add3A_73 = arith.constant 0 : i32
    %add3A_74 = arith.addi %mul3A_2, %add3A_73 : i32
    %dma_wait3A = arith.constant 0 : i32
    %dma_wait3A_75 = tpu.memref_slice %arg8[%rem3A_72, %dma_wait3A] : memref<4x128xi32, #tpu.memory_space<vmem>> -> memref<1x128xi32, #tpu.memory_space<vmem>>
    %dma_wait3A_76 = tpu.memref_squeeze %dma_wait3A_75 : memref<1x128xi32, #tpu.memory_space<vmem>> -> memref<128xi32, #tpu.memory_space<vmem>>
    %dma_wait3A_77 = tpu.memref_slice %arg2[%add3A_74] : memref<819200xi32, #tpu.memory_space<hbm>> -> memref<128xi32, #tpu.memory_space<hbm>>
    %dma_wait3A_78 = arith.constant 0 : i32
    %dma_wait3A_79 = tpu.memref_slice %arg8[%rem3A_72, %dma_wait3A_78] : memref<4x128xi32, #tpu.memory_space<vmem>> -> memref<1x128xi32, #tpu.memory_space<vmem>>
    %dma_wait3A_80 = tpu.memref_squeeze %dma_wait3A_79 : memref<1x128xi32, #tpu.memory_space<vmem>> -> memref<128xi32, #tpu.memory_space<vmem>>
    %dma_wait3A_81 = tpu.memref_slice %arg2[%add3A_74] : memref<819200xi32, #tpu.memory_space<hbm>> -> memref<128xi32, #tpu.memory_space<hbm>>
    tpu.wait_dma2 semaphore(%arg13 : memref<!tpu.dma_semaphore, #tpu.memory_space<semaphore_mem>>) src(%dma_wait3A_81 : memref<128xi32, #tpu.memory_space<hbm>>) dst(%dma_wait3A_80 : memref<128xi32, #tpu.memory_space<vmem>>)
    %dma_wait3A_82 = arith.constant 0 : i32
    %dma_wait3A_83 = tpu.memref_slice %arg9[%rem3A_72, %dma_wait3A_82] : memref<4x128xi32, #tpu.memory_space<vmem>> -> memref<1x128xi32, #tpu.memory_space<vmem>>
    %dma_wait3A_84 = tpu.memref_squeeze %dma_wait3A_83 : memref<1x128xi32, #tpu.memory_space<vmem>> -> memref<128xi32, #tpu.memory_space<vmem>>
    %dma_wait3A_85 = tpu.memref_slice %arg3[%add3A_74] : memref<819200xi32, #tpu.memory_space<hbm>> -> memref<128xi32, #tpu.memory_space<hbm>>
    %dma_wait3A_86 = arith.constant 0 : i32
    %dma_wait3A_87 = tpu.memref_slice %arg9[%rem3A_72, %dma_wait3A_86] : memref<4x128xi32, #tpu.memory_space<vmem>> -> memref<1x128xi32, #tpu.memory_space<vmem>>
    %dma_wait3A_88 = tpu.memref_squeeze %dma_wait3A_87 : memref<1x128xi32, #tpu.memory_space<vmem>> -> memref<128xi32, #tpu.memory_space<vmem>>
    %dma_wait3A_89 = tpu.memref_slice %arg3[%add3A_74] : memref<819200xi32, #tpu.memory_space<hbm>> -> memref<128xi32, #tpu.memory_space<hbm>>
    tpu.wait_dma2 semaphore(%arg14 : memref<!tpu.dma_semaphore, #tpu.memory_space<semaphore_mem>>) src(%dma_wait3A_89 : memref<128xi32, #tpu.memory_space<hbm>>) dst(%dma_wait3A_88 : memref<128xi32, #tpu.memory_space<vmem>>)
    %rem3A_90 = arith.constant 0 : i32
    %rem3A_91 = arith.constant 4 : i32
    %rem3A_92 = arith.remsi %rem3A_90, %rem3A_91 : i32
    %dma_start3A_93 = arith.constant 0 : i32
    %dma_start3A_94 = arith.constant 0 : i32
    %dma_start3A_95 = tpu.memref_slice %arg10[%rem3A_92, %dma_start3A_93, %dma_start3A_94] : memref<4x128x64xf32, #tpu.memory_space<vmem>> -> memref<1x128x64xf32, #tpu.memory_space<vmem>>
    %dma_start3A_96 = tpu.memref_squeeze %dma_start3A_95 : memref<1x128x64xf32, #tpu.memory_space<vmem>> -> memref<128x64xf32, #tpu.memory_space<vmem>>
    %dma_start3A_97 = arith.constant 0 : i32
    %dma_start3A_98 = tpu.memref_slice %arg8[%rem3A_92, %dma_start3A_97] : memref<4x128xi32, #tpu.memory_space<vmem>> -> memref<1x128xi32, #tpu.memory_space<vmem>>
    %dma_start3A_99 = tpu.memref_squeeze %dma_start3A_98 : memref<1x128xi32, #tpu.memory_space<vmem>> -> memref<128xi32, #tpu.memory_space<vmem>>
    %dma_start3A_100 = arith.constant 0 : i32
    %dma_start3A_101 = arith.constant 0 : i32
    %dma_start3A_102 = tpu.memref_slice %arg4[%dma_start3A_100, %dma_start3A_101] : memref<100000x64xf32, #tpu.memory_space<hbm>> -> memref<100000x64xf32, #tpu.memory_space<hbm>>
    tpu.enqueue_indirect_dma source(%dma_start3A_102 : memref<100000x64xf32, #tpu.memory_space<hbm>>) target(%dma_start3A_96 : memref<128x64xf32, #tpu.memory_space<vmem>>) offsets(%dma_start3A_99 : memref<128xi32, #tpu.memory_space<vmem>>) semaphore(%arg15 : memref<!tpu.dma_semaphore, #tpu.memory_space<semaphore_mem>>)
    %rem3A_103 = arith.constant 1 : i32
    %rem3A_104 = arith.constant 4 : i32
    %rem3A_105 = arith.remsi %rem3A_103, %rem3A_104 : i32
    %add3A_106 = arith.constant 128 : i32
    %add3A_107 = arith.addi %mul3A_2, %add3A_106 : i32
    %dma_wait3A_108 = arith.constant 0 : i32
    %dma_wait3A_109 = tpu.memref_slice %arg8[%rem3A_105, %dma_wait3A_108] : memref<4x128xi32, #tpu.memory_space<vmem>> -> memref<1x128xi32, #tpu.memory_space<vmem>>
    %dma_wait3A_110 = tpu.memref_squeeze %dma_wait3A_109 : memref<1x128xi32, #tpu.memory_space<vmem>> -> memref<128xi32, #tpu.memory_space<vmem>>
    %dma_wait3A_111 = tpu.memref_slice %arg2[%add3A_107] : memref<819200xi32, #tpu.memory_space<hbm>> -> memref<128xi32, #tpu.memory_space<hbm>>
    %dma_wait3A_112 = arith.constant 0 : i32
    %dma_wait3A_113 = tpu.memref_slice %arg8[%rem3A_105, %dma_wait3A_112] : memref<4x128xi32, #tpu.memory_space<vmem>> -> memref<1x128xi32, #tpu.memory_space<vmem>>
    %dma_wait3A_114 = tpu.memref_squeeze %dma_wait3A_113 : memref<1x128xi32, #tpu.memory_space<vmem>> -> memref<128xi32, #tpu.memory_space<vmem>>
    %dma_wait3A_115 = tpu.memref_slice %arg2[%add3A_107] : memref<819200xi32, #tpu.memory_space<hbm>> -> memref<128xi32, #tpu.memory_space<hbm>>
    tpu.wait_dma2 semaphore(%arg13 : memref<!tpu.dma_semaphore, #tpu.memory_space<semaphore_mem>>) src(%dma_wait3A_115 : memref<128xi32, #tpu.memory_space<hbm>>) dst(%dma_wait3A_114 : memref<128xi32, #tpu.memory_space<vmem>>)
    %dma_wait3A_116 = arith.constant 0 : i32
    %dma_wait3A_117 = tpu.memref_slice %arg9[%rem3A_105, %dma_wait3A_116] : memref<4x128xi32, #tpu.memory_space<vmem>> -> memref<1x128xi32, #tpu.memory_space<vmem>>
    %dma_wait3A_118 = tpu.memref_squeeze %dma_wait3A_117 : memref<1x128xi32, #tpu.memory_space<vmem>> -> memref<128xi32, #tpu.memory_space<vmem>>
    %dma_wait3A_119 = tpu.memref_slice %arg3[%add3A_107] : memref<819200xi32, #tpu.memory_space<hbm>> -> memref<128xi32, #tpu.memory_space<hbm>>
    %dma_wait3A_120 = arith.constant 0 : i32
    %dma_wait3A_121 = tpu.memref_slice %arg9[%rem3A_105, %dma_wait3A_120] : memref<4x128xi32, #tpu.memory_space<vmem>> -> memref<1x128xi32, #tpu.memory_space<vmem>>
    %dma_wait3A_122 = tpu.memref_squeeze %dma_wait3A_121 : memref<1x128xi32, #tpu.memory_space<vmem>> -> memref<128xi32, #tpu.memory_space<vmem>>
    %dma_wait3A_123 = tpu.memref_slice %arg3[%add3A_107] : memref<819200xi32, #tpu.memory_space<hbm>> -> memref<128xi32, #tpu.memory_space<hbm>>
    tpu.wait_dma2 semaphore(%arg14 : memref<!tpu.dma_semaphore, #tpu.memory_space<semaphore_mem>>) src(%dma_wait3A_123 : memref<128xi32, #tpu.memory_space<hbm>>) dst(%dma_wait3A_122 : memref<128xi32, #tpu.memory_space<vmem>>)
    %rem3A_124 = arith.constant 1 : i32
    %rem3A_125 = arith.constant 4 : i32
    %rem3A_126 = arith.remsi %rem3A_124, %rem3A_125 : i32
    %dma_start3A_127 = arith.constant 0 : i32
    %dma_start3A_128 = arith.constant 0 : i32
    %dma_start3A_129 = tpu.memref_slice %arg10[%rem3A_126, %dma_start3A_127, %dma_start3A_128] : memref<4x128x64xf32, #tpu.memory_space<vmem>> -> memref<1x128x64xf32, #tpu.memory_space<vmem>>
    %dma_start3A_130 = tpu.memref_squeeze %dma_start3A_129 : memref<1x128x64xf32, #tpu.memory_space<vmem>> -> memref<128x64xf32, #tpu.memory_space<vmem>>
    %dma_start3A_131 = arith.constant 0 : i32
    %dma_start3A_132 = tpu.memref_slice %arg8[%rem3A_126, %dma_start3A_131] : memref<4x128xi32, #tpu.memory_space<vmem>> -> memref<1x128xi32, #tpu.memory_space<vmem>>
    %dma_start3A_133 = tpu.memref_squeeze %dma_start3A_132 : memref<1x128xi32, #tpu.memory_space<vmem>> -> memref<128xi32, #tpu.memory_space<vmem>>
    %dma_start3A_134 = arith.constant 0 : i32
    %dma_start3A_135 = arith.constant 0 : i32
    %dma_start3A_136 = tpu.memref_slice %arg4[%dma_start3A_134, %dma_start3A_135] : memref<100000x64xf32, #tpu.memory_space<hbm>> -> memref<100000x64xf32, #tpu.memory_space<hbm>>
    tpu.enqueue_indirect_dma source(%dma_start3A_136 : memref<100000x64xf32, #tpu.memory_space<hbm>>) target(%dma_start3A_130 : memref<128x64xf32, #tpu.memory_space<vmem>>) offsets(%dma_start3A_133 : memref<128xi32, #tpu.memory_space<vmem>>) semaphore(%arg15 : memref<!tpu.dma_semaphore, #tpu.memory_space<semaphore_mem>>)
    %scan3A_137 = arith.constant 0 : i32
    %scan3A_138 = arith.constant 0 : i32
    %scan3A_139 = arith.constant 200 : i32
    %scan3A_140 = arith.addi %scan3A_138, %scan3A_139 : i32
    %scan3A_141 = arith.constant 1 : i32
    %scan3A_142 = scf.for %scan3A_178 = %scan3A_138 to %scan3A_140 step %scan3A_141 iter_args(%scan3A_179 = %scan3A_137) -> (i32)  : i32 {
      %rem3A_180 = arith.constant 4 : i32
      %rem3A_181 = arith.remsi %scan3A_178, %rem3A_180 : i32
      %add3A_182 = arith.constant 3 : i32
      %add3A_183 = arith.addi %scan3A_178, %add3A_182 : i32
      %lt3A = arith.constant 200 : i32
      %lt3A_184 = arith.cmpi slt, %add3A_183, %lt3A : i32
      %convert_element_type3A = arith.extui %lt3A_184 : i1 to i32
      %cond3A = arith.constant 0 : i32
      %cond3A_185 = arith.cmpi ne, %convert_element_type3A, %cond3A : i32
      scf.if %cond3A_185 {
        %add3A_238 = arith.constant 3 : i32
        %add3A_239 = arith.addi %scan3A_178, %add3A_238 : i32
        %rem3A_240 = arith.constant 4 : i32
        %rem3A_241 = arith.remsi %add3A_239, %rem3A_240 : i32
        %mul3A_242 = arith.constant 128 : i32
        %mul3A_243 = arith.muli %add3A_239, %mul3A_242 : i32
        %add3A_244 = arith.addi %mul3A_2, %mul3A_243 : i32
        %dma_start3A_245 = arith.constant 0 : i32
        %dma_start3A_246 = tpu.memref_slice %arg8[%rem3A_241, %dma_start3A_245] : memref<4x128xi32, #tpu.memory_space<vmem>> -> memref<1x128xi32, #tpu.memory_space<vmem>>
        %dma_start3A_247 = tpu.memref_squeeze %dma_start3A_246 : memref<1x128xi32, #tpu.memory_space<vmem>> -> memref<128xi32, #tpu.memory_space<vmem>>
        %dma_start3A_248 = tpu.memref_slice %arg2[%add3A_244] : memref<819200xi32, #tpu.memory_space<hbm>> -> memref<128xi32, #tpu.memory_space<hbm>>
        %dma_start3A_249 = arith.constant 0 : i32
        %dma_start3A_250 = tpu.memref_slice %arg8[%rem3A_241, %dma_start3A_249] : memref<4x128xi32, #tpu.memory_space<vmem>> -> memref<1x128xi32, #tpu.memory_space<vmem>>
        %dma_start3A_251 = tpu.memref_squeeze %dma_start3A_250 : memref<1x128xi32, #tpu.memory_space<vmem>> -> memref<128xi32, #tpu.memory_space<vmem>>
        %dma_start3A_252 = tpu.memref_slice %arg2[%add3A_244] : memref<819200xi32, #tpu.memory_space<hbm>> -> memref<128xi32, #tpu.memory_space<hbm>>
        tpu.enqueue_dma source(%dma_start3A_252 : memref<128xi32, #tpu.memory_space<hbm>>) target(%dma_start3A_251 : memref<128xi32, #tpu.memory_space<vmem>>) target_semaphore(%arg13 : memref<!tpu.dma_semaphore, #tpu.memory_space<semaphore_mem>>)
        %dma_start3A_253 = arith.constant 0 : i32
        %dma_start3A_254 = tpu.memref_slice %arg9[%rem3A_241, %dma_start3A_253] : memref<4x128xi32, #tpu.memory_space<vmem>> -> memref<1x128xi32, #tpu.memory_space<vmem>>
        %dma_start3A_255 = tpu.memref_squeeze %dma_start3A_254 : memref<1x128xi32, #tpu.memory_space<vmem>> -> memref<128xi32, #tpu.memory_space<vmem>>
        %dma_start3A_256 = tpu.memref_slice %arg3[%add3A_244] : memref<819200xi32, #tpu.memory_space<hbm>> -> memref<128xi32, #tpu.memory_space<hbm>>
        %dma_start3A_257 = arith.constant 0 : i32
        %dma_start3A_258 = tpu.memref_slice %arg9[%rem3A_241, %dma_start3A_257] : memref<4x128xi32, #tpu.memory_space<vmem>> -> memref<1x128xi32, #tpu.memory_space<vmem>>
        %dma_start3A_259 = tpu.memref_squeeze %dma_start3A_258 : memref<1x128xi32, #tpu.memory_space<vmem>> -> memref<128xi32, #tpu.memory_space<vmem>>
        %dma_start3A_260 = tpu.memref_slice %arg3[%add3A_244] : memref<819200xi32, #tpu.memory_space<hbm>> -> memref<128xi32, #tpu.memory_space<hbm>>
        tpu.enqueue_dma source(%dma_start3A_260 : memref<128xi32, #tpu.memory_space<hbm>>) target(%dma_start3A_259 : memref<128xi32, #tpu.memory_space<vmem>>) target_semaphore(%arg14 : memref<!tpu.dma_semaphore, #tpu.memory_space<semaphore_mem>>)
      } else {
      }
      %ge3A = arith.constant 2 : i32
      %ge3A_186 = arith.cmpi sge, %scan3A_178, %ge3A : i32
      %convert_element_type3A_187 = arith.extui %ge3A_186 : i1 to i32
      %cond3A_188 = arith.constant 0 : i32
      %cond3A_189 = arith.cmpi ne, %convert_element_type3A_187, %cond3A_188 : i32
      scf.if %cond3A_189 {
        %sub3A = arith.constant 2 : i32
        %sub3A_238 = arith.subi %scan3A_178, %sub3A : i32
        %rem3A_239 = arith.constant 4 : i32
        %rem3A_240 = arith.remsi %sub3A_238, %rem3A_239 : i32
        %mul3A_241 = arith.constant 128 : i32
        %mul3A_242 = arith.muli %sub3A_238, %mul3A_241 : i32
        %add3A_243 = arith.addi %mul3A_2, %mul3A_242 : i32
        %dma_wait3A_244 = arith.constant 0 : i32
        %dma_wait3A_245 = arith.constant 0 : i32
        %dma_wait3A_246 = tpu.memref_slice %arg10[%rem3A_240, %dma_wait3A_244, %dma_wait3A_245] : memref<4x128x64xf32, #tpu.memory_space<vmem>> -> memref<1x128x64xf32, #tpu.memory_space<vmem>>
        %dma_wait3A_247 = tpu.memref_squeeze %dma_wait3A_246 : memref<1x128x64xf32, #tpu.memory_space<vmem>> -> memref<128x64xf32, #tpu.memory_space<vmem>>
        %dma_wait3A_248 = arith.constant 0 : i32
        %dma_wait3A_249 = tpu.memref_slice %arg7[%add3A_243, %dma_wait3A_248] : memref<819200x64xf32, #tpu.memory_space<hbm>> -> memref<128x64xf32, #tpu.memory_space<hbm>>
        %dma_wait3A_250 = arith.constant 0 : i32
        %dma_wait3A_251 = tpu.memref_slice %arg7[%add3A_243, %dma_wait3A_250] : memref<819200x64xf32, #tpu.memory_space<hbm>> -> memref<128x64xf32, #tpu.memory_space<hbm>>
        %dma_wait3A_252 = arith.constant 0 : i32
        %dma_wait3A_253 = arith.constant 0 : i32
        %dma_wait3A_254 = tpu.memref_slice %arg10[%rem3A_240, %dma_wait3A_252, %dma_wait3A_253] : memref<4x128x64xf32, #tpu.memory_space<vmem>> -> memref<1x128x64xf32, #tpu.memory_space<vmem>>
        %dma_wait3A_255 = tpu.memref_squeeze %dma_wait3A_254 : memref<1x128x64xf32, #tpu.memory_space<vmem>> -> memref<128x64xf32, #tpu.memory_space<vmem>>
        tpu.wait_dma2 semaphore(%arg16 : memref<!tpu.dma_semaphore, #tpu.memory_space<semaphore_mem>>) src(%dma_wait3A_255 : memref<128x64xf32, #tpu.memory_space<vmem>>) dst(%dma_wait3A_251 : memref<128x64xf32, #tpu.memory_space<hbm>>)
      } else {
      }
      %add3A_190 = arith.constant 2 : i32
      %add3A_191 = arith.addi %scan3A_178, %add3A_190 : i32
      %lt3A_192 = arith.constant 200 : i32
      %lt3A_193 = arith.cmpi slt, %add3A_191, %lt3A_192 : i32
      %convert_element_type3A_194 = arith.extui %lt3A_193 : i1 to i32
      %cond3A_195 = arith.constant 0 : i32
      %cond3A_196 = arith.cmpi ne, %convert_element_type3A_194, %cond3A_195 : i32
      scf.if %cond3A_196 {
        %add3A_238 = arith.constant 2 : i32
        %add3A_239 = arith.addi %scan3A_178, %add3A_238 : i32
        %rem3A_240 = arith.constant 4 : i32
        %rem3A_241 = arith.remsi %add3A_239, %rem3A_240 : i32
        %mul3A_242 = arith.constant 128 : i32
        %mul3A_243 = arith.muli %add3A_239, %mul3A_242 : i32
        %add3A_244 = arith.addi %mul3A_2, %mul3A_243 : i32
        %dma_wait3A_245 = arith.constant 0 : i32
        %dma_wait3A_246 = tpu.memref_slice %arg8[%rem3A_241, %dma_wait3A_245] : memref<4x128xi32, #tpu.memory_space<vmem>> -> memref<1x128xi32, #tpu.memory_space<vmem>>
        %dma_wait3A_247 = tpu.memref_squeeze %dma_wait3A_246 : memref<1x128xi32, #tpu.memory_space<vmem>> -> memref<128xi32, #tpu.memory_space<vmem>>
        %dma_wait3A_248 = tpu.memref_slice %arg2[%add3A_244] : memref<819200xi32, #tpu.memory_space<hbm>> -> memref<128xi32, #tpu.memory_space<hbm>>
        %dma_wait3A_249 = arith.constant 0 : i32
        %dma_wait3A_250 = tpu.memref_slice %arg8[%rem3A_241, %dma_wait3A_249] : memref<4x128xi32, #tpu.memory_space<vmem>> -> memref<1x128xi32, #tpu.memory_space<vmem>>
        %dma_wait3A_251 = tpu.memref_squeeze %dma_wait3A_250 : memref<1x128xi32, #tpu.memory_space<vmem>> -> memref<128xi32, #tpu.memory_space<vmem>>
        %dma_wait3A_252 = tpu.memref_slice %arg2[%add3A_244] : memref<819200xi32, #tpu.memory_space<hbm>> -> memref<128xi32, #tpu.memory_space<hbm>>
        tpu.wait_dma2 semaphore(%arg13 : memref<!tpu.dma_semaphore, #tpu.memory_space<semaphore_mem>>) src(%dma_wait3A_252 : memref<128xi32, #tpu.memory_space<hbm>>) dst(%dma_wait3A_251 : memref<128xi32, #tpu.memory_space<vmem>>)
        %dma_wait3A_253 = arith.constant 0 : i32
        %dma_wait3A_254 = tpu.memref_slice %arg9[%rem3A_241, %dma_wait3A_253] : memref<4x128xi32, #tpu.memory_space<vmem>> -> memref<1x128xi32, #tpu.memory_space<vmem>>
        %dma_wait3A_255 = tpu.memref_squeeze %dma_wait3A_254 : memref<1x128xi32, #tpu.memory_space<vmem>> -> memref<128xi32, #tpu.memory_space<vmem>>
        %dma_wait3A_256 = tpu.memref_slice %arg3[%add3A_244] : memref<819200xi32, #tpu.memory_space<hbm>> -> memref<128xi32, #tpu.memory_space<hbm>>
        %dma_wait3A_257 = arith.constant 0 : i32
        %dma_wait3A_258 = tpu.memref_slice %arg9[%rem3A_241, %dma_wait3A_257] : memref<4x128xi32, #tpu.memory_space<vmem>> -> memref<1x128xi32, #tpu.memory_space<vmem>>
        %dma_wait3A_259 = tpu.memref_squeeze %dma_wait3A_258 : memref<1x128xi32, #tpu.memory_space<vmem>> -> memref<128xi32, #tpu.memory_space<vmem>>
        %dma_wait3A_260 = tpu.memref_slice %arg3[%add3A_244] : memref<819200xi32, #tpu.memory_space<hbm>> -> memref<128xi32, #tpu.memory_space<hbm>>
        tpu.wait_dma2 semaphore(%arg14 : memref<!tpu.dma_semaphore, #tpu.memory_space<semaphore_mem>>) src(%dma_wait3A_260 : memref<128xi32, #tpu.memory_space<hbm>>) dst(%dma_wait3A_259 : memref<128xi32, #tpu.memory_space<vmem>>)
        %add3A_261 = arith.constant 2 : i32
        %add3A_262 = arith.addi %scan3A_178, %add3A_261 : i32
        %rem3A_263 = arith.constant 4 : i32
        %rem3A_264 = arith.remsi %add3A_262, %rem3A_263 : i32
        %dma_start3A_265 = arith.constant 0 : i32
        %dma_start3A_266 = arith.constant 0 : i32
        %dma_start3A_267 = tpu.memref_slice %arg10[%rem3A_264, %dma_start3A_265, %dma_start3A_266] : memref<4x128x64xf32, #tpu.memory_space<vmem>> -> memref<1x128x64xf32, #tpu.memory_space<vmem>>
        %dma_start3A_268 = tpu.memref_squeeze %dma_start3A_267 : memref<1x128x64xf32, #tpu.memory_space<vmem>> -> memref<128x64xf32, #tpu.memory_space<vmem>>
        %dma_start3A_269 = arith.constant 0 : i32
        %dma_start3A_270 = tpu.memref_slice %arg8[%rem3A_264, %dma_start3A_269] : memref<4x128xi32, #tpu.memory_space<vmem>> -> memref<1x128xi32, #tpu.memory_space<vmem>>
        %dma_start3A_271 = tpu.memref_squeeze %dma_start3A_270 : memref<1x128xi32, #tpu.memory_space<vmem>> -> memref<128xi32, #tpu.memory_space<vmem>>
        %dma_start3A_272 = arith.constant 0 : i32
        %dma_start3A_273 = arith.constant 0 : i32
        %dma_start3A_274 = tpu.memref_slice %arg4[%dma_start3A_272, %dma_start3A_273] : memref<100000x64xf32, #tpu.memory_space<hbm>> -> memref<100000x64xf32, #tpu.memory_space<hbm>>
        tpu.enqueue_indirect_dma source(%dma_start3A_274 : memref<100000x64xf32, #tpu.memory_space<hbm>>) target(%dma_start3A_268 : memref<128x64xf32, #tpu.memory_space<vmem>>) offsets(%dma_start3A_271 : memref<128xi32, #tpu.memory_space<vmem>>) semaphore(%arg15 : memref<!tpu.dma_semaphore, #tpu.memory_space<semaphore_mem>>)
      } else {
      }
      %mul3A_197 = arith.constant 128 : i32
      %mul3A_198 = arith.muli %scan3A_178, %mul3A_197 : i32
      %rem3A_199 = arith.constant 200 : i32
      %rem3A_200 = arith.remsi %mul3A_198, %rem3A_199 : i32
      %rem3A_201 = arith.constant 4 : i32
      %rem3A_202 = arith.remsi %scan3A_178, %rem3A_201 : i32
      %dma_wait3A_203 = arith.constant 0 : i32
      %dma_wait3A_204 = arith.constant 0 : i32
      %dma_wait3A_205 = tpu.memref_slice %arg10[%rem3A_202, %dma_wait3A_203, %dma_wait3A_204] : memref<4x128x64xf32, #tpu.memory_space<vmem>> -> memref<1x128x64xf32, #tpu.memory_space<vmem>>
      %dma_wait3A_206 = tpu.memref_squeeze %dma_wait3A_205 : memref<1x128x64xf32, #tpu.memory_space<vmem>> -> memref<128x64xf32, #tpu.memory_space<vmem>>
      %dma_wait3A_207 = arith.constant 0 : i32
      %dma_wait3A_208 = tpu.memref_slice %arg8[%rem3A_202, %dma_wait3A_207] : memref<4x128xi32, #tpu.memory_space<vmem>> -> memref<1x128xi32, #tpu.memory_space<vmem>>
      %dma_wait3A_209 = tpu.memref_squeeze %dma_wait3A_208 : memref<1x128xi32, #tpu.memory_space<vmem>> -> memref<128xi32, #tpu.memory_space<vmem>>
      %dma_wait3A_210 = arith.constant 0 : i32
      %dma_wait3A_211 = arith.constant 0 : i32
      %dma_wait3A_212 = tpu.memref_slice %arg4[%dma_wait3A_210, %dma_wait3A_211] : memref<100000x64xf32, #tpu.memory_space<hbm>> -> memref<100000x64xf32, #tpu.memory_space<hbm>>
      tpu.wait_indirect_dma semaphore(%arg15 : memref<!tpu.dma_semaphore, #tpu.memory_space<semaphore_mem>>) src(%dma_wait3A_212 : memref<100000x64xf32, #tpu.memory_space<hbm>>) dst(%dma_wait3A_206 : memref<128x64xf32, #tpu.memory_space<vmem>>)
      %scan3A_213 = arith.constant 0 : i32
      %scan3A_214 = arith.constant 0 : i32
      %scan3A_215 = arith.constant 8 : i32
      %scan3A_216 = arith.addi %scan3A_214, %scan3A_215 : i32
      %scan3A_217 = arith.constant 1 : i32
      %scan3A_218 = scf.for %scan3A_238 = %scan3A_214 to %scan3A_216 step %scan3A_217 iter_args(%scan3A_239 = %scan3A_213) -> (i32)  : i32 {
        %mul3A_240 = arith.constant 16 : i32
        %mul3A_241 = arith.muli %scan3A_238, %mul3A_240 : i32
        %add3A_242 = arith.addi %rem3A_200, %mul3A_241 : i32
        %iota3A = tpu.iota {dimensions = array<i32: 0>} : vector<16xi32>
        %add3A_243 = vector.broadcast %add3A_242 : i32 to vector<16xi32>
        %add3A_244 = arith.addi %add3A_243, %iota3A : vector<16xi32>
        %ge3A_245 = arith.constant 200 : i32
        %ge3A_246 = vector.broadcast %ge3A_245 : i32 to vector<16xi32>
        %ge3A_247 = arith.cmpi sge, %add3A_244, %ge3A_246 : vector<16xi32>
        %sub3A = arith.constant 200 : i32
        %sub3A_248 = vector.broadcast %sub3A : i32 to vector<16xi32>
        %sub3A_249 = arith.subi %add3A_244, %sub3A_248 : vector<16xi32>
        %select_n3A = arith.select %ge3A_247, %sub3A_249, %add3A_244 : vector<16xi1>, vector<16xi32>
        %get3A = arith.index_cast %rem3A_181 : i32 to index
        %get3A_250 = arith.index_cast %mul3A_241 : i32 to index
        %get3A_251 = tpu.vector_load %arg9[%get3A, %get3A_250] {strides = array<i32>} : memref<4x128xi32, #tpu.memory_space<vmem>>, vector<1x16xi32>,
        %get3A_252 = vector.shape_cast %get3A_251 : vector<1x16xi32> to vector<16xi32>
        %mul3A_253 = arith.constant 200 : i32
        %mul3A_254 = vector.broadcast %mul3A_253 : i32 to vector<16xi32>
        %mul3A_255 = arith.muli %get3A_252, %mul3A_254 : vector<16xi32>
        %add3A_256 = arith.addi %mul3A_255, %select_n3A : vector<16xi32>
        %slice3A = vector.extract_strided_slice %add3A_256 {offsets = [0], sizes = [1], strides = [1]} : vector<16xi32> to vector<1xi32>
        %squeeze3A = vector.extract %slice3A[0] : i32 from vector<1xi32>
        %add3A_257 = arith.constant 0 : i32
        %add3A_258 = arith.addi %mul3A_241, %add3A_257 : i32
        %get3A_259 = arith.index_cast %rem3A_181 : i32 to index
        %get3A_260 = arith.index_cast %add3A_258 : i32 to index
        %get3A_261 = arith.constant 0 : index
        %get3A_262 = tpu.vector_load %arg10[%get3A_259, %get3A_260, %get3A_261] {strides = array<i32>} : memref<4x128x64xf32, #tpu.memory_space<vmem>>, vector<1x1x16xf32>,
        %get3A_263 = vector.shape_cast %get3A_262 : vector<1x1x16xf32> to vector<16xf32>
        %get3A_264 = arith.index_cast %squeeze3A : i32 to index
        %get3A_265 = arith.constant 0 : index
        %get3A_266 = tpu.vector_load %arg11[%get3A_264, %get3A_265] {strides = array<i32>} : memref<400x64xf32, #tpu.memory_space<vmem>>, vector<1x16xf32>,
        %get3A_267 = vector.shape_cast %get3A_266 : vector<1x16xf32> to vector<16xf32>
        %add3A_268 = arith.addf %get3A_263, %get3A_267 : vector<16xf32>
        %swap3A = arith.index_cast %rem3A_181 : i32 to index
        %swap3A_269 = arith.index_cast %add3A_258 : i32 to index
        %swap3A_270 = arith.constant 0 : index
        %swap3A_271 = tpu.vector_load %arg10[%swap3A, %swap3A_269, %swap3A_270] {strides = array<i32>} : memref<4x128x64xf32, #tpu.memory_space<vmem>>, vector<1x1x16xf32>,
        %swap3A_272 = vector.shape_cast %swap3A_271 : vector<1x1x16xf32> to vector<16xf32>
        %swap3A_273 = vector.shape_cast %add3A_268 : vector<16xf32> to vector<1x1x16xf32>
        tpu.vector_store %arg10[%swap3A, %swap3A_269, %swap3A_270], %swap3A_273 {strides = array<i32>} : memref<4x128x64xf32, #tpu.memory_space<vmem>>, vector<1x1x16xf32>,
        %get3A_274 = arith.index_cast %rem3A_181 : i32 to index
        %get3A_275 = arith.index_cast %add3A_258 : i32 to index
        %get3A_276 = arith.constant 16 : index
        %get3A_277 = tpu.vector_load %arg10[%get3A_274, %get3A_275, %get3A_276] {strides = array<i32>} : memref<4x128x64xf32, #tpu.memory_space<vmem>>, vector<1x1x16xf32>,
        %get3A_278 = vector.shape_cast %get3A_277 : vector<1x1x16xf32> to vector<16xf32>
        %get3A_279 = arith.index_cast %squeeze3A : i32 to index
        %get3A_280 = arith.constant 16 : index
        %get3A_281 = tpu.vector_load %arg11[%get3A_279, %get3A_280] {strides = array<i32>} : memref<400x64xf32, #tpu.memory_space<vmem>>, vector<1x16xf32>,
        %get3A_282 = vector.shape_cast %get3A_281 : vector<1x16xf32> to vector<16xf32>
        %add3A_283 = arith.addf %get3A_278, %get3A_282 : vector<16xf32>
        %swap3A_284 = arith.index_cast %rem3A_181 : i32 to index
        %swap3A_285 = arith.index_cast %add3A_258 : i32 to index
        %swap3A_286 = arith.constant 16 : index
        %swap3A_287 = tpu.vector_load %arg10[%swap3A_284, %swap3A_285, %swap3A_286] {strides = array<i32>} : memref<4x128x64xf32, #tpu.memory_space<vmem>>, vector<1x1x16xf32>,
        %swap3A_288 = vector.shape_cast %swap3A_287 : vector<1x1x16xf32> to vector<16xf32>
        %swap3A_289 = vector.shape_cast %add3A_283 : vector<16xf32> to vector<1x1x16xf32>
        tpu.vector_store %arg10[%swap3A_284, %swap3A_285, %swap3A_286], %swap3A_289 {strides = array<i32>} : memref<4x128x64xf32, #tpu.memory_space<vmem>>, vector<1x1x16xf32>,
        %get3A_290 = arith.index_cast %rem3A_181 : i32 to index
        %get3A_291 = arith.index_cast %add3A_258 : i32 to index
        %get3A_292 = arith.constant 32 : index
        %get3A_293 = tpu.vector_load %arg10[%get3A_290, %get3A_291, %get3A_292] {strides = array<i32>} : memref<4x128x64xf32, #tpu.memory_space<vmem>>, vector<1x1x16xf32>,
        %get3A_294 = vector.shape_cast %get3A_293 : vector<1x1x16xf32> to vector<16xf32>
        %get3A_295 = arith.index_cast %squeeze3A : i32 to index
        %get3A_296 = arith.constant 32 : index
        %get3A_297 = tpu.vector_load %arg11[%get3A_295, %get3A_296] {strides = array<i32>} : memref<400x64xf32, #tpu.memory_space<vmem>>, vector<1x16xf32>,
        %get3A_298 = vector.shape_cast %get3A_297 : vector<1x16xf32> to vector<16xf32>
        %add3A_299 = arith.addf %get3A_294, %get3A_298 : vector<16xf32>
        %swap3A_300 = arith.index_cast %rem3A_181 : i32 to index
        %swap3A_301 = arith.index_cast %add3A_258 : i32 to index
        %swap3A_302 = arith.constant 32 : index
        %swap3A_303 = tpu.vector_load %arg10[%swap3A_300, %swap3A_301, %swap3A_302] {strides = array<i32>} : memref<4x128x64xf32, #tpu.memory_space<vmem>>, vector<1x1x16xf32>,
        %swap3A_304 = vector.shape_cast %swap3A_303 : vector<1x1x16xf32> to vector<16xf32>
        %swap3A_305 = vector.shape_cast %add3A_299 : vector<16xf32> to vector<1x1x16xf32>
        tpu.vector_store %arg10[%swap3A_300, %swap3A_301, %swap3A_302], %swap3A_305 {strides = array<i32>} : memref<4x128x64xf32, #tpu.memory_space<vmem>>, vector<1x1x16xf32>,
        %get3A_306 = arith.index_cast %rem3A_181 : i32 to index
        %get3A_307 = arith.index_cast %add3A_258 : i32 to index
        %get3A_308 = arith.constant 48 : index
        %get3A_309 = tpu.vector_load %arg10[%get3A_306, %get3A_307, %get3A_308] {strides = array<i32>} : memref<4x128x64xf32, #tpu.memory_space<vmem>>, vector<1x1x16xf32>,
        %get3A_310 = vector.shape_cast %get3A_309 : vector<1x1x16xf32> to vector<16xf32>
        %get3A_311 = arith.index_cast %squeeze3A : i32 to index
        %get3A_312 = arith.constant 48 : index
        %get3A_313 = tpu.vector_load %arg11[%get3A_311, %get3A_312] {strides = array<i32>} : memref<400x64xf32, #tpu.memory_space<vmem>>, vector<1x16xf32>,
        %get3A_314 = vector.shape_cast %get3A_313 : vector<1x16xf32> to vector<16xf32>
        %add3A_315 = arith.addf %get3A_310, %get3A_314 : vector<16xf32>
        %swap3A_316 = arith.index_cast %rem3A_181 : i32 to index
        %swap3A_317 = arith.index_cast %add3A_258 : i32 to index
        %swap3A_318 = arith.constant 48 : index
        %swap3A_319 = tpu.vector_load %arg10[%swap3A_316, %swap3A_317, %swap3A_318] {strides = array<i32>} : memref<4x128x64xf32, #tpu.memory_space<vmem>>, vector<1x1x16xf32>,
        %swap3A_320 = vector.shape_cast %swap3A_319 : vector<1x1x16xf32> to vector<16xf32>
        %swap3A_321 = vector.shape_cast %add3A_315 : vector<16xf32> to vector<1x1x16xf32>
        tpu.vector_store %arg10[%swap3A_316, %swap3A_317, %swap3A_318], %swap3A_321 {strides = array<i32>} : memref<4x128x64xf32, #tpu.memory_space<vmem>>, vector<1x1x16xf32>,
        %slice3A_322 = vector.extract_strided_slice %add3A_256 {offsets = [1], sizes = [1], strides = [1]} : vector<16xi32> to vector<1xi32>
        %squeeze3A_323 = vector.extract %slice3A_322[0] : i32 from vector<1xi32>
        %add3A_324 = arith.constant 1 : i32
        %add3A_325 = arith.addi %mul3A_241, %add3A_324 : i32
        %get3A_326 = arith.index_cast %rem3A_181 : i32 to index
        %get3A_327 = arith.index_cast %add3A_325 : i32 to index
        %get3A_328 = arith.constant 0 : index
        %get3A_329 = tpu.vector_load %arg10[%get3A_326, %get3A_327, %get3A_328] {strides = array<i32>} : memref<4x128x64xf32, #tpu.memory_space<vmem>>, vector<1x1x16xf32>,
        %get3A_330 = vector.shape_cast %get3A_329 : vector<1x1x16xf32> to vector<16xf32>
        %get3A_331 = arith.index_cast %squeeze3A_323 : i32 to index
        %get3A_332 = arith.constant 0 : index
        %get3A_333 = tpu.vector_load %arg11[%get3A_331, %get3A_332] {strides = array<i32>} : memref<400x64xf32, #tpu.memory_space<vmem>>, vector<1x16xf32>,
        %get3A_334 = vector.shape_cast %get3A_333 : vector<1x16xf32> to vector<16xf32>
        %add3A_335 = arith.addf %get3A_330, %get3A_334 : vector<16xf32>
        %swap3A_336 = arith.index_cast %rem3A_181 : i32 to index
        %swap3A_337 = arith.index_cast %add3A_325 : i32 to index
        %swap3A_338 = arith.constant 0 : index
        %swap3A_339 = tpu.vector_load %arg10[%swap3A_336, %swap3A_337, %swap3A_338] {strides = array<i32>} : memref<4x128x64xf32, #tpu.memory_space<vmem>>, vector<1x1x16xf32>,
        %swap3A_340 = vector.shape_cast %swap3A_339 : vector<1x1x16xf32> to vector<16xf32>
        %swap3A_341 = vector.shape_cast %add3A_335 : vector<16xf32> to vector<1x1x16xf32>
        tpu.vector_store %arg10[%swap3A_336, %swap3A_337, %swap3A_338], %swap3A_341 {strides = array<i32>} : memref<4x128x64xf32, #tpu.memory_space<vmem>>, vector<1x1x16xf32>,
        %get3A_342 = arith.index_cast %rem3A_181 : i32 to index
        %get3A_343 = arith.index_cast %add3A_325 : i32 to index
        %get3A_344 = arith.constant 16 : index
        %get3A_345 = tpu.vector_load %arg10[%get3A_342, %get3A_343, %get3A_344] {strides = array<i32>} : memref<4x128x64xf32, #tpu.memory_space<vmem>>, vector<1x1x16xf32>,
        %get3A_346 = vector.shape_cast %get3A_345 : vector<1x1x16xf32> to vector<16xf32>
        %get3A_347 = arith.index_cast %squeeze3A_323 : i32 to index
        %get3A_348 = arith.constant 16 : index
        %get3A_349 = tpu.vector_load %arg11[%get3A_347, %get3A_348] {strides = array<i32>} : memref<400x64xf32, #tpu.memory_space<vmem>>, vector<1x16xf32>,
        %get3A_350 = vector.shape_cast %get3A_349 : vector<1x16xf32> to vector<16xf32>
        %add3A_351 = arith.addf %get3A_346, %get3A_350 : vector<16xf32>
        %swap3A_352 = arith.index_cast %rem3A_181 : i32 to index
        %swap3A_353 = arith.index_cast %add3A_325 : i32 to index
        %swap3A_354 = arith.constant 16 : index
        %swap3A_355 = tpu.vector_load %arg10[%swap3A_352, %swap3A_353, %swap3A_354] {strides = array<i32>} : memref<4x128x64xf32, #tpu.memory_space<vmem>>, vector<1x1x16xf32>,
        %swap3A_356 = vector.shape_cast %swap3A_355 : vector<1x1x16xf32> to vector<16xf32>
        %swap3A_357 = vector.shape_cast %add3A_351 : vector<16xf32> to vector<1x1x16xf32>
        tpu.vector_store %arg10[%swap3A_352, %swap3A_353, %swap3A_354], %swap3A_357 {strides = array<i32>} : memref<4x128x64xf32, #tpu.memory_space<vmem>>, vector<1x1x16xf32>,
        %get3A_358 = arith.index_cast %rem3A_181 : i32 to index
        %get3A_359 = arith.index_cast %add3A_325 : i32 to index
        %get3A_360 = arith.constant 32 : index
        %get3A_361 = tpu.vector_load %arg10[%get3A_358, %get3A_359, %get3A_360] {strides = array<i32>} : memref<4x128x64xf32, #tpu.memory_space<vmem>>, vector<1x1x16xf32>,
        %get3A_362 = vector.shape_cast %get3A_361 : vector<1x1x16xf32> to vector<16xf32>
        %get3A_363 = arith.index_cast %squeeze3A_323 : i32 to index
        %get3A_364 = arith.constant 32 : index
        %get3A_365 = tpu.vector_load %arg11[%get3A_363, %get3A_364] {strides = array<i32>} : memref<400x64xf32, #tpu.memory_space<vmem>>, vector<1x16xf32>,
        %get3A_366 = vector.shape_cast %get3A_365 : vector<1x16xf32> to vector<16xf32>
        %add3A_367 = arith.addf %get3A_362, %get3A_366 : vector<16xf32>
        %swap3A_368 = arith.index_cast %rem3A_181 : i32 to index
        %swap3A_369 = arith.index_cast %add3A_325 : i32 to index
        %swap3A_370 = arith.constant 32 : index
        %swap3A_371 = tpu.vector_load %arg10[%swap3A_368, %swap3A_369, %swap3A_370] {strides = array<i32>} : memref<4x128x64xf32, #tpu.memory_space<vmem>>, vector<1x1x16xf32>,
        %swap3A_372 = vector.shape_cast %swap3A_371 : vector<1x1x16xf32> to vector<16xf32>
        %swap3A_373 = vector.shape_cast %add3A_367 : vector<16xf32> to vector<1x1x16xf32>
        tpu.vector_store %arg10[%swap3A_368, %swap3A_369, %swap3A_370], %swap3A_373 {strides = array<i32>} : memref<4x128x64xf32, #tpu.memory_space<vmem>>, vector<1x1x16xf32>,
        %get3A_374 = arith.index_cast %rem3A_181 : i32 to index
        %get3A_375 = arith.index_cast %add3A_325 : i32 to index
        %get3A_376 = arith.constant 48 : index
        %get3A_377 = tpu.vector_load %arg10[%get3A_374, %get3A_375, %get3A_376] {strides = array<i32>} : memref<4x128x64xf32, #tpu.memory_space<vmem>>, vector<1x1x16xf32>,
        %get3A_378 = vector.shape_cast %get3A_377 : vector<1x1x16xf32> to vector<16xf32>
        %get3A_379 = arith.index_cast %squeeze3A_323 : i32 to index
        %get3A_380 = arith.constant 48 : index
        %get3A_381 = tpu.vector_load %arg11[%get3A_379, %get3A_380] {strides = array<i32>} : memref<400x64xf32, #tpu.memory_space<vmem>>, vector<1x16xf32>,
        %get3A_382 = vector.shape_cast %get3A_381 : vector<1x16xf32> to vector<16xf32>
        %add3A_383 = arith.addf %get3A_378, %get3A_382 : vector<16xf32>
        %swap3A_384 = arith.index_cast %rem3A_181 : i32 to index
        %swap3A_385 = arith.index_cast %add3A_325 : i32 to index
        %swap3A_386 = arith.constant 48 : index
        %swap3A_387 = tpu.vector_load %arg10[%swap3A_384, %swap3A_385, %swap3A_386] {strides = array<i32>} : memref<4x128x64xf32, #tpu.memory_space<vmem>>, vector<1x1x16xf32>,
        %swap3A_388 = vector.shape_cast %swap3A_387 : vector<1x1x16xf32> to vector<16xf32>
        %swap3A_389 = vector.shape_cast %add3A_383 : vector<16xf32> to vector<1x1x16xf32>
        tpu.vector_store %arg10[%swap3A_384, %swap3A_385, %swap3A_386], %swap3A_389 {strides = array<i32>} : memref<4x128x64xf32, #tpu.memory_space<vmem>>, vector<1x1x16xf32>,
        %slice3A_390 = vector.extract_strided_slice %add3A_256 {offsets = [2], sizes = [1], strides = [1]} : vector<16xi32> to vector<1xi32>
        %squeeze3A_391 = vector.extract %slice3A_390[0] : i32 from vector<1xi32>
        %add3A_392 = arith.constant 2 : i32
        %add3A_393 = arith.addi %mul3A_241, %add3A_392 : i32
        %get3A_394 = arith.index_cast %rem3A_181 : i32 to index
        %get3A_395 = arith.index_cast %add3A_393 : i32 to index
        %get3A_396 = arith.constant 0 : index
        %get3A_397 = tpu.vector_load %arg10[%get3A_394, %get3A_395, %get3A_396] {strides = array<i32>} : memref<4x128x64xf32, #tpu.memory_space<vmem>>, vector<1x1x16xf32>,
        %get3A_398 = vector.shape_cast %get3A_397 : vector<1x1x16xf32> to vector<16xf32>
        %get3A_399 = arith.index_cast %squeeze3A_391 : i32 to index
        %get3A_400 = arith.constant 0 : index
        %get3A_401 = tpu.vector_load %arg11[%get3A_399, %get3A_400] {strides = array<i32>} : memref<400x64xf32, #tpu.memory_space<vmem>>, vector<1x16xf32>,
        %get3A_402 = vector.shape_cast %get3A_401 : vector<1x16xf32> to vector<16xf32>
        %add3A_403 = arith.addf %get3A_398, %get3A_402 : vector<16xf32>
        %swap3A_404 = arith.index_cast %rem3A_181 : i32 to index
        %swap3A_405 = arith.index_cast %add3A_393 : i32 to index
        %swap3A_406 = arith.constant 0 : index
        %swap3A_407 = tpu.vector_load %arg10[%swap3A_404, %swap3A_405, %swap3A_406] {strides = array<i32>} : memref<4x128x64xf32, #tpu.memory_space<vmem>>, vector<1x1x16xf32>,
        %swap3A_408 = vector.shape_cast %swap3A_407 : vector<1x1x16xf32> to vector<16xf32>
        %swap3A_409 = vector.shape_cast %add3A_403 : vector<16xf32> to vector<1x1x16xf32>
        tpu.vector_store %arg10[%swap3A_404, %swap3A_405, %swap3A_406], %swap3A_409 {strides = array<i32>} : memref<4x128x64xf32, #tpu.memory_space<vmem>>, vector<1x1x16xf32>,
        %get3A_410 = arith.index_cast %rem3A_181 : i32 to index
        %get3A_411 = arith.index_cast %add3A_393 : i32 to index
        %get3A_412 = arith.constant 16 : index
        %get3A_413 = tpu.vector_load %arg10[%get3A_410, %get3A_411, %get3A_412] {strides = array<i32>} : memref<4x128x64xf32, #tpu.memory_space<vmem>>, vector<1x1x16xf32>,
        %get3A_414 = vector.shape_cast %get3A_413 : vector<1x1x16xf32> to vector<16xf32>
        %get3A_415 = arith.index_cast %squeeze3A_391 : i32 to index
        %get3A_416 = arith.constant 16 : index
        %get3A_417 = tpu.vector_load %arg11[%get3A_415, %get3A_416] {strides = array<i32>} : memref<400x64xf32, #tpu.memory_space<vmem>>, vector<1x16xf32>,
        %get3A_418 = vector.shape_cast %get3A_417 : vector<1x16xf32> to vector<16xf32>
        %add3A_419 = arith.addf %get3A_414, %get3A_418 : vector<16xf32>
        %swap3A_420 = arith.index_cast %rem3A_181 : i32 to index
        %swap3A_421 = arith.index_cast %add3A_393 : i32 to index
        %swap3A_422 = arith.constant 16 : index
        %swap3A_423 = tpu.vector_load %arg10[%swap3A_420, %swap3A_421, %swap3A_422] {strides = array<i32>} : memref<4x128x64xf32, #tpu.memory_space<vmem>>, vector<1x1x16xf32>,
        %swap3A_424 = vector.shape_cast %swap3A_423 : vector<1x1x16xf32> to vector<16xf32>
        %swap3A_425 = vector.shape_cast %add3A_419 : vector<16xf32> to vector<1x1x16xf32>
        tpu.vector_store %arg10[%swap3A_420, %swap3A_421, %swap3A_422], %swap3A_425 {strides = array<i32>} : memref<4x128x64xf32, #tpu.memory_space<vmem>>, vector<1x1x16xf32>,
        %get3A_426 = arith.index_cast %rem3A_181 : i32 to index
        %get3A_427 = arith.index_cast %add3A_393 : i32 to index
        %get3A_428 = arith.constant 32 : index
        %get3A_429 = tpu.vector_load %arg10[%get3A_426, %get3A_427, %get3A_428] {strides = array<i32>} : memref<4x128x64xf32, #tpu.memory_space<vmem>>, vector<1x1x16xf32>,
        %get3A_430 = vector.shape_cast %get3A_429 : vector<1x1x16xf32> to vector<16xf32>
        %get3A_431 = arith.index_cast %squeeze3A_391 : i32 to index
        %get3A_432 = arith.constant 32 : index
        %get3A_433 = tpu.vector_load %arg11[%get3A_431, %get3A_432] {strides = array<i32>} : memref<400x64xf32, #tpu.memory_space<vmem>>, vector<1x16xf32>,
        %get3A_434 = vector.shape_cast %get3A_433 : vector<1x16xf32> to vector<16xf32>
        %add3A_435 = arith.addf %get3A_430, %get3A_434 : vector<16xf32>
        %swap3A_436 = arith.index_cast %rem3A_181 : i32 to index
        %swap3A_437 = arith.index_cast %add3A_393 : i32 to index
        %swap3A_438 = arith.constant 32 : index
        %swap3A_439 = tpu.vector_load %arg10[%swap3A_436, %swap3A_437, %swap3A_438] {strides = array<i32>} : memref<4x128x64xf32, #tpu.memory_space<vmem>>, vector<1x1x16xf32>,
        %swap3A_440 = vector.shape_cast %swap3A_439 : vector<1x1x16xf32> to vector<16xf32>
        %swap3A_441 = vector.shape_cast %add3A_435 : vector<16xf32> to vector<1x1x16xf32>
        tpu.vector_store %arg10[%swap3A_436, %swap3A_437, %swap3A_438], %swap3A_441 {strides = array<i32>} : memref<4x128x64xf32, #tpu.memory_space<vmem>>, vector<1x1x16xf32>,
        %get3A_442 = arith.index_cast %rem3A_181 : i32 to index
        %get3A_443 = arith.index_cast %add3A_393 : i32 to index
        %get3A_444 = arith.constant 48 : index
        %get3A_445 = tpu.vector_load %arg10[%get3A_442, %get3A_443, %get3A_444] {strides = array<i32>} : memref<4x128x64xf32, #tpu.memory_space<vmem>>, vector<1x1x16xf32>,
        %get3A_446 = vector.shape_cast %get3A_445 : vector<1x1x16xf32> to vector<16xf32>
        %get3A_447 = arith.index_cast %squeeze3A_391 : i32 to index
        %get3A_448 = arith.constant 48 : index
        %get3A_449 = tpu.vector_load %arg11[%get3A_447, %get3A_448] {strides = array<i32>} : memref<400x64xf32, #tpu.memory_space<vmem>>, vector<1x16xf32>,
        %get3A_450 = vector.shape_cast %get3A_449 : vector<1x16xf32> to vector<16xf32>
        %add3A_451 = arith.addf %get3A_446, %get3A_450 : vector<16xf32>
        %swap3A_452 = arith.index_cast %rem3A_181 : i32 to index
        %swap3A_453 = arith.index_cast %add3A_393 : i32 to index
        %swap3A_454 = arith.constant 48 : index
        %swap3A_455 = tpu.vector_load %arg10[%swap3A_452, %swap3A_453, %swap3A_454] {strides = array<i32>} : memref<4x128x64xf32, #tpu.memory_space<vmem>>, vector<1x1x16xf32>,
        %swap3A_456 = vector.shape_cast %swap3A_455 : vector<1x1x16xf32> to vector<16xf32>
        %swap3A_457 = vector.shape_cast %add3A_451 : vector<16xf32> to vector<1x1x16xf32>
        tpu.vector_store %arg10[%swap3A_452, %swap3A_453, %swap3A_454], %swap3A_457 {strides = array<i32>} : memref<4x128x64xf32, #tpu.memory_space<vmem>>, vector<1x1x16xf32>,
        %slice3A_458 = vector.extract_strided_slice %add3A_256 {offsets = [3], sizes = [1], strides = [1]} : vector<16xi32> to vector<1xi32>
        %squeeze3A_459 = vector.extract %slice3A_458[0] : i32 from vector<1xi32>
        %add3A_460 = arith.constant 3 : i32
        %add3A_461 = arith.addi %mul3A_241, %add3A_460 : i32
        %get3A_462 = arith.index_cast %rem3A_181 : i32 to index
        %get3A_463 = arith.index_cast %add3A_461 : i32 to index
        %get3A_464 = arith.constant 0 : index
        %get3A_465 = tpu.vector_load %arg10[%get3A_462, %get3A_463, %get3A_464] {strides = array<i32>} : memref<4x128x64xf32, #tpu.memory_space<vmem>>, vector<1x1x16xf32>,
        %get3A_466 = vector.shape_cast %get3A_465 : vector<1x1x16xf32> to vector<16xf32>
        %get3A_467 = arith.index_cast %squeeze3A_459 : i32 to index
        %get3A_468 = arith.constant 0 : index
        %get3A_469 = tpu.vector_load %arg11[%get3A_467, %get3A_468] {strides = array<i32>} : memref<400x64xf32, #tpu.memory_space<vmem>>, vector<1x16xf32>,
        %get3A_470 = vector.shape_cast %get3A_469 : vector<1x16xf32> to vector<16xf32>
        %add3A_471 = arith.addf %get3A_466, %get3A_470 : vector<16xf32>
        %swap3A_472 = arith.index_cast %rem3A_181 : i32 to index
        %swap3A_473 = arith.index_cast %add3A_461 : i32 to index
        %swap3A_474 = arith.constant 0 : index
        %swap3A_475 = tpu.vector_load %arg10[%swap3A_472, %swap3A_473, %swap3A_474] {strides = array<i32>} : memref<4x128x64xf32, #tpu.memory_space<vmem>>, vector<1x1x16xf32>,
        %swap3A_476 = vector.shape_cast %swap3A_475 : vector<1x1x16xf32> to vector<16xf32>
        %swap3A_477 = vector.shape_cast %add3A_471 : vector<16xf32> to vector<1x1x16xf32>
        tpu.vector_store %arg10[%swap3A_472, %swap3A_473, %swap3A_474], %swap3A_477 {strides = array<i32>} : memref<4x128x64xf32, #tpu.memory_space<vmem>>, vector<1x1x16xf32>,
        %get3A_478 = arith.index_cast %rem3A_181 : i32 to index
        %get3A_479 = arith.index_cast %add3A_461 : i32 to index
        %get3A_480 = arith.constant 16 : index
        %get3A_481 = tpu.vector_load %arg10[%get3A_478, %get3A_479, %get3A_480] {strides = array<i32>} : memref<4x128x64xf32, #tpu.memory_space<vmem>>, vector<1x1x16xf32>,
        %get3A_482 = vector.shape_cast %get3A_481 : vector<1x1x16xf32> to vector<16xf32>
        %get3A_483 = arith.index_cast %squeeze3A_459 : i32 to index
        %get3A_484 = arith.constant 16 : index
        %get3A_485 = tpu.vector_load %arg11[%get3A_483, %get3A_484] {strides = array<i32>} : memref<400x64xf32, #tpu.memory_space<vmem>>, vector<1x16xf32>,
        %get3A_486 = vector.shape_cast %get3A_485 : vector<1x16xf32> to vector<16xf32>
        %add3A_487 = arith.addf %get3A_482, %get3A_486 : vector<16xf32>
        %swap3A_488 = arith.index_cast %rem3A_181 : i32 to index
        %swap3A_489 = arith.index_cast %add3A_461 : i32 to index
        %swap3A_490 = arith.constant 16 : index
        %swap3A_491 = tpu.vector_load %arg10[%swap3A_488, %swap3A_489, %swap3A_490] {strides = array<i32>} : memref<4x128x64xf32, #tpu.memory_space<vmem>>, vector<1x1x16xf32>,
        %swap3A_492 = vector.shape_cast %swap3A_491 : vector<1x1x16xf32> to vector<16xf32>
        %swap3A_493 = vector.shape_cast %add3A_487 : vector<16xf32> to vector<1x1x16xf32>
        tpu.vector_store %arg10[%swap3A_488, %swap3A_489, %swap3A_490], %swap3A_493 {strides = array<i32>} : memref<4x128x64xf32, #tpu.memory_space<vmem>>, vector<1x1x16xf32>,
        %get3A_494 = arith.index_cast %rem3A_181 : i32 to index
        %get3A_495 = arith.index_cast %add3A_461 : i32 to index
        %get3A_496 = arith.constant 32 : index
        %get3A_497 = tpu.vector_load %arg10[%get3A_494, %get3A_495, %get3A_496] {strides = array<i32>} : memref<4x128x64xf32, #tpu.memory_space<vmem>>, vector<1x1x16xf32>,
        %get3A_498 = vector.shape_cast %get3A_497 : vector<1x1x16xf32> to vector<16xf32>
        %get3A_499 = arith.index_cast %squeeze3A_459 : i32 to index
        %get3A_500 = arith.constant 32 : index
        %get3A_501 = tpu.vector_load %arg11[%get3A_499, %get3A_500] {strides = array<i32>} : memref<400x64xf32, #tpu.memory_space<vmem>>, vector<1x16xf32>,
        %get3A_502 = vector.shape_cast %get3A_501 : vector<1x16xf32> to vector<16xf32>
        %add3A_503 = arith.addf %get3A_498, %get3A_502 : vector<16xf32>
        %swap3A_504 = arith.index_cast %rem3A_181 : i32 to index
        %swap3A_505 = arith.index_cast %add3A_461 : i32 to index
        %swap3A_506 = arith.constant 32 : index
        %swap3A_507 = tpu.vector_load %arg10[%swap3A_504, %swap3A_505, %swap3A_506] {strides = array<i32>} : memref<4x128x64xf32, #tpu.memory_space<vmem>>, vector<1x1x16xf32>,
        %swap3A_508 = vector.shape_cast %swap3A_507 : vector<1x1x16xf32> to vector<16xf32>
        %swap3A_509 = vector.shape_cast %add3A_503 : vector<16xf32> to vector<1x1x16xf32>
        tpu.vector_store %arg10[%swap3A_504, %swap3A_505, %swap3A_506], %swap3A_509 {strides = array<i32>} : memref<4x128x64xf32, #tpu.memory_space<vmem>>, vector<1x1x16xf32>,
        %get3A_510 = arith.index_cast %rem3A_181 : i32 to index
        %get3A_511 = arith.index_cast %add3A_461 : i32 to index
        %get3A_512 = arith.constant 48 : index
        %get3A_513 = tpu.vector_load %arg10[%get3A_510, %get3A_511, %get3A_512] {strides = array<i32>} : memref<4x128x64xf32, #tpu.memory_space<vmem>>, vector<1x1x16xf32>,
        %get3A_514 = vector.shape_cast %get3A_513 : vector<1x1x16xf32> to vector<16xf32>
        %get3A_515 = arith.index_cast %squeeze3A_459 : i32 to index
        %get3A_516 = arith.constant 48 : index
        %get3A_517 = tpu.vector_load %arg11[%get3A_515, %get3A_516] {strides = array<i32>} : memref<400x64xf32, #tpu.memory_space<vmem>>, vector<1x16xf32>,
        %get3A_518 = vector.shape_cast %get3A_517 : vector<1x16xf32> to vector<16xf32>
        %add3A_519 = arith.addf %get3A_514, %get3A_518 : vector<16xf32>
        %swap3A_520 = arith.index_cast %rem3A_181 : i32 to index
        %swap3A_521 = arith.index_cast %add3A_461 : i32 to index
        %swap3A_522 = arith.constant 48 : index
        %swap3A_523 = tpu.vector_load %arg10[%swap3A_520, %swap3A_521, %swap3A_522] {strides = array<i32>} : memref<4x128x64xf32, #tpu.memory_space<vmem>>, vector<1x1x16xf32>,
        %swap3A_524 = vector.shape_cast %swap3A_523 : vector<1x1x16xf32> to vector<16xf32>
        %swap3A_525 = vector.shape_cast %add3A_519 : vector<16xf32> to vector<1x1x16xf32>
        tpu.vector_store %arg10[%swap3A_520, %swap3A_521, %swap3A_522], %swap3A_525 {strides = array<i32>} : memref<4x128x64xf32, #tpu.memory_space<vmem>>, vector<1x1x16xf32>,
        %slice3A_526 = vector.extract_strided_slice %add3A_256 {offsets = [4], sizes = [1], strides = [1]} : vector<16xi32> to vector<1xi32>
        %squeeze3A_527 = vector.extract %slice3A_526[0] : i32 from vector<1xi32>
        %add3A_528 = arith.constant 4 : i32
        %add3A_529 = arith.addi %mul3A_241, %add3A_528 : i32
        %get3A_530 = arith.index_cast %rem3A_181 : i32 to index
        %get3A_531 = arith.index_cast %add3A_529 : i32 to index
        %get3A_532 = arith.constant 0 : index
        %get3A_533 = tpu.vector_load %arg10[%get3A_530, %get3A_531, %get3A_532] {strides = array<i32>} : memref<4x128x64xf32, #tpu.memory_space<vmem>>, vector<1x1x16xf32>,
        %get3A_534 = vector.shape_cast %get3A_533 : vector<1x1x16xf32> to vector<16xf32>
        %get3A_535 = arith.index_cast %squeeze3A_527 : i32 to index
        %get3A_536 = arith.constant 0 : index
        %get3A_537 = tpu.vector_load %arg11[%get3A_535, %get3A_536] {strides = array<i32>} : memref<400x64xf32, #tpu.memory_space<vmem>>, vector<1x16xf32>,
        %get3A_538 = vector.shape_cast %get3A_537 : vector<1x16xf32> to vector<16xf32>
        %add3A_539 = arith.addf %get3A_534, %get3A_538 : vector<16xf32>
        %swap3A_540 = arith.index_cast %rem3A_181 : i32 to index
        %swap3A_541 = arith.index_cast %add3A_529 : i32 to index
        %swap3A_542 = arith.constant 0 : index
        %swap3A_543 = tpu.vector_load %arg10[%swap3A_540, %swap3A_541, %swap3A_542] {strides = array<i32>} : memref<4x128x64xf32, #tpu.memory_space<vmem>>, vector<1x1x16xf32>,
        %swap3A_544 = vector.shape_cast %swap3A_543 : vector<1x1x16xf32> to vector<16xf32>
        %swap3A_545 = vector.shape_cast %add3A_539 : vector<16xf32> to vector<1x1x16xf32>
        tpu.vector_store %arg10[%swap3A_540, %swap3A_541, %swap3A_542], %swap3A_545 {strides = array<i32>} : memref<4x128x64xf32, #tpu.memory_space<vmem>>, vector<1x1x16xf32>,
        %get3A_546 = arith.index_cast %rem3A_181 : i32 to index
        %get3A_547 = arith.index_cast %add3A_529 : i32 to index
        %get3A_548 = arith.constant 16 : index
        %get3A_549 = tpu.vector_load %arg10[%get3A_546, %get3A_547, %get3A_548] {strides = array<i32>} : memref<4x128x64xf32, #tpu.memory_space<vmem>>, vector<1x1x16xf32>,
        %get3A_550 = vector.shape_cast %get3A_549 : vector<1x1x16xf32> to vector<16xf32>
        %get3A_551 = arith.index_cast %squeeze3A_527 : i32 to index
        %get3A_552 = arith.constant 16 : index
        %get3A_553 = tpu.vector_load %arg11[%get3A_551, %get3A_552] {strides = array<i32>} : memref<400x64xf32, #tpu.memory_space<vmem>>, vector<1x16xf32>,
        %get3A_554 = vector.shape_cast %get3A_553 : vector<1x16xf32> to vector<16xf32>
        %add3A_555 = arith.addf %get3A_550, %get3A_554 : vector<16xf32>
        %swap3A_556 = arith.index_cast %rem3A_181 : i32 to index
        %swap3A_557 = arith.index_cast %add3A_529 : i32 to index
        %swap3A_558 = arith.constant 16 : index
        %swap3A_559 = tpu.vector_load %arg10[%swap3A_556, %swap3A_557, %swap3A_558] {strides = array<i32>} : memref<4x128x64xf32, #tpu.memory_space<vmem>>, vector<1x1x16xf32>,
        %swap3A_560 = vector.shape_cast %swap3A_559 : vector<1x1x16xf32> to vector<16xf32>
        %swap3A_561 = vector.shape_cast %add3A_555 : vector<16xf32> to vector<1x1x16xf32>
        tpu.vector_store %arg10[%swap3A_556, %swap3A_557, %swap3A_558], %swap3A_561 {strides = array<i32>} : memref<4x128x64xf32, #tpu.memory_space<vmem>>, vector<1x1x16xf32>,
        %get3A_562 = arith.index_cast %rem3A_181 : i32 to index
        %get3A_563 = arith.index_cast %add3A_529 : i32 to index
        %get3A_564 = arith.constant 32 : index
        %get3A_565 = tpu.vector_load %arg10[%get3A_562, %get3A_563, %get3A_564] {strides = array<i32>} : memref<4x128x64xf32, #tpu.memory_space<vmem>>, vector<1x1x16xf32>,
        %get3A_566 = vector.shape_cast %get3A_565 : vector<1x1x16xf32> to vector<16xf32>
        %get3A_567 = arith.index_cast %squeeze3A_527 : i32 to index
        %get3A_568 = arith.constant 32 : index
        %get3A_569 = tpu.vector_load %arg11[%get3A_567, %get3A_568] {strides = array<i32>} : memref<400x64xf32, #tpu.memory_space<vmem>>, vector<1x16xf32>,
        %get3A_570 = vector.shape_cast %get3A_569 : vector<1x16xf32> to vector<16xf32>
        %add3A_571 = arith.addf %get3A_566, %get3A_570 : vector<16xf32>
        %swap3A_572 = arith.index_cast %rem3A_181 : i32 to index
        %swap3A_573 = arith.index_cast %add3A_529 : i32 to index
        %swap3A_574 = arith.constant 32 : index
        %swap3A_575 = tpu.vector_load %arg10[%swap3A_572, %swap3A_573, %swap3A_574] {strides = array<i32>} : memref<4x128x64xf32, #tpu.memory_space<vmem>>, vector<1x1x16xf32>,
        %swap3A_576 = vector.shape_cast %swap3A_575 : vector<1x1x16xf32> to vector<16xf32>
        %swap3A_577 = vector.shape_cast %add3A_571 : vector<16xf32> to vector<1x1x16xf32>
        tpu.vector_store %arg10[%swap3A_572, %swap3A_573, %swap3A_574], %swap3A_577 {strides = array<i32>} : memref<4x128x64xf32, #tpu.memory_space<vmem>>, vector<1x1x16xf32>,
        %get3A_578 = arith.index_cast %rem3A_181 : i32 to index
        %get3A_579 = arith.index_cast %add3A_529 : i32 to index
        %get3A_580 = arith.constant 48 : index
        %get3A_581 = tpu.vector_load %arg10[%get3A_578, %get3A_579, %get3A_580] {strides = array<i32>} : memref<4x128x64xf32, #tpu.memory_space<vmem>>, vector<1x1x16xf32>,
        %get3A_582 = vector.shape_cast %get3A_581 : vector<1x1x16xf32> to vector<16xf32>
        %get3A_583 = arith.index_cast %squeeze3A_527 : i32 to index
        %get3A_584 = arith.constant 48 : index
        %get3A_585 = tpu.vector_load %arg11[%get3A_583, %get3A_584] {strides = array<i32>} : memref<400x64xf32, #tpu.memory_space<vmem>>, vector<1x16xf32>,
        %get3A_586 = vector.shape_cast %get3A_585 : vector<1x16xf32> to vector<16xf32>
        %add3A_587 = arith.addf %get3A_582, %get3A_586 : vector<16xf32>
        %swap3A_588 = arith.index_cast %rem3A_181 : i32 to index
        %swap3A_589 = arith.index_cast %add3A_529 : i32 to index
        %swap3A_590 = arith.constant 48 : index
        %swap3A_591 = tpu.vector_load %arg10[%swap3A_588, %swap3A_589, %swap3A_590] {strides = array<i32>} : memref<4x128x64xf32, #tpu.memory_space<vmem>>, vector<1x1x16xf32>,
        %swap3A_592 = vector.shape_cast %swap3A_591 : vector<1x1x16xf32> to vector<16xf32>
        %swap3A_593 = vector.shape_cast %add3A_587 : vector<16xf32> to vector<1x1x16xf32>
        tpu.vector_store %arg10[%swap3A_588, %swap3A_589, %swap3A_590], %swap3A_593 {strides = array<i32>} : memref<4x128x64xf32, #tpu.memory_space<vmem>>, vector<1x1x16xf32>,
        %slice3A_594 = vector.extract_strided_slice %add3A_256 {offsets = [5], sizes = [1], strides = [1]} : vector<16xi32> to vector<1xi32>
        %squeeze3A_595 = vector.extract %slice3A_594[0] : i32 from vector<1xi32>
        %add3A_596 = arith.constant 5 : i32
        %add3A_597 = arith.addi %mul3A_241, %add3A_596 : i32
        %get3A_598 = arith.index_cast %rem3A_181 : i32 to index
        %get3A_599 = arith.index_cast %add3A_597 : i32 to index
        %get3A_600 = arith.constant 0 : index
        %get3A_601 = tpu.vector_load %arg10[%get3A_598, %get3A_599, %get3A_600] {strides = array<i32>} : memref<4x128x64xf32, #tpu.memory_space<vmem>>, vector<1x1x16xf32>,
        %get3A_602 = vector.shape_cast %get3A_601 : vector<1x1x16xf32> to vector<16xf32>
        %get3A_603 = arith.index_cast %squeeze3A_595 : i32 to index
        %get3A_604 = arith.constant 0 : index
        %get3A_605 = tpu.vector_load %arg11[%get3A_603, %get3A_604] {strides = array<i32>} : memref<400x64xf32, #tpu.memory_space<vmem>>, vector<1x16xf32>,
        %get3A_606 = vector.shape_cast %get3A_605 : vector<1x16xf32> to vector<16xf32>
        %add3A_607 = arith.addf %get3A_602, %get3A_606 : vector<16xf32>
        %swap3A_608 = arith.index_cast %rem3A_181 : i32 to index
        %swap3A_609 = arith.index_cast %add3A_597 : i32 to index
        %swap3A_610 = arith.constant 0 : index
        %swap3A_611 = tpu.vector_load %arg10[%swap3A_608, %swap3A_609, %swap3A_610] {strides = array<i32>} : memref<4x128x64xf32, #tpu.memory_space<vmem>>, vector<1x1x16xf32>,
        %swap3A_612 = vector.shape_cast %swap3A_611 : vector<1x1x16xf32> to vector<16xf32>
        %swap3A_613 = vector.shape_cast %add3A_607 : vector<16xf32> to vector<1x1x16xf32>
        tpu.vector_store %arg10[%swap3A_608, %swap3A_609, %swap3A_610], %swap3A_613 {strides = array<i32>} : memref<4x128x64xf32, #tpu.memory_space<vmem>>, vector<1x1x16xf32>,
        %get3A_614 = arith.index_cast %rem3A_181 : i32 to index
        %get3A_615 = arith.index_cast %add3A_597 : i32 to index
        %get3A_616 = arith.constant 16 : index
        %get3A_617 = tpu.vector_load %arg10[%get3A_614, %get3A_615, %get3A_616] {strides = array<i32>} : memref<4x128x64xf32, #tpu.memory_space<vmem>>, vector<1x1x16xf32>,
        %get3A_618 = vector.shape_cast %get3A_617 : vector<1x1x16xf32> to vector<16xf32>
        %get3A_619 = arith.index_cast %squeeze3A_595 : i32 to index
        %get3A_620 = arith.constant 16 : index
        %get3A_621 = tpu.vector_load %arg11[%get3A_619, %get3A_620] {strides = array<i32>} : memref<400x64xf32, #tpu.memory_space<vmem>>, vector<1x16xf32>,
        %get3A_622 = vector.shape_cast %get3A_621 : vector<1x16xf32> to vector<16xf32>
        %add3A_623 = arith.addf %get3A_618, %get3A_622 : vector<16xf32>
        %swap3A_624 = arith.index_cast %rem3A_181 : i32 to index
        %swap3A_625 = arith.index_cast %add3A_597 : i32 to index
        %swap3A_626 = arith.constant 16 : index
        %swap3A_627 = tpu.vector_load %arg10[%swap3A_624, %swap3A_625, %swap3A_626] {strides = array<i32>} : memref<4x128x64xf32, #tpu.memory_space<vmem>>, vector<1x1x16xf32>,
        %swap3A_628 = vector.shape_cast %swap3A_627 : vector<1x1x16xf32> to vector<16xf32>
        %swap3A_629 = vector.shape_cast %add3A_623 : vector<16xf32> to vector<1x1x16xf32>
        tpu.vector_store %arg10[%swap3A_624, %swap3A_625, %swap3A_626], %swap3A_629 {strides = array<i32>} : memref<4x128x64xf32, #tpu.memory_space<vmem>>, vector<1x1x16xf32>,
        %get3A_630 = arith.index_cast %rem3A_181 : i32 to index
        %get3A_631 = arith.index_cast %add3A_597 : i32 to index
        %get3A_632 = arith.constant 32 : index
        %get3A_633 = tpu.vector_load %arg10[%get3A_630, %get3A_631, %get3A_632] {strides = array<i32>} : memref<4x128x64xf32, #tpu.memory_space<vmem>>, vector<1x1x16xf32>,
        %get3A_634 = vector.shape_cast %get3A_633 : vector<1x1x16xf32> to vector<16xf32>
        %get3A_635 = arith.index_cast %squeeze3A_595 : i32 to index
        %get3A_636 = arith.constant 32 : index
        %get3A_637 = tpu.vector_load %arg11[%get3A_635, %get3A_636] {strides = array<i32>} : memref<400x64xf32, #tpu.memory_space<vmem>>, vector<1x16xf32>,
        %get3A_638 = vector.shape_cast %get3A_637 : vector<1x16xf32> to vector<16xf32>
        %add3A_639 = arith.addf %get3A_634, %get3A_638 : vector<16xf32>
        %swap3A_640 = arith.index_cast %rem3A_181 : i32 to index
        %swap3A_641 = arith.index_cast %add3A_597 : i32 to index
        %swap3A_642 = arith.constant 32 : index
        %swap3A_643 = tpu.vector_load %arg10[%swap3A_640, %swap3A_641, %swap3A_642] {strides = array<i32>} : memref<4x128x64xf32, #tpu.memory_space<vmem>>, vector<1x1x16xf32>,
        %swap3A_644 = vector.shape_cast %swap3A_643 : vector<1x1x16xf32> to vector<16xf32>
        %swap3A_645 = vector.shape_cast %add3A_639 : vector<16xf32> to vector<1x1x16xf32>
        tpu.vector_store %arg10[%swap3A_640, %swap3A_641, %swap3A_642], %swap3A_645 {strides = array<i32>} : memref<4x128x64xf32, #tpu.memory_space<vmem>>, vector<1x1x16xf32>,
        %get3A_646 = arith.index_cast %rem3A_181 : i32 to index
        %get3A_647 = arith.index_cast %add3A_597 : i32 to index
        %get3A_648 = arith.constant 48 : index
        %get3A_649 = tpu.vector_load %arg10[%get3A_646, %get3A_647, %get3A_648] {strides = array<i32>} : memref<4x128x64xf32, #tpu.memory_space<vmem>>, vector<1x1x16xf32>,
        %get3A_650 = vector.shape_cast %get3A_649 : vector<1x1x16xf32> to vector<16xf32>
        %get3A_651 = arith.index_cast %squeeze3A_595 : i32 to index
        %get3A_652 = arith.constant 48 : index
        %get3A_653 = tpu.vector_load %arg11[%get3A_651, %get3A_652] {strides = array<i32>} : memref<400x64xf32, #tpu.memory_space<vmem>>, vector<1x16xf32>,
        %get3A_654 = vector.shape_cast %get3A_653 : vector<1x16xf32> to vector<16xf32>
        %add3A_655 = arith.addf %get3A_650, %get3A_654 : vector<16xf32>
        %swap3A_656 = arith.index_cast %rem3A_181 : i32 to index
        %swap3A_657 = arith.index_cast %add3A_597 : i32 to index
        %swap3A_658 = arith.constant 48 : index
        %swap3A_659 = tpu.vector_load %arg10[%swap3A_656, %swap3A_657, %swap3A_658] {strides = array<i32>} : memref<4x128x64xf32, #tpu.memory_space<vmem>>, vector<1x1x16xf32>,
        %swap3A_660 = vector.shape_cast %swap3A_659 : vector<1x1x16xf32> to vector<16xf32>
        %swap3A_661 = vector.shape_cast %add3A_655 : vector<16xf32> to vector<1x1x16xf32>
        tpu.vector_store %arg10[%swap3A_656, %swap3A_657, %swap3A_658], %swap3A_661 {strides = array<i32>} : memref<4x128x64xf32, #tpu.memory_space<vmem>>, vector<1x1x16xf32>,
        %slice3A_662 = vector.extract_strided_slice %add3A_256 {offsets = [6], sizes = [1], strides = [1]} : vector<16xi32> to vector<1xi32>
        %squeeze3A_663 = vector.extract %slice3A_662[0] : i32 from vector<1xi32>
        %add3A_664 = arith.constant 6 : i32
        %add3A_665 = arith.addi %mul3A_241, %add3A_664 : i32
        %get3A_666 = arith.index_cast %rem3A_181 : i32 to index
        %get3A_667 = arith.index_cast %add3A_665 : i32 to index
        %get3A_668 = arith.constant 0 : index
        %get3A_669 = tpu.vector_load %arg10[%get3A_666, %get3A_667, %get3A_668] {strides = array<i32>} : memref<4x128x64xf32, #tpu.memory_space<vmem>>, vector<1x1x16xf32>,
        %get3A_670 = vector.shape_cast %get3A_669 : vector<1x1x16xf32> to vector<16xf32>
        %get3A_671 = arith.index_cast %squeeze3A_663 : i32 to index
        %get3A_672 = arith.constant 0 : index
        %get3A_673 = tpu.vector_load %arg11[%get3A_671, %get3A_672] {strides = array<i32>} : memref<400x64xf32, #tpu.memory_space<vmem>>, vector<1x16xf32>,
        %get3A_674 = vector.shape_cast %get3A_673 : vector<1x16xf32> to vector<16xf32>
        %add3A_675 = arith.addf %get3A_670, %get3A_674 : vector<16xf32>
        %swap3A_676 = arith.index_cast %rem3A_181 : i32 to index
        %swap3A_677 = arith.index_cast %add3A_665 : i32 to index
        %swap3A_678 = arith.constant 0 : index
        %swap3A_679 = tpu.vector_load %arg10[%swap3A_676, %swap3A_677, %swap3A_678] {strides = array<i32>} : memref<4x128x64xf32, #tpu.memory_space<vmem>>, vector<1x1x16xf32>,
        %swap3A_680 = vector.shape_cast %swap3A_679 : vector<1x1x16xf32> to vector<16xf32>
        %swap3A_681 = vector.shape_cast %add3A_675 : vector<16xf32> to vector<1x1x16xf32>
        tpu.vector_store %arg10[%swap3A_676, %swap3A_677, %swap3A_678], %swap3A_681 {strides = array<i32>} : memref<4x128x64xf32, #tpu.memory_space<vmem>>, vector<1x1x16xf32>,
        %get3A_682 = arith.index_cast %rem3A_181 : i32 to index
        %get3A_683 = arith.index_cast %add3A_665 : i32 to index
        %get3A_684 = arith.constant 16 : index
        %get3A_685 = tpu.vector_load %arg10[%get3A_682, %get3A_683, %get3A_684] {strides = array<i32>} : memref<4x128x64xf32, #tpu.memory_space<vmem>>, vector<1x1x16xf32>,
        %get3A_686 = vector.shape_cast %get3A_685 : vector<1x1x16xf32> to vector<16xf32>
        %get3A_687 = arith.index_cast %squeeze3A_663 : i32 to index
        %get3A_688 = arith.constant 16 : index
        %get3A_689 = tpu.vector_load %arg11[%get3A_687, %get3A_688] {strides = array<i32>} : memref<400x64xf32, #tpu.memory_space<vmem>>, vector<1x16xf32>,
        %get3A_690 = vector.shape_cast %get3A_689 : vector<1x16xf32> to vector<16xf32>
        %add3A_691 = arith.addf %get3A_686, %get3A_690 : vector<16xf32>
        %swap3A_692 = arith.index_cast %rem3A_181 : i32 to index
        %swap3A_693 = arith.index_cast %add3A_665 : i32 to index
        %swap3A_694 = arith.constant 16 : index
        %swap3A_695 = tpu.vector_load %arg10[%swap3A_692, %swap3A_693, %swap3A_694] {strides = array<i32>} : memref<4x128x64xf32, #tpu.memory_space<vmem>>, vector<1x1x16xf32>,
        %swap3A_696 = vector.shape_cast %swap3A_695 : vector<1x1x16xf32> to vector<16xf32>
        %swap3A_697 = vector.shape_cast %add3A_691 : vector<16xf32> to vector<1x1x16xf32>
        tpu.vector_store %arg10[%swap3A_692, %swap3A_693, %swap3A_694], %swap3A_697 {strides = array<i32>} : memref<4x128x64xf32, #tpu.memory_space<vmem>>, vector<1x1x16xf32>,
        %get3A_698 = arith.index_cast %rem3A_181 : i32 to index
        %get3A_699 = arith.index_cast %add3A_665 : i32 to index
        %get3A_700 = arith.constant 32 : index
        %get3A_701 = tpu.vector_load %arg10[%get3A_698, %get3A_699, %get3A_700] {strides = array<i32>} : memref<4x128x64xf32, #tpu.memory_space<vmem>>, vector<1x1x16xf32>,
        %get3A_702 = vector.shape_cast %get3A_701 : vector<1x1x16xf32> to vector<16xf32>
        %get3A_703 = arith.index_cast %squeeze3A_663 : i32 to index
        %get3A_704 = arith.constant 32 : index
        %get3A_705 = tpu.vector_load %arg11[%get3A_703, %get3A_704] {strides = array<i32>} : memref<400x64xf32, #tpu.memory_space<vmem>>, vector<1x16xf32>,
        %get3A_706 = vector.shape_cast %get3A_705 : vector<1x16xf32> to vector<16xf32>
        %add3A_707 = arith.addf %get3A_702, %get3A_706 : vector<16xf32>
        %swap3A_708 = arith.index_cast %rem3A_181 : i32 to index
        %swap3A_709 = arith.index_cast %add3A_665 : i32 to index
        %swap3A_710 = arith.constant 32 : index
        %swap3A_711 = tpu.vector_load %arg10[%swap3A_708, %swap3A_709, %swap3A_710] {strides = array<i32>} : memref<4x128x64xf32, #tpu.memory_space<vmem>>, vector<1x1x16xf32>,
        %swap3A_712 = vector.shape_cast %swap3A_711 : vector<1x1x16xf32> to vector<16xf32>
        %swap3A_713 = vector.shape_cast %add3A_707 : vector<16xf32> to vector<1x1x16xf32>
        tpu.vector_store %arg10[%swap3A_708, %swap3A_709, %swap3A_710], %swap3A_713 {strides = array<i32>} : memref<4x128x64xf32, #tpu.memory_space<vmem>>, vector<1x1x16xf32>,
        %get3A_714 = arith.index_cast %rem3A_181 : i32 to index
        %get3A_715 = arith.index_cast %add3A_665 : i32 to index
        %get3A_716 = arith.constant 48 : index
        %get3A_717 = tpu.vector_load %arg10[%get3A_714, %get3A_715, %get3A_716] {strides = array<i32>} : memref<4x128x64xf32, #tpu.memory_space<vmem>>, vector<1x1x16xf32>,
        %get3A_718 = vector.shape_cast %get3A_717 : vector<1x1x16xf32> to vector<16xf32>
        %get3A_719 = arith.index_cast %squeeze3A_663 : i32 to index
        %get3A_720 = arith.constant 48 : index
        %get3A_721 = tpu.vector_load %arg11[%get3A_719, %get3A_720] {strides = array<i32>} : memref<400x64xf32, #tpu.memory_space<vmem>>, vector<1x16xf32>,
        %get3A_722 = vector.shape_cast %get3A_721 : vector<1x16xf32> to vector<16xf32>
        %add3A_723 = arith.addf %get3A_718, %get3A_722 : vector<16xf32>
        %swap3A_724 = arith.index_cast %rem3A_181 : i32 to index
        %swap3A_725 = arith.index_cast %add3A_665 : i32 to index
        %swap3A_726 = arith.constant 48 : index
        %swap3A_727 = tpu.vector_load %arg10[%swap3A_724, %swap3A_725, %swap3A_726] {strides = array<i32>} : memref<4x128x64xf32, #tpu.memory_space<vmem>>, vector<1x1x16xf32>,
        %swap3A_728 = vector.shape_cast %swap3A_727 : vector<1x1x16xf32> to vector<16xf32>
        %swap3A_729 = vector.shape_cast %add3A_723 : vector<16xf32> to vector<1x1x16xf32>
        tpu.vector_store %arg10[%swap3A_724, %swap3A_725, %swap3A_726], %swap3A_729 {strides = array<i32>} : memref<4x128x64xf32, #tpu.memory_space<vmem>>, vector<1x1x16xf32>,
        %slice3A_730 = vector.extract_strided_slice %add3A_256 {offsets = [7], sizes = [1], strides = [1]} : vector<16xi32> to vector<1xi32>
        %squeeze3A_731 = vector.extract %slice3A_730[0] : i32 from vector<1xi32>
        %add3A_732 = arith.constant 7 : i32
        %add3A_733 = arith.addi %mul3A_241, %add3A_732 : i32
        %get3A_734 = arith.index_cast %rem3A_181 : i32 to index
        %get3A_735 = arith.index_cast %add3A_733 : i32 to index
        %get3A_736 = arith.constant 0 : index
        %get3A_737 = tpu.vector_load %arg10[%get3A_734, %get3A_735, %get3A_736] {strides = array<i32>} : memref<4x128x64xf32, #tpu.memory_space<vmem>>, vector<1x1x16xf32>,
        %get3A_738 = vector.shape_cast %get3A_737 : vector<1x1x16xf32> to vector<16xf32>
        %get3A_739 = arith.index_cast %squeeze3A_731 : i32 to index
        %get3A_740 = arith.constant 0 : index
        %get3A_741 = tpu.vector_load %arg11[%get3A_739, %get3A_740] {strides = array<i32>} : memref<400x64xf32, #tpu.memory_space<vmem>>, vector<1x16xf32>,
        %get3A_742 = vector.shape_cast %get3A_741 : vector<1x16xf32> to vector<16xf32>
        %add3A_743 = arith.addf %get3A_738, %get3A_742 : vector<16xf32>
        %swap3A_744 = arith.index_cast %rem3A_181 : i32 to index
        %swap3A_745 = arith.index_cast %add3A_733 : i32 to index
        %swap3A_746 = arith.constant 0 : index
        %swap3A_747 = tpu.vector_load %arg10[%swap3A_744, %swap3A_745, %swap3A_746] {strides = array<i32>} : memref<4x128x64xf32, #tpu.memory_space<vmem>>, vector<1x1x16xf32>,
        %swap3A_748 = vector.shape_cast %swap3A_747 : vector<1x1x16xf32> to vector<16xf32>
        %swap3A_749 = vector.shape_cast %add3A_743 : vector<16xf32> to vector<1x1x16xf32>
        tpu.vector_store %arg10[%swap3A_744, %swap3A_745, %swap3A_746], %swap3A_749 {strides = array<i32>} : memref<4x128x64xf32, #tpu.memory_space<vmem>>, vector<1x1x16xf32>,
        %get3A_750 = arith.index_cast %rem3A_181 : i32 to index
        %get3A_751 = arith.index_cast %add3A_733 : i32 to index
        %get3A_752 = arith.constant 16 : index
        %get3A_753 = tpu.vector_load %arg10[%get3A_750, %get3A_751, %get3A_752] {strides = array<i32>} : memref<4x128x64xf32, #tpu.memory_space<vmem>>, vector<1x1x16xf32>,
        %get3A_754 = vector.shape_cast %get3A_753 : vector<1x1x16xf32> to vector<16xf32>
        %get3A_755 = arith.index_cast %squeeze3A_731 : i32 to index
        %get3A_756 = arith.constant 16 : index
        %get3A_757 = tpu.vector_load %arg11[%get3A_755, %get3A_756] {strides = array<i32>} : memref<400x64xf32, #tpu.memory_space<vmem>>, vector<1x16xf32>,
        %get3A_758 = vector.shape_cast %get3A_757 : vector<1x16xf32> to vector<16xf32>
        %add3A_759 = arith.addf %get3A_754, %get3A_758 : vector<16xf32>
        %swap3A_760 = arith.index_cast %rem3A_181 : i32 to index
        %swap3A_761 = arith.index_cast %add3A_733 : i32 to index
        %swap3A_762 = arith.constant 16 : index
        %swap3A_763 = tpu.vector_load %arg10[%swap3A_760, %swap3A_761, %swap3A_762] {strides = array<i32>} : memref<4x128x64xf32, #tpu.memory_space<vmem>>, vector<1x1x16xf32>,
        %swap3A_764 = vector.shape_cast %swap3A_763 : vector<1x1x16xf32> to vector<16xf32>
        %swap3A_765 = vector.shape_cast %add3A_759 : vector<16xf32> to vector<1x1x16xf32>
        tpu.vector_store %arg10[%swap3A_760, %swap3A_761, %swap3A_762], %swap3A_765 {strides = array<i32>} : memref<4x128x64xf32, #tpu.memory_space<vmem>>, vector<1x1x16xf32>,
        %get3A_766 = arith.index_cast %rem3A_181 : i32 to index
        %get3A_767 = arith.index_cast %add3A_733 : i32 to index
        %get3A_768 = arith.constant 32 : index
        %get3A_769 = tpu.vector_load %arg10[%get3A_766, %get3A_767, %get3A_768] {strides = array<i32>} : memref<4x128x64xf32, #tpu.memory_space<vmem>>, vector<1x1x16xf32>,
        %get3A_770 = vector.shape_cast %get3A_769 : vector<1x1x16xf32> to vector<16xf32>
        %get3A_771 = arith.index_cast %squeeze3A_731 : i32 to index
        %get3A_772 = arith.constant 32 : index
        %get3A_773 = tpu.vector_load %arg11[%get3A_771, %get3A_772] {strides = array<i32>} : memref<400x64xf32, #tpu.memory_space<vmem>>, vector<1x16xf32>,
        %get3A_774 = vector.shape_cast %get3A_773 : vector<1x16xf32> to vector<16xf32>
        %add3A_775 = arith.addf %get3A_770, %get3A_774 : vector<16xf32>
        %swap3A_776 = arith.index_cast %rem3A_181 : i32 to index
        %swap3A_777 = arith.index_cast %add3A_733 : i32 to index
        %swap3A_778 = arith.constant 32 : index
        %swap3A_779 = tpu.vector_load %arg10[%swap3A_776, %swap3A_777, %swap3A_778] {strides = array<i32>} : memref<4x128x64xf32, #tpu.memory_space<vmem>>, vector<1x1x16xf32>,
        %swap3A_780 = vector.shape_cast %swap3A_779 : vector<1x1x16xf32> to vector<16xf32>
        %swap3A_781 = vector.shape_cast %add3A_775 : vector<16xf32> to vector<1x1x16xf32>
        tpu.vector_store %arg10[%swap3A_776, %swap3A_777, %swap3A_778], %swap3A_781 {strides = array<i32>} : memref<4x128x64xf32, #tpu.memory_space<vmem>>, vector<1x1x16xf32>,
        %get3A_782 = arith.index_cast %rem3A_181 : i32 to index
        %get3A_783 = arith.index_cast %add3A_733 : i32 to index
        %get3A_784 = arith.constant 48 : index
        %get3A_785 = tpu.vector_load %arg10[%get3A_782, %get3A_783, %get3A_784] {strides = array<i32>} : memref<4x128x64xf32, #tpu.memory_space<vmem>>, vector<1x1x16xf32>,
        %get3A_786 = vector.shape_cast %get3A_785 : vector<1x1x16xf32> to vector<16xf32>
        %get3A_787 = arith.index_cast %squeeze3A_731 : i32 to index
        %get3A_788 = arith.constant 48 : index
        %get3A_789 = tpu.vector_load %arg11[%get3A_787, %get3A_788] {strides = array<i32>} : memref<400x64xf32, #tpu.memory_space<vmem>>, vector<1x16xf32>,
        %get3A_790 = vector.shape_cast %get3A_789 : vector<1x16xf32> to vector<16xf32>
        %add3A_791 = arith.addf %get3A_786, %get3A_790 : vector<16xf32>
        %swap3A_792 = arith.index_cast %rem3A_181 : i32 to index
        %swap3A_793 = arith.index_cast %add3A_733 : i32 to index
        %swap3A_794 = arith.constant 48 : index
        %swap3A_795 = tpu.vector_load %arg10[%swap3A_792, %swap3A_793, %swap3A_794] {strides = array<i32>} : memref<4x128x64xf32, #tpu.memory_space<vmem>>, vector<1x1x16xf32>,
        %swap3A_796 = vector.shape_cast %swap3A_795 : vector<1x1x16xf32> to vector<16xf32>
        %swap3A_797 = vector.shape_cast %add3A_791 : vector<16xf32> to vector<1x1x16xf32>
        tpu.vector_store %arg10[%swap3A_792, %swap3A_793, %swap3A_794], %swap3A_797 {strides = array<i32>} : memref<4x128x64xf32, #tpu.memory_space<vmem>>, vector<1x1x16xf32>,
        %slice3A_798 = vector.extract_strided_slice %add3A_256 {offsets = [8], sizes = [1], strides = [1]} : vector<16xi32> to vector<1xi32>
        %squeeze3A_799 = vector.extract %slice3A_798[0] : i32 from vector<1xi32>
        %add3A_800 = arith.constant 8 : i32
        %add3A_801 = arith.addi %mul3A_241, %add3A_800 : i32
        %get3A_802 = arith.index_cast %rem3A_181 : i32 to index
        %get3A_803 = arith.index_cast %add3A_801 : i32 to index
        %get3A_804 = arith.constant 0 : index
        %get3A_805 = tpu.vector_load %arg10[%get3A_802, %get3A_803, %get3A_804] {strides = array<i32>} : memref<4x128x64xf32, #tpu.memory_space<vmem>>, vector<1x1x16xf32>,
        %get3A_806 = vector.shape_cast %get3A_805 : vector<1x1x16xf32> to vector<16xf32>
        %get3A_807 = arith.index_cast %squeeze3A_799 : i32 to index
        %get3A_808 = arith.constant 0 : index
        %get3A_809 = tpu.vector_load %arg11[%get3A_807, %get3A_808] {strides = array<i32>} : memref<400x64xf32, #tpu.memory_space<vmem>>, vector<1x16xf32>,
        %get3A_810 = vector.shape_cast %get3A_809 : vector<1x16xf32> to vector<16xf32>
        %add3A_811 = arith.addf %get3A_806, %get3A_810 : vector<16xf32>
        %swap3A_812 = arith.index_cast %rem3A_181 : i32 to index
        %swap3A_813 = arith.index_cast %add3A_801 : i32 to index
        %swap3A_814 = arith.constant 0 : index
        %swap3A_815 = tpu.vector_load %arg10[%swap3A_812, %swap3A_813, %swap3A_814] {strides = array<i32>} : memref<4x128x64xf32, #tpu.memory_space<vmem>>, vector<1x1x16xf32>,
        %swap3A_816 = vector.shape_cast %swap3A_815 : vector<1x1x16xf32> to vector<16xf32>
        %swap3A_817 = vector.shape_cast %add3A_811 : vector<16xf32> to vector<1x1x16xf32>
        tpu.vector_store %arg10[%swap3A_812, %swap3A_813, %swap3A_814], %swap3A_817 {strides = array<i32>} : memref<4x128x64xf32, #tpu.memory_space<vmem>>, vector<1x1x16xf32>,
        %get3A_818 = arith.index_cast %rem3A_181 : i32 to index
        %get3A_819 = arith.index_cast %add3A_801 : i32 to index
        %get3A_820 = arith.constant 16 : index
        %get3A_821 = tpu.vector_load %arg10[%get3A_818, %get3A_819, %get3A_820] {strides = array<i32>} : memref<4x128x64xf32, #tpu.memory_space<vmem>>, vector<1x1x16xf32>,
        %get3A_822 = vector.shape_cast %get3A_821 : vector<1x1x16xf32> to vector<16xf32>
        %get3A_823 = arith.index_cast %squeeze3A_799 : i32 to index
        %get3A_824 = arith.constant 16 : index
        %get3A_825 = tpu.vector_load %arg11[%get3A_823, %get3A_824] {strides = array<i32>} : memref<400x64xf32, #tpu.memory_space<vmem>>, vector<1x16xf32>,
        %get3A_826 = vector.shape_cast %get3A_825 : vector<1x16xf32> to vector<16xf32>
        %add3A_827 = arith.addf %get3A_822, %get3A_826 : vector<16xf32>
        %swap3A_828 = arith.index_cast %rem3A_181 : i32 to index
        %swap3A_829 = arith.index_cast %add3A_801 : i32 to index
        %swap3A_830 = arith.constant 16 : index
        %swap3A_831 = tpu.vector_load %arg10[%swap3A_828, %swap3A_829, %swap3A_830] {strides = array<i32>} : memref<4x128x64xf32, #tpu.memory_space<vmem>>, vector<1x1x16xf32>,
        %swap3A_832 = vector.shape_cast %swap3A_831 : vector<1x1x16xf32> to vector<16xf32>
        %swap3A_833 = vector.shape_cast %add3A_827 : vector<16xf32> to vector<1x1x16xf32>
        tpu.vector_store %arg10[%swap3A_828, %swap3A_829, %swap3A_830], %swap3A_833 {strides = array<i32>} : memref<4x128x64xf32, #tpu.memory_space<vmem>>, vector<1x1x16xf32>,
        %get3A_834 = arith.index_cast %rem3A_181 : i32 to index
        %get3A_835 = arith.index_cast %add3A_801 : i32 to index
        %get3A_836 = arith.constant 32 : index
        %get3A_837 = tpu.vector_load %arg10[%get3A_834, %get3A_835, %get3A_836] {strides = array<i32>} : memref<4x128x64xf32, #tpu.memory_space<vmem>>, vector<1x1x16xf32>,
        %get3A_838 = vector.shape_cast %get3A_837 : vector<1x1x16xf32> to vector<16xf32>
        %get3A_839 = arith.index_cast %squeeze3A_799 : i32 to index
        %get3A_840 = arith.constant 32 : index
        %get3A_841 = tpu.vector_load %arg11[%get3A_839, %get3A_840] {strides = array<i32>} : memref<400x64xf32, #tpu.memory_space<vmem>>, vector<1x16xf32>,
        %get3A_842 = vector.shape_cast %get3A_841 : vector<1x16xf32> to vector<16xf32>
        %add3A_843 = arith.addf %get3A_838, %get3A_842 : vector<16xf32>
        %swap3A_844 = arith.index_cast %rem3A_181 : i32 to index
        %swap3A_845 = arith.index_cast %add3A_801 : i32 to index
        %swap3A_846 = arith.constant 32 : index
        %swap3A_847 = tpu.vector_load %arg10[%swap3A_844, %swap3A_845, %swap3A_846] {strides = array<i32>} : memref<4x128x64xf32, #tpu.memory_space<vmem>>, vector<1x1x16xf32>,
        %swap3A_848 = vector.shape_cast %swap3A_847 : vector<1x1x16xf32> to vector<16xf32>
        %swap3A_849 = vector.shape_cast %add3A_843 : vector<16xf32> to vector<1x1x16xf32>
        tpu.vector_store %arg10[%swap3A_844, %swap3A_845, %swap3A_846], %swap3A_849 {strides = array<i32>} : memref<4x128x64xf32, #tpu.memory_space<vmem>>, vector<1x1x16xf32>,
        %get3A_850 = arith.index_cast %rem3A_181 : i32 to index
        %get3A_851 = arith.index_cast %add3A_801 : i32 to index
        %get3A_852 = arith.constant 48 : index
        %get3A_853 = tpu.vector_load %arg10[%get3A_850, %get3A_851, %get3A_852] {strides = array<i32>} : memref<4x128x64xf32, #tpu.memory_space<vmem>>, vector<1x1x16xf32>,
        %get3A_854 = vector.shape_cast %get3A_853 : vector<1x1x16xf32> to vector<16xf32>
        %get3A_855 = arith.index_cast %squeeze3A_799 : i32 to index
        %get3A_856 = arith.constant 48 : index
        %get3A_857 = tpu.vector_load %arg11[%get3A_855, %get3A_856] {strides = array<i32>} : memref<400x64xf32, #tpu.memory_space<vmem>>, vector<1x16xf32>,
        %get3A_858 = vector.shape_cast %get3A_857 : vector<1x16xf32> to vector<16xf32>
        %add3A_859 = arith.addf %get3A_854, %get3A_858 : vector<16xf32>
        %swap3A_860 = arith.index_cast %rem3A_181 : i32 to index
        %swap3A_861 = arith.index_cast %add3A_801 : i32 to index
        %swap3A_862 = arith.constant 48 : index
        %swap3A_863 = tpu.vector_load %arg10[%swap3A_860, %swap3A_861, %swap3A_862] {strides = array<i32>} : memref<4x128x64xf32, #tpu.memory_space<vmem>>, vector<1x1x16xf32>,
        %swap3A_864 = vector.shape_cast %swap3A_863 : vector<1x1x16xf32> to vector<16xf32>
        %swap3A_865 = vector.shape_cast %add3A_859 : vector<16xf32> to vector<1x1x16xf32>
        tpu.vector_store %arg10[%swap3A_860, %swap3A_861, %swap3A_862], %swap3A_865 {strides = array<i32>} : memref<4x128x64xf32, #tpu.memory_space<vmem>>, vector<1x1x16xf32>,
        %slice3A_866 = vector.extract_strided_slice %add3A_256 {offsets = [9], sizes = [1], strides = [1]} : vector<16xi32> to vector<1xi32>
        %squeeze3A_867 = vector.extract %slice3A_866[0] : i32 from vector<1xi32>
        %add3A_868 = arith.constant 9 : i32
        %add3A_869 = arith.addi %mul3A_241, %add3A_868 : i32
        %get3A_870 = arith.index_cast %rem3A_181 : i32 to index
        %get3A_871 = arith.index_cast %add3A_869 : i32 to index
        %get3A_872 = arith.constant 0 : index
        %get3A_873 = tpu.vector_load %arg10[%get3A_870, %get3A_871, %get3A_872] {strides = array<i32>} : memref<4x128x64xf32, #tpu.memory_space<vmem>>, vector<1x1x16xf32>,
        %get3A_874 = vector.shape_cast %get3A_873 : vector<1x1x16xf32> to vector<16xf32>
        %get3A_875 = arith.index_cast %squeeze3A_867 : i32 to index
        %get3A_876 = arith.constant 0 : index
        %get3A_877 = tpu.vector_load %arg11[%get3A_875, %get3A_876] {strides = array<i32>} : memref<400x64xf32, #tpu.memory_space<vmem>>, vector<1x16xf32>,
        %get3A_878 = vector.shape_cast %get3A_877 : vector<1x16xf32> to vector<16xf32>
        %add3A_879 = arith.addf %get3A_874, %get3A_878 : vector<16xf32>
        %swap3A_880 = arith.index_cast %rem3A_181 : i32 to index
        %swap3A_881 = arith.index_cast %add3A_869 : i32 to index
        %swap3A_882 = arith.constant 0 : index
        %swap3A_883 = tpu.vector_load %arg10[%swap3A_880, %swap3A_881, %swap3A_882] {strides = array<i32>} : memref<4x128x64xf32, #tpu.memory_space<vmem>>, vector<1x1x16xf32>,
        %swap3A_884 = vector.shape_cast %swap3A_883 : vector<1x1x16xf32> to vector<16xf32>
        %swap3A_885 = vector.shape_cast %add3A_879 : vector<16xf32> to vector<1x1x16xf32>
        tpu.vector_store %arg10[%swap3A_880, %swap3A_881, %swap3A_882], %swap3A_885 {strides = array<i32>} : memref<4x128x64xf32, #tpu.memory_space<vmem>>, vector<1x1x16xf32>,
        %get3A_886 = arith.index_cast %rem3A_181 : i32 to index
        %get3A_887 = arith.index_cast %add3A_869 : i32 to index
        %get3A_888 = arith.constant 16 : index
        %get3A_889 = tpu.vector_load %arg10[%get3A_886, %get3A_887, %get3A_888] {strides = array<i32>} : memref<4x128x64xf32, #tpu.memory_space<vmem>>, vector<1x1x16xf32>,
        %get3A_890 = vector.shape_cast %get3A_889 : vector<1x1x16xf32> to vector<16xf32>
        %get3A_891 = arith.index_cast %squeeze3A_867 : i32 to index
        %get3A_892 = arith.constant 16 : index
        %get3A_893 = tpu.vector_load %arg11[%get3A_891, %get3A_892] {strides = array<i32>} : memref<400x64xf32, #tpu.memory_space<vmem>>, vector<1x16xf32>,
        %get3A_894 = vector.shape_cast %get3A_893 : vector<1x16xf32> to vector<16xf32>
        %add3A_895 = arith.addf %get3A_890, %get3A_894 : vector<16xf32>
        %swap3A_896 = arith.index_cast %rem3A_181 : i32 to index
        %swap3A_897 = arith.index_cast %add3A_869 : i32 to index
        %swap3A_898 = arith.constant 16 : index
        %swap3A_899 = tpu.vector_load %arg10[%swap3A_896, %swap3A_897, %swap3A_898] {strides = array<i32>} : memref<4x128x64xf32, #tpu.memory_space<vmem>>, vector<1x1x16xf32>,
        %swap3A_900 = vector.shape_cast %swap3A_899 : vector<1x1x16xf32> to vector<16xf32>
        %swap3A_901 = vector.shape_cast %add3A_895 : vector<16xf32> to vector<1x1x16xf32>
        tpu.vector_store %arg10[%swap3A_896, %swap3A_897, %swap3A_898], %swap3A_901 {strides = array<i32>} : memref<4x128x64xf32, #tpu.memory_space<vmem>>, vector<1x1x16xf32>,
        %get3A_902 = arith.index_cast %rem3A_181 : i32 to index
        %get3A_903 = arith.index_cast %add3A_869 : i32 to index
        %get3A_904 = arith.constant 32 : index
        %get3A_905 = tpu.vector_load %arg10[%get3A_902, %get3A_903, %get3A_904] {strides = array<i32>} : memref<4x128x64xf32, #tpu.memory_space<vmem>>, vector<1x1x16xf32>,
        %get3A_906 = vector.shape_cast %get3A_905 : vector<1x1x16xf32> to vector<16xf32>
        %get3A_907 = arith.index_cast %squeeze3A_867 : i32 to index
        %get3A_908 = arith.constant 32 : index
        %get3A_909 = tpu.vector_load %arg11[%get3A_907, %get3A_908] {strides = array<i32>} : memref<400x64xf32, #tpu.memory_space<vmem>>, vector<1x16xf32>,
        %get3A_910 = vector.shape_cast %get3A_909 : vector<1x16xf32> to vector<16xf32>
        %add3A_911 = arith.addf %get3A_906, %get3A_910 : vector<16xf32>
        %swap3A_912 = arith.index_cast %rem3A_181 : i32 to index
        %swap3A_913 = arith.index_cast %add3A_869 : i32 to index
        %swap3A_914 = arith.constant 32 : index
        %swap3A_915 = tpu.vector_load %arg10[%swap3A_912, %swap3A_913, %swap3A_914] {strides = array<i32>} : memref<4x128x64xf32, #tpu.memory_space<vmem>>, vector<1x1x16xf32>,
        %swap3A_916 = vector.shape_cast %swap3A_915 : vector<1x1x16xf32> to vector<16xf32>
        %swap3A_917 = vector.shape_cast %add3A_911 : vector<16xf32> to vector<1x1x16xf32>
        tpu.vector_store %arg10[%swap3A_912, %swap3A_913, %swap3A_914], %swap3A_917 {strides = array<i32>} : memref<4x128x64xf32, #tpu.memory_space<vmem>>, vector<1x1x16xf32>,
        %get3A_918 = arith.index_cast %rem3A_181 : i32 to index
        %get3A_919 = arith.index_cast %add3A_869 : i32 to index
        %get3A_920 = arith.constant 48 : index
        %get3A_921 = tpu.vector_load %arg10[%get3A_918, %get3A_919, %get3A_920] {strides = array<i32>} : memref<4x128x64xf32, #tpu.memory_space<vmem>>, vector<1x1x16xf32>,
        %get3A_922 = vector.shape_cast %get3A_921 : vector<1x1x16xf32> to vector<16xf32>
        %get3A_923 = arith.index_cast %squeeze3A_867 : i32 to index
        %get3A_924 = arith.constant 48 : index
        %get3A_925 = tpu.vector_load %arg11[%get3A_923, %get3A_924] {strides = array<i32>} : memref<400x64xf32, #tpu.memory_space<vmem>>, vector<1x16xf32>,
        %get3A_926 = vector.shape_cast %get3A_925 : vector<1x16xf32> to vector<16xf32>
        %add3A_927 = arith.addf %get3A_922, %get3A_926 : vector<16xf32>
        %swap3A_928 = arith.index_cast %rem3A_181 : i32 to index
        %swap3A_929 = arith.index_cast %add3A_869 : i32 to index
        %swap3A_930 = arith.constant 48 : index
        %swap3A_931 = tpu.vector_load %arg10[%swap3A_928, %swap3A_929, %swap3A_930] {strides = array<i32>} : memref<4x128x64xf32, #tpu.memory_space<vmem>>, vector<1x1x16xf32>,
        %swap3A_932 = vector.shape_cast %swap3A_931 : vector<1x1x16xf32> to vector<16xf32>
        %swap3A_933 = vector.shape_cast %add3A_927 : vector<16xf32> to vector<1x1x16xf32>
        tpu.vector_store %arg10[%swap3A_928, %swap3A_929, %swap3A_930], %swap3A_933 {strides = array<i32>} : memref<4x128x64xf32, #tpu.memory_space<vmem>>, vector<1x1x16xf32>,
        %slice3A_934 = vector.extract_strided_slice %add3A_256 {offsets = [10], sizes = [1], strides = [1]} : vector<16xi32> to vector<1xi32>
        %squeeze3A_935 = vector.extract %slice3A_934[0] : i32 from vector<1xi32>
        %add3A_936 = arith.constant 10 : i32
        %add3A_937 = arith.addi %mul3A_241, %add3A_936 : i32
        %get3A_938 = arith.index_cast %rem3A_181 : i32 to index
        %get3A_939 = arith.index_cast %add3A_937 : i32 to index
        %get3A_940 = arith.constant 0 : index
        %get3A_941 = tpu.vector_load %arg10[%get3A_938, %get3A_939, %get3A_940] {strides = array<i32>} : memref<4x128x64xf32, #tpu.memory_space<vmem>>, vector<1x1x16xf32>,
        %get3A_942 = vector.shape_cast %get3A_941 : vector<1x1x16xf32> to vector<16xf32>
        %get3A_943 = arith.index_cast %squeeze3A_935 : i32 to index
        %get3A_944 = arith.constant 0 : index
        %get3A_945 = tpu.vector_load %arg11[%get3A_943, %get3A_944] {strides = array<i32>} : memref<400x64xf32, #tpu.memory_space<vmem>>, vector<1x16xf32>,
        %get3A_946 = vector.shape_cast %get3A_945 : vector<1x16xf32> to vector<16xf32>
        %add3A_947 = arith.addf %get3A_942, %get3A_946 : vector<16xf32>
        %swap3A_948 = arith.index_cast %rem3A_181 : i32 to index
        %swap3A_949 = arith.index_cast %add3A_937 : i32 to index
        %swap3A_950 = arith.constant 0 : index
        %swap3A_951 = tpu.vector_load %arg10[%swap3A_948, %swap3A_949, %swap3A_950] {strides = array<i32>} : memref<4x128x64xf32, #tpu.memory_space<vmem>>, vector<1x1x16xf32>,
        %swap3A_952 = vector.shape_cast %swap3A_951 : vector<1x1x16xf32> to vector<16xf32>
        %swap3A_953 = vector.shape_cast %add3A_947 : vector<16xf32> to vector<1x1x16xf32>
        tpu.vector_store %arg10[%swap3A_948, %swap3A_949, %swap3A_950], %swap3A_953 {strides = array<i32>} : memref<4x128x64xf32, #tpu.memory_space<vmem>>, vector<1x1x16xf32>,
        %get3A_954 = arith.index_cast %rem3A_181 : i32 to index
        %get3A_955 = arith.index_cast %add3A_937 : i32 to index
        %get3A_956 = arith.constant 16 : index
        %get3A_957 = tpu.vector_load %arg10[%get3A_954, %get3A_955, %get3A_956] {strides = array<i32>} : memref<4x128x64xf32, #tpu.memory_space<vmem>>, vector<1x1x16xf32>,
        %get3A_958 = vector.shape_cast %get3A_957 : vector<1x1x16xf32> to vector<16xf32>
        %get3A_959 = arith.index_cast %squeeze3A_935 : i32 to index
        %get3A_960 = arith.constant 16 : index
        %get3A_961 = tpu.vector_load %arg11[%get3A_959, %get3A_960] {strides = array<i32>} : memref<400x64xf32, #tpu.memory_space<vmem>>, vector<1x16xf32>,
        %get3A_962 = vector.shape_cast %get3A_961 : vector<1x16xf32> to vector<16xf32>
        %add3A_963 = arith.addf %get3A_958, %get3A_962 : vector<16xf32>
        %swap3A_964 = arith.index_cast %rem3A_181 : i32 to index
        %swap3A_965 = arith.index_cast %add3A_937 : i32 to index
        %swap3A_966 = arith.constant 16 : index
        %swap3A_967 = tpu.vector_load %arg10[%swap3A_964, %swap3A_965, %swap3A_966] {strides = array<i32>} : memref<4x128x64xf32, #tpu.memory_space<vmem>>, vector<1x1x16xf32>,
        %swap3A_968 = vector.shape_cast %swap3A_967 : vector<1x1x16xf32> to vector<16xf32>
        %swap3A_969 = vector.shape_cast %add3A_963 : vector<16xf32> to vector<1x1x16xf32>
        tpu.vector_store %arg10[%swap3A_964, %swap3A_965, %swap3A_966], %swap3A_969 {strides = array<i32>} : memref<4x128x64xf32, #tpu.memory_space<vmem>>, vector<1x1x16xf32>,
        %get3A_970 = arith.index_cast %rem3A_181 : i32 to index
        %get3A_971 = arith.index_cast %add3A_937 : i32 to index
        %get3A_972 = arith.constant 32 : index
        %get3A_973 = tpu.vector_load %arg10[%get3A_970, %get3A_971, %get3A_972] {strides = array<i32>} : memref<4x128x64xf32, #tpu.memory_space<vmem>>, vector<1x1x16xf32>,
        %get3A_974 = vector.shape_cast %get3A_973 : vector<1x1x16xf32> to vector<16xf32>
        %get3A_975 = arith.index_cast %squeeze3A_935 : i32 to index
        %get3A_976 = arith.constant 32 : index
        %get3A_977 = tpu.vector_load %arg11[%get3A_975, %get3A_976] {strides = array<i32>} : memref<400x64xf32, #tpu.memory_space<vmem>>, vector<1x16xf32>,
        %get3A_978 = vector.shape_cast %get3A_977 : vector<1x16xf32> to vector<16xf32>
        %add3A_979 = arith.addf %get3A_974, %get3A_978 : vector<16xf32>
        %swap3A_980 = arith.index_cast %rem3A_181 : i32 to index
        %swap3A_981 = arith.index_cast %add3A_937 : i32 to index
        %swap3A_982 = arith.constant 32 : index
        %swap3A_983 = tpu.vector_load %arg10[%swap3A_980, %swap3A_981, %swap3A_982] {strides = array<i32>} : memref<4x128x64xf32, #tpu.memory_space<vmem>>, vector<1x1x16xf32>,
        %swap3A_984 = vector.shape_cast %swap3A_983 : vector<1x1x16xf32> to vector<16xf32>
        %swap3A_985 = vector.shape_cast %add3A_979 : vector<16xf32> to vector<1x1x16xf32>
        tpu.vector_store %arg10[%swap3A_980, %swap3A_981, %swap3A_982], %swap3A_985 {strides = array<i32>} : memref<4x128x64xf32, #tpu.memory_space<vmem>>, vector<1x1x16xf32>,
        %get3A_986 = arith.index_cast %rem3A_181 : i32 to index
        %get3A_987 = arith.index_cast %add3A_937 : i32 to index
        %get3A_988 = arith.constant 48 : index
        %get3A_989 = tpu.vector_load %arg10[%get3A_986, %get3A_987, %get3A_988] {strides = array<i32>} : memref<4x128x64xf32, #tpu.memory_space<vmem>>, vector<1x1x16xf32>,
        %get3A_990 = vector.shape_cast %get3A_989 : vector<1x1x16xf32> to vector<16xf32>
        %get3A_991 = arith.index_cast %squeeze3A_935 : i32 to index
        %get3A_992 = arith.constant 48 : index
        %get3A_993 = tpu.vector_load %arg11[%get3A_991, %get3A_992] {strides = array<i32>} : memref<400x64xf32, #tpu.memory_space<vmem>>, vector<1x16xf32>,
        %get3A_994 = vector.shape_cast %get3A_993 : vector<1x16xf32> to vector<16xf32>
        %add3A_995 = arith.addf %get3A_990, %get3A_994 : vector<16xf32>
        %swap3A_996 = arith.index_cast %rem3A_181 : i32 to index
        %swap3A_997 = arith.index_cast %add3A_937 : i32 to index
        %swap3A_998 = arith.constant 48 : index
        %swap3A_999 = tpu.vector_load %arg10[%swap3A_996, %swap3A_997, %swap3A_998] {strides = array<i32>} : memref<4x128x64xf32, #tpu.memory_space<vmem>>, vector<1x1x16xf32>,
        %swap3A_1000 = vector.shape_cast %swap3A_999 : vector<1x1x16xf32> to vector<16xf32>
        %swap3A_1001 = vector.shape_cast %add3A_995 : vector<16xf32> to vector<1x1x16xf32>
        tpu.vector_store %arg10[%swap3A_996, %swap3A_997, %swap3A_998], %swap3A_1001 {strides = array<i32>} : memref<4x128x64xf32, #tpu.memory_space<vmem>>, vector<1x1x16xf32>,
        %slice3A_1002 = vector.extract_strided_slice %add3A_256 {offsets = [11], sizes = [1], strides = [1]} : vector<16xi32> to vector<1xi32>
        %squeeze3A_1003 = vector.extract %slice3A_1002[0] : i32 from vector<1xi32>
        %add3A_1004 = arith.constant 11 : i32
        %add3A_1005 = arith.addi %mul3A_241, %add3A_1004 : i32
        %get3A_1006 = arith.index_cast %rem3A_181 : i32 to index
        %get3A_1007 = arith.index_cast %add3A_1005 : i32 to index
        %get3A_1008 = arith.constant 0 : index
        %get3A_1009 = tpu.vector_load %arg10[%get3A_1006, %get3A_1007, %get3A_1008] {strides = array<i32>} : memref<4x128x64xf32, #tpu.memory_space<vmem>>, vector<1x1x16xf32>,
        %get3A_1010 = vector.shape_cast %get3A_1009 : vector<1x1x16xf32> to vector<16xf32>
        %get3A_1011 = arith.index_cast %squeeze3A_1003 : i32 to index
        %get3A_1012 = arith.constant 0 : index
        %get3A_1013 = tpu.vector_load %arg11[%get3A_1011, %get3A_1012] {strides = array<i32>} : memref<400x64xf32, #tpu.memory_space<vmem>>, vector<1x16xf32>,
        %get3A_1014 = vector.shape_cast %get3A_1013 : vector<1x16xf32> to vector<16xf32>
        %add3A_1015 = arith.addf %get3A_1010, %get3A_1014 : vector<16xf32>
        %swap3A_1016 = arith.index_cast %rem3A_181 : i32 to index
        %swap3A_1017 = arith.index_cast %add3A_1005 : i32 to index
        %swap3A_1018 = arith.constant 0 : index
        %swap3A_1019 = tpu.vector_load %arg10[%swap3A_1016, %swap3A_1017, %swap3A_1018] {strides = array<i32>} : memref<4x128x64xf32, #tpu.memory_space<vmem>>, vector<1x1x16xf32>,
        %swap3A_1020 = vector.shape_cast %swap3A_1019 : vector<1x1x16xf32> to vector<16xf32>
        %swap3A_1021 = vector.shape_cast %add3A_1015 : vector<16xf32> to vector<1x1x16xf32>
        tpu.vector_store %arg10[%swap3A_1016, %swap3A_1017, %swap3A_1018], %swap3A_1021 {strides = array<i32>} : memref<4x128x64xf32, #tpu.memory_space<vmem>>, vector<1x1x16xf32>,
        %get3A_1022 = arith.index_cast %rem3A_181 : i32 to index
        %get3A_1023 = arith.index_cast %add3A_1005 : i32 to index
        %get3A_1024 = arith.constant 16 : index
        %get3A_1025 = tpu.vector_load %arg10[%get3A_1022, %get3A_1023, %get3A_1024] {strides = array<i32>} : memref<4x128x64xf32, #tpu.memory_space<vmem>>, vector<1x1x16xf32>,
        %get3A_1026 = vector.shape_cast %get3A_1025 : vector<1x1x16xf32> to vector<16xf32>
        %get3A_1027 = arith.index_cast %squeeze3A_1003 : i32 to index
        %get3A_1028 = arith.constant 16 : index
        %get3A_1029 = tpu.vector_load %arg11[%get3A_1027, %get3A_1028] {strides = array<i32>} : memref<400x64xf32, #tpu.memory_space<vmem>>, vector<1x16xf32>,
        %get3A_1030 = vector.shape_cast %get3A_1029 : vector<1x16xf32> to vector<16xf32>
        %add3A_1031 = arith.addf %get3A_1026, %get3A_1030 : vector<16xf32>
        %swap3A_1032 = arith.index_cast %rem3A_181 : i32 to index
        %swap3A_1033 = arith.index_cast %add3A_1005 : i32 to index
        %swap3A_1034 = arith.constant 16 : index
        %swap3A_1035 = tpu.vector_load %arg10[%swap3A_1032, %swap3A_1033, %swap3A_1034] {strides = array<i32>} : memref<4x128x64xf32, #tpu.memory_space<vmem>>, vector<1x1x16xf32>,
        %swap3A_1036 = vector.shape_cast %swap3A_1035 : vector<1x1x16xf32> to vector<16xf32>
        %swap3A_1037 = vector.shape_cast %add3A_1031 : vector<16xf32> to vector<1x1x16xf32>
        tpu.vector_store %arg10[%swap3A_1032, %swap3A_1033, %swap3A_1034], %swap3A_1037 {strides = array<i32>} : memref<4x128x64xf32, #tpu.memory_space<vmem>>, vector<1x1x16xf32>,
        %get3A_1038 = arith.index_cast %rem3A_181 : i32 to index
        %get3A_1039 = arith.index_cast %add3A_1005 : i32 to index
        %get3A_1040 = arith.constant 32 : index
        %get3A_1041 = tpu.vector_load %arg10[%get3A_1038, %get3A_1039, %get3A_1040] {strides = array<i32>} : memref<4x128x64xf32, #tpu.memory_space<vmem>>, vector<1x1x16xf32>,
        %get3A_1042 = vector.shape_cast %get3A_1041 : vector<1x1x16xf32> to vector<16xf32>
        %get3A_1043 = arith.index_cast %squeeze3A_1003 : i32 to index
        %get3A_1044 = arith.constant 32 : index
        %get3A_1045 = tpu.vector_load %arg11[%get3A_1043, %get3A_1044] {strides = array<i32>} : memref<400x64xf32, #tpu.memory_space<vmem>>, vector<1x16xf32>,
        %get3A_1046 = vector.shape_cast %get3A_1045 : vector<1x16xf32> to vector<16xf32>
        %add3A_1047 = arith.addf %get3A_1042, %get3A_1046 : vector<16xf32>
        %swap3A_1048 = arith.index_cast %rem3A_181 : i32 to index
        %swap3A_1049 = arith.index_cast %add3A_1005 : i32 to index
        %swap3A_1050 = arith.constant 32 : index
        %swap3A_1051 = tpu.vector_load %arg10[%swap3A_1048, %swap3A_1049, %swap3A_1050] {strides = array<i32>} : memref<4x128x64xf32, #tpu.memory_space<vmem>>, vector<1x1x16xf32>,
        %swap3A_1052 = vector.shape_cast %swap3A_1051 : vector<1x1x16xf32> to vector<16xf32>
        %swap3A_1053 = vector.shape_cast %add3A_1047 : vector<16xf32> to vector<1x1x16xf32>
        tpu.vector_store %arg10[%swap3A_1048, %swap3A_1049, %swap3A_1050], %swap3A_1053 {strides = array<i32>} : memref<4x128x64xf32, #tpu.memory_space<vmem>>, vector<1x1x16xf32>,
        %get3A_1054 = arith.index_cast %rem3A_181 : i32 to index
        %get3A_1055 = arith.index_cast %add3A_1005 : i32 to index
        %get3A_1056 = arith.constant 48 : index
        %get3A_1057 = tpu.vector_load %arg10[%get3A_1054, %get3A_1055, %get3A_1056] {strides = array<i32>} : memref<4x128x64xf32, #tpu.memory_space<vmem>>, vector<1x1x16xf32>,
        %get3A_1058 = vector.shape_cast %get3A_1057 : vector<1x1x16xf32> to vector<16xf32>
        %get3A_1059 = arith.index_cast %squeeze3A_1003 : i32 to index
        %get3A_1060 = arith.constant 48 : index
        %get3A_1061 = tpu.vector_load %arg11[%get3A_1059, %get3A_1060] {strides = array<i32>} : memref<400x64xf32, #tpu.memory_space<vmem>>, vector<1x16xf32>,
        %get3A_1062 = vector.shape_cast %get3A_1061 : vector<1x16xf32> to vector<16xf32>
        %add3A_1063 = arith.addf %get3A_1058, %get3A_1062 : vector<16xf32>
        %swap3A_1064 = arith.index_cast %rem3A_181 : i32 to index
        %swap3A_1065 = arith.index_cast %add3A_1005 : i32 to index
        %swap3A_1066 = arith.constant 48 : index
        %swap3A_1067 = tpu.vector_load %arg10[%swap3A_1064, %swap3A_1065, %swap3A_1066] {strides = array<i32>} : memref<4x128x64xf32, #tpu.memory_space<vmem>>, vector<1x1x16xf32>,
        %swap3A_1068 = vector.shape_cast %swap3A_1067 : vector<1x1x16xf32> to vector<16xf32>
        %swap3A_1069 = vector.shape_cast %add3A_1063 : vector<16xf32> to vector<1x1x16xf32>
        tpu.vector_store %arg10[%swap3A_1064, %swap3A_1065, %swap3A_1066], %swap3A_1069 {strides = array<i32>} : memref<4x128x64xf32, #tpu.memory_space<vmem>>, vector<1x1x16xf32>,
        %slice3A_1070 = vector.extract_strided_slice %add3A_256 {offsets = [12], sizes = [1], strides = [1]} : vector<16xi32> to vector<1xi32>
        %squeeze3A_1071 = vector.extract %slice3A_1070[0] : i32 from vector<1xi32>
        %add3A_1072 = arith.constant 12 : i32
        %add3A_1073 = arith.addi %mul3A_241, %add3A_1072 : i32
        %get3A_1074 = arith.index_cast %rem3A_181 : i32 to index
        %get3A_1075 = arith.index_cast %add3A_1073 : i32 to index
        %get3A_1076 = arith.constant 0 : index
        %get3A_1077 = tpu.vector_load %arg10[%get3A_1074, %get3A_1075, %get3A_1076] {strides = array<i32>} : memref<4x128x64xf32, #tpu.memory_space<vmem>>, vector<1x1x16xf32>,
        %get3A_1078 = vector.shape_cast %get3A_1077 : vector<1x1x16xf32> to vector<16xf32>
        %get3A_1079 = arith.index_cast %squeeze3A_1071 : i32 to index
        %get3A_1080 = arith.constant 0 : index
        %get3A_1081 = tpu.vector_load %arg11[%get3A_1079, %get3A_1080] {strides = array<i32>} : memref<400x64xf32, #tpu.memory_space<vmem>>, vector<1x16xf32>,
        %get3A_1082 = vector.shape_cast %get3A_1081 : vector<1x16xf32> to vector<16xf32>
        %add3A_1083 = arith.addf %get3A_1078, %get3A_1082 : vector<16xf32>
        %swap3A_1084 = arith.index_cast %rem3A_181 : i32 to index
        %swap3A_1085 = arith.index_cast %add3A_1073 : i32 to index
        %swap3A_1086 = arith.constant 0 : index
        %swap3A_1087 = tpu.vector_load %arg10[%swap3A_1084, %swap3A_1085, %swap3A_1086] {strides = array<i32>} : memref<4x128x64xf32, #tpu.memory_space<vmem>>, vector<1x1x16xf32>,
        %swap3A_1088 = vector.shape_cast %swap3A_1087 : vector<1x1x16xf32> to vector<16xf32>
        %swap3A_1089 = vector.shape_cast %add3A_1083 : vector<16xf32> to vector<1x1x16xf32>
        tpu.vector_store %arg10[%swap3A_1084, %swap3A_1085, %swap3A_1086], %swap3A_1089 {strides = array<i32>} : memref<4x128x64xf32, #tpu.memory_space<vmem>>, vector<1x1x16xf32>,
        %get3A_1090 = arith.index_cast %rem3A_181 : i32 to index
        %get3A_1091 = arith.index_cast %add3A_1073 : i32 to index
        %get3A_1092 = arith.constant 16 : index
        %get3A_1093 = tpu.vector_load %arg10[%get3A_1090, %get3A_1091, %get3A_1092] {strides = array<i32>} : memref<4x128x64xf32, #tpu.memory_space<vmem>>, vector<1x1x16xf32>,
        %get3A_1094 = vector.shape_cast %get3A_1093 : vector<1x1x16xf32> to vector<16xf32>
        %get3A_1095 = arith.index_cast %squeeze3A_1071 : i32 to index
        %get3A_1096 = arith.constant 16 : index
        %get3A_1097 = tpu.vector_load %arg11[%get3A_1095, %get3A_1096] {strides = array<i32>} : memref<400x64xf32, #tpu.memory_space<vmem>>, vector<1x16xf32>,
        %get3A_1098 = vector.shape_cast %get3A_1097 : vector<1x16xf32> to vector<16xf32>
        %add3A_1099 = arith.addf %get3A_1094, %get3A_1098 : vector<16xf32>
        %swap3A_1100 = arith.index_cast %rem3A_181 : i32 to index
        %swap3A_1101 = arith.index_cast %add3A_1073 : i32 to index
        %swap3A_1102 = arith.constant 16 : index
        %swap3A_1103 = tpu.vector_load %arg10[%swap3A_1100, %swap3A_1101, %swap3A_1102] {strides = array<i32>} : memref<4x128x64xf32, #tpu.memory_space<vmem>>, vector<1x1x16xf32>,
        %swap3A_1104 = vector.shape_cast %swap3A_1103 : vector<1x1x16xf32> to vector<16xf32>
        %swap3A_1105 = vector.shape_cast %add3A_1099 : vector<16xf32> to vector<1x1x16xf32>
        tpu.vector_store %arg10[%swap3A_1100, %swap3A_1101, %swap3A_1102], %swap3A_1105 {strides = array<i32>} : memref<4x128x64xf32, #tpu.memory_space<vmem>>, vector<1x1x16xf32>,
        %get3A_1106 = arith.index_cast %rem3A_181 : i32 to index
        %get3A_1107 = arith.index_cast %add3A_1073 : i32 to index
        %get3A_1108 = arith.constant 32 : index
        %get3A_1109 = tpu.vector_load %arg10[%get3A_1106, %get3A_1107, %get3A_1108] {strides = array<i32>} : memref<4x128x64xf32, #tpu.memory_space<vmem>>, vector<1x1x16xf32>,
        %get3A_1110 = vector.shape_cast %get3A_1109 : vector<1x1x16xf32> to vector<16xf32>
        %get3A_1111 = arith.index_cast %squeeze3A_1071 : i32 to index
        %get3A_1112 = arith.constant 32 : index
        %get3A_1113 = tpu.vector_load %arg11[%get3A_1111, %get3A_1112] {strides = array<i32>} : memref<400x64xf32, #tpu.memory_space<vmem>>, vector<1x16xf32>,
        %get3A_1114 = vector.shape_cast %get3A_1113 : vector<1x16xf32> to vector<16xf32>
        %add3A_1115 = arith.addf %get3A_1110, %get3A_1114 : vector<16xf32>
        %swap3A_1116 = arith.index_cast %rem3A_181 : i32 to index
        %swap3A_1117 = arith.index_cast %add3A_1073 : i32 to index
        %swap3A_1118 = arith.constant 32 : index
        %swap3A_1119 = tpu.vector_load %arg10[%swap3A_1116, %swap3A_1117, %swap3A_1118] {strides = array<i32>} : memref<4x128x64xf32, #tpu.memory_space<vmem>>, vector<1x1x16xf32>,
        %swap3A_1120 = vector.shape_cast %swap3A_1119 : vector<1x1x16xf32> to vector<16xf32>
        %swap3A_1121 = vector.shape_cast %add3A_1115 : vector<16xf32> to vector<1x1x16xf32>
        tpu.vector_store %arg10[%swap3A_1116, %swap3A_1117, %swap3A_1118], %swap3A_1121 {strides = array<i32>} : memref<4x128x64xf32, #tpu.memory_space<vmem>>, vector<1x1x16xf32>,
        %get3A_1122 = arith.index_cast %rem3A_181 : i32 to index
        %get3A_1123 = arith.index_cast %add3A_1073 : i32 to index
        %get3A_1124 = arith.constant 48 : index
        %get3A_1125 = tpu.vector_load %arg10[%get3A_1122, %get3A_1123, %get3A_1124] {strides = array<i32>} : memref<4x128x64xf32, #tpu.memory_space<vmem>>, vector<1x1x16xf32>,
        %get3A_1126 = vector.shape_cast %get3A_1125 : vector<1x1x16xf32> to vector<16xf32>
        %get3A_1127 = arith.index_cast %squeeze3A_1071 : i32 to index
        %get3A_1128 = arith.constant 48 : index
        %get3A_1129 = tpu.vector_load %arg11[%get3A_1127, %get3A_1128] {strides = array<i32>} : memref<400x64xf32, #tpu.memory_space<vmem>>, vector<1x16xf32>,
        %get3A_1130 = vector.shape_cast %get3A_1129 : vector<1x16xf32> to vector<16xf32>
        %add3A_1131 = arith.addf %get3A_1126, %get3A_1130 : vector<16xf32>
        %swap3A_1132 = arith.index_cast %rem3A_181 : i32 to index
        %swap3A_1133 = arith.index_cast %add3A_1073 : i32 to index
        %swap3A_1134 = arith.constant 48 : index
        %swap3A_1135 = tpu.vector_load %arg10[%swap3A_1132, %swap3A_1133, %swap3A_1134] {strides = array<i32>} : memref<4x128x64xf32, #tpu.memory_space<vmem>>, vector<1x1x16xf32>,
        %swap3A_1136 = vector.shape_cast %swap3A_1135 : vector<1x1x16xf32> to vector<16xf32>
        %swap3A_1137 = vector.shape_cast %add3A_1131 : vector<16xf32> to vector<1x1x16xf32>
        tpu.vector_store %arg10[%swap3A_1132, %swap3A_1133, %swap3A_1134], %swap3A_1137 {strides = array<i32>} : memref<4x128x64xf32, #tpu.memory_space<vmem>>, vector<1x1x16xf32>,
        %slice3A_1138 = vector.extract_strided_slice %add3A_256 {offsets = [13], sizes = [1], strides = [1]} : vector<16xi32> to vector<1xi32>
        %squeeze3A_1139 = vector.extract %slice3A_1138[0] : i32 from vector<1xi32>
        %add3A_1140 = arith.constant 13 : i32
        %add3A_1141 = arith.addi %mul3A_241, %add3A_1140 : i32
        %get3A_1142 = arith.index_cast %rem3A_181 : i32 to index
        %get3A_1143 = arith.index_cast %add3A_1141 : i32 to index
        %get3A_1144 = arith.constant 0 : index
        %get3A_1145 = tpu.vector_load %arg10[%get3A_1142, %get3A_1143, %get3A_1144] {strides = array<i32>} : memref<4x128x64xf32, #tpu.memory_space<vmem>>, vector<1x1x16xf32>,
        %get3A_1146 = vector.shape_cast %get3A_1145 : vector<1x1x16xf32> to vector<16xf32>
        %get3A_1147 = arith.index_cast %squeeze3A_1139 : i32 to index
        %get3A_1148 = arith.constant 0 : index
        %get3A_1149 = tpu.vector_load %arg11[%get3A_1147, %get3A_1148] {strides = array<i32>} : memref<400x64xf32, #tpu.memory_space<vmem>>, vector<1x16xf32>,
        %get3A_1150 = vector.shape_cast %get3A_1149 : vector<1x16xf32> to vector<16xf32>
        %add3A_1151 = arith.addf %get3A_1146, %get3A_1150 : vector<16xf32>
        %swap3A_1152 = arith.index_cast %rem3A_181 : i32 to index
        %swap3A_1153 = arith.index_cast %add3A_1141 : i32 to index
        %swap3A_1154 = arith.constant 0 : index
        %swap3A_1155 = tpu.vector_load %arg10[%swap3A_1152, %swap3A_1153, %swap3A_1154] {strides = array<i32>} : memref<4x128x64xf32, #tpu.memory_space<vmem>>, vector<1x1x16xf32>,
        %swap3A_1156 = vector.shape_cast %swap3A_1155 : vector<1x1x16xf32> to vector<16xf32>
        %swap3A_1157 = vector.shape_cast %add3A_1151 : vector<16xf32> to vector<1x1x16xf32>
        tpu.vector_store %arg10[%swap3A_1152, %swap3A_1153, %swap3A_1154], %swap3A_1157 {strides = array<i32>} : memref<4x128x64xf32, #tpu.memory_space<vmem>>, vector<1x1x16xf32>,
        %get3A_1158 = arith.index_cast %rem3A_181 : i32 to index
        %get3A_1159 = arith.index_cast %add3A_1141 : i32 to index
        %get3A_1160 = arith.constant 16 : index
        %get3A_1161 = tpu.vector_load %arg10[%get3A_1158, %get3A_1159, %get3A_1160] {strides = array<i32>} : memref<4x128x64xf32, #tpu.memory_space<vmem>>, vector<1x1x16xf32>,
        %get3A_1162 = vector.shape_cast %get3A_1161 : vector<1x1x16xf32> to vector<16xf32>
        %get3A_1163 = arith.index_cast %squeeze3A_1139 : i32 to index
        %get3A_1164 = arith.constant 16 : index
        %get3A_1165 = tpu.vector_load %arg11[%get3A_1163, %get3A_1164] {strides = array<i32>} : memref<400x64xf32, #tpu.memory_space<vmem>>, vector<1x16xf32>,
        %get3A_1166 = vector.shape_cast %get3A_1165 : vector<1x16xf32> to vector<16xf32>
        %add3A_1167 = arith.addf %get3A_1162, %get3A_1166 : vector<16xf32>
        %swap3A_1168 = arith.index_cast %rem3A_181 : i32 to index
        %swap3A_1169 = arith.index_cast %add3A_1141 : i32 to index
        %swap3A_1170 = arith.constant 16 : index
        %swap3A_1171 = tpu.vector_load %arg10[%swap3A_1168, %swap3A_1169, %swap3A_1170] {strides = array<i32>} : memref<4x128x64xf32, #tpu.memory_space<vmem>>, vector<1x1x16xf32>,
        %swap3A_1172 = vector.shape_cast %swap3A_1171 : vector<1x1x16xf32> to vector<16xf32>
        %swap3A_1173 = vector.shape_cast %add3A_1167 : vector<16xf32> to vector<1x1x16xf32>
        tpu.vector_store %arg10[%swap3A_1168, %swap3A_1169, %swap3A_1170], %swap3A_1173 {strides = array<i32>} : memref<4x128x64xf32, #tpu.memory_space<vmem>>, vector<1x1x16xf32>,
        %get3A_1174 = arith.index_cast %rem3A_181 : i32 to index
        %get3A_1175 = arith.index_cast %add3A_1141 : i32 to index
        %get3A_1176 = arith.constant 32 : index
        %get3A_1177 = tpu.vector_load %arg10[%get3A_1174, %get3A_1175, %get3A_1176] {strides = array<i32>} : memref<4x128x64xf32, #tpu.memory_space<vmem>>, vector<1x1x16xf32>,
        %get3A_1178 = vector.shape_cast %get3A_1177 : vector<1x1x16xf32> to vector<16xf32>
        %get3A_1179 = arith.index_cast %squeeze3A_1139 : i32 to index
        %get3A_1180 = arith.constant 32 : index
        %get3A_1181 = tpu.vector_load %arg11[%get3A_1179, %get3A_1180] {strides = array<i32>} : memref<400x64xf32, #tpu.memory_space<vmem>>, vector<1x16xf32>,
        %get3A_1182 = vector.shape_cast %get3A_1181 : vector<1x16xf32> to vector<16xf32>
        %add3A_1183 = arith.addf %get3A_1178, %get3A_1182 : vector<16xf32>
        %swap3A_1184 = arith.index_cast %rem3A_181 : i32 to index
        %swap3A_1185 = arith.index_cast %add3A_1141 : i32 to index
        %swap3A_1186 = arith.constant 32 : index
        %swap3A_1187 = tpu.vector_load %arg10[%swap3A_1184, %swap3A_1185, %swap3A_1186] {strides = array<i32>} : memref<4x128x64xf32, #tpu.memory_space<vmem>>, vector<1x1x16xf32>,
        %swap3A_1188 = vector.shape_cast %swap3A_1187 : vector<1x1x16xf32> to vector<16xf32>
        %swap3A_1189 = vector.shape_cast %add3A_1183 : vector<16xf32> to vector<1x1x16xf32>
        tpu.vector_store %arg10[%swap3A_1184, %swap3A_1185, %swap3A_1186], %swap3A_1189 {strides = array<i32>} : memref<4x128x64xf32, #tpu.memory_space<vmem>>, vector<1x1x16xf32>,
        %get3A_1190 = arith.index_cast %rem3A_181 : i32 to index
        %get3A_1191 = arith.index_cast %add3A_1141 : i32 to index
        %get3A_1192 = arith.constant 48 : index
        %get3A_1193 = tpu.vector_load %arg10[%get3A_1190, %get3A_1191, %get3A_1192] {strides = array<i32>} : memref<4x128x64xf32, #tpu.memory_space<vmem>>, vector<1x1x16xf32>,
        %get3A_1194 = vector.shape_cast %get3A_1193 : vector<1x1x16xf32> to vector<16xf32>
        %get3A_1195 = arith.index_cast %squeeze3A_1139 : i32 to index
        %get3A_1196 = arith.constant 48 : index
        %get3A_1197 = tpu.vector_load %arg11[%get3A_1195, %get3A_1196] {strides = array<i32>} : memref<400x64xf32, #tpu.memory_space<vmem>>, vector<1x16xf32>,
        %get3A_1198 = vector.shape_cast %get3A_1197 : vector<1x16xf32> to vector<16xf32>
        %add3A_1199 = arith.addf %get3A_1194, %get3A_1198 : vector<16xf32>
        %swap3A_1200 = arith.index_cast %rem3A_181 : i32 to index
        %swap3A_1201 = arith.index_cast %add3A_1141 : i32 to index
        %swap3A_1202 = arith.constant 48 : index
        %swap3A_1203 = tpu.vector_load %arg10[%swap3A_1200, %swap3A_1201, %swap3A_1202] {strides = array<i32>} : memref<4x128x64xf32, #tpu.memory_space<vmem>>, vector<1x1x16xf32>,
        %swap3A_1204 = vector.shape_cast %swap3A_1203 : vector<1x1x16xf32> to vector<16xf32>
        %swap3A_1205 = vector.shape_cast %add3A_1199 : vector<16xf32> to vector<1x1x16xf32>
        tpu.vector_store %arg10[%swap3A_1200, %swap3A_1201, %swap3A_1202], %swap3A_1205 {strides = array<i32>} : memref<4x128x64xf32, #tpu.memory_space<vmem>>, vector<1x1x16xf32>,
        %slice3A_1206 = vector.extract_strided_slice %add3A_256 {offsets = [14], sizes = [1], strides = [1]} : vector<16xi32> to vector<1xi32>
        %squeeze3A_1207 = vector.extract %slice3A_1206[0] : i32 from vector<1xi32>
        %add3A_1208 = arith.constant 14 : i32
        %add3A_1209 = arith.addi %mul3A_241, %add3A_1208 : i32
        %get3A_1210 = arith.index_cast %rem3A_181 : i32 to index
        %get3A_1211 = arith.index_cast %add3A_1209 : i32 to index
        %get3A_1212 = arith.constant 0 : index
        %get3A_1213 = tpu.vector_load %arg10[%get3A_1210, %get3A_1211, %get3A_1212] {strides = array<i32>} : memref<4x128x64xf32, #tpu.memory_space<vmem>>, vector<1x1x16xf32>,
        %get3A_1214 = vector.shape_cast %get3A_1213 : vector<1x1x16xf32> to vector<16xf32>
        %get3A_1215 = arith.index_cast %squeeze3A_1207 : i32 to index
        %get3A_1216 = arith.constant 0 : index
        %get3A_1217 = tpu.vector_load %arg11[%get3A_1215, %get3A_1216] {strides = array<i32>} : memref<400x64xf32, #tpu.memory_space<vmem>>, vector<1x16xf32>,
        %get3A_1218 = vector.shape_cast %get3A_1217 : vector<1x16xf32> to vector<16xf32>
        %add3A_1219 = arith.addf %get3A_1214, %get3A_1218 : vector<16xf32>
        %swap3A_1220 = arith.index_cast %rem3A_181 : i32 to index
        %swap3A_1221 = arith.index_cast %add3A_1209 : i32 to index
        %swap3A_1222 = arith.constant 0 : index
        %swap3A_1223 = tpu.vector_load %arg10[%swap3A_1220, %swap3A_1221, %swap3A_1222] {strides = array<i32>} : memref<4x128x64xf32, #tpu.memory_space<vmem>>, vector<1x1x16xf32>,
        %swap3A_1224 = vector.shape_cast %swap3A_1223 : vector<1x1x16xf32> to vector<16xf32>
        %swap3A_1225 = vector.shape_cast %add3A_1219 : vector<16xf32> to vector<1x1x16xf32>
        tpu.vector_store %arg10[%swap3A_1220, %swap3A_1221, %swap3A_1222], %swap3A_1225 {strides = array<i32>} : memref<4x128x64xf32, #tpu.memory_space<vmem>>, vector<1x1x16xf32>,
        %get3A_1226 = arith.index_cast %rem3A_181 : i32 to index
        %get3A_1227 = arith.index_cast %add3A_1209 : i32 to index
        %get3A_1228 = arith.constant 16 : index
        %get3A_1229 = tpu.vector_load %arg10[%get3A_1226, %get3A_1227, %get3A_1228] {strides = array<i32>} : memref<4x128x64xf32, #tpu.memory_space<vmem>>, vector<1x1x16xf32>,
        %get3A_1230 = vector.shape_cast %get3A_1229 : vector<1x1x16xf32> to vector<16xf32>
        %get3A_1231 = arith.index_cast %squeeze3A_1207 : i32 to index
        %get3A_1232 = arith.constant 16 : index
        %get3A_1233 = tpu.vector_load %arg11[%get3A_1231, %get3A_1232] {strides = array<i32>} : memref<400x64xf32, #tpu.memory_space<vmem>>, vector<1x16xf32>,
        %get3A_1234 = vector.shape_cast %get3A_1233 : vector<1x16xf32> to vector<16xf32>
        %add3A_1235 = arith.addf %get3A_1230, %get3A_1234 : vector<16xf32>
        %swap3A_1236 = arith.index_cast %rem3A_181 : i32 to index
        %swap3A_1237 = arith.index_cast %add3A_1209 : i32 to index
        %swap3A_1238 = arith.constant 16 : index
        %swap3A_1239 = tpu.vector_load %arg10[%swap3A_1236, %swap3A_1237, %swap3A_1238] {strides = array<i32>} : memref<4x128x64xf32, #tpu.memory_space<vmem>>, vector<1x1x16xf32>,
        %swap3A_1240 = vector.shape_cast %swap3A_1239 : vector<1x1x16xf32> to vector<16xf32>
        %swap3A_1241 = vector.shape_cast %add3A_1235 : vector<16xf32> to vector<1x1x16xf32>
        tpu.vector_store %arg10[%swap3A_1236, %swap3A_1237, %swap3A_1238], %swap3A_1241 {strides = array<i32>} : memref<4x128x64xf32, #tpu.memory_space<vmem>>, vector<1x1x16xf32>,
        %get3A_1242 = arith.index_cast %rem3A_181 : i32 to index
        %get3A_1243 = arith.index_cast %add3A_1209 : i32 to index
        %get3A_1244 = arith.constant 32 : index
        %get3A_1245 = tpu.vector_load %arg10[%get3A_1242, %get3A_1243, %get3A_1244] {strides = array<i32>} : memref<4x128x64xf32, #tpu.memory_space<vmem>>, vector<1x1x16xf32>,
        %get3A_1246 = vector.shape_cast %get3A_1245 : vector<1x1x16xf32> to vector<16xf32>
        %get3A_1247 = arith.index_cast %squeeze3A_1207 : i32 to index
        %get3A_1248 = arith.constant 32 : index
        %get3A_1249 = tpu.vector_load %arg11[%get3A_1247, %get3A_1248] {strides = array<i32>} : memref<400x64xf32, #tpu.memory_space<vmem>>, vector<1x16xf32>,
        %get3A_1250 = vector.shape_cast %get3A_1249 : vector<1x16xf32> to vector<16xf32>
        %add3A_1251 = arith.addf %get3A_1246, %get3A_1250 : vector<16xf32>
        %swap3A_1252 = arith.index_cast %rem3A_181 : i32 to index
        %swap3A_1253 = arith.index_cast %add3A_1209 : i32 to index
        %swap3A_1254 = arith.constant 32 : index
        %swap3A_1255 = tpu.vector_load %arg10[%swap3A_1252, %swap3A_1253, %swap3A_1254] {strides = array<i32>} : memref<4x128x64xf32, #tpu.memory_space<vmem>>, vector<1x1x16xf32>,
        %swap3A_1256 = vector.shape_cast %swap3A_1255 : vector<1x1x16xf32> to vector<16xf32>
        %swap3A_1257 = vector.shape_cast %add3A_1251 : vector<16xf32> to vector<1x1x16xf32>
        tpu.vector_store %arg10[%swap3A_1252, %swap3A_1253, %swap3A_1254], %swap3A_1257 {strides = array<i32>} : memref<4x128x64xf32, #tpu.memory_space<vmem>>, vector<1x1x16xf32>,
        %get3A_1258 = arith.index_cast %rem3A_181 : i32 to index
        %get3A_1259 = arith.index_cast %add3A_1209 : i32 to index
        %get3A_1260 = arith.constant 48 : index
        %get3A_1261 = tpu.vector_load %arg10[%get3A_1258, %get3A_1259, %get3A_1260] {strides = array<i32>} : memref<4x128x64xf32, #tpu.memory_space<vmem>>, vector<1x1x16xf32>,
        %get3A_1262 = vector.shape_cast %get3A_1261 : vector<1x1x16xf32> to vector<16xf32>
        %get3A_1263 = arith.index_cast %squeeze3A_1207 : i32 to index
        %get3A_1264 = arith.constant 48 : index
        %get3A_1265 = tpu.vector_load %arg11[%get3A_1263, %get3A_1264] {strides = array<i32>} : memref<400x64xf32, #tpu.memory_space<vmem>>, vector<1x16xf32>,
        %get3A_1266 = vector.shape_cast %get3A_1265 : vector<1x16xf32> to vector<16xf32>
        %add3A_1267 = arith.addf %get3A_1262, %get3A_1266 : vector<16xf32>
        %swap3A_1268 = arith.index_cast %rem3A_181 : i32 to index
        %swap3A_1269 = arith.index_cast %add3A_1209 : i32 to index
        %swap3A_1270 = arith.constant 48 : index
        %swap3A_1271 = tpu.vector_load %arg10[%swap3A_1268, %swap3A_1269, %swap3A_1270] {strides = array<i32>} : memref<4x128x64xf32, #tpu.memory_space<vmem>>, vector<1x1x16xf32>,
        %swap3A_1272 = vector.shape_cast %swap3A_1271 : vector<1x1x16xf32> to vector<16xf32>
        %swap3A_1273 = vector.shape_cast %add3A_1267 : vector<16xf32> to vector<1x1x16xf32>
        tpu.vector_store %arg10[%swap3A_1268, %swap3A_1269, %swap3A_1270], %swap3A_1273 {strides = array<i32>} : memref<4x128x64xf32, #tpu.memory_space<vmem>>, vector<1x1x16xf32>,
        %slice3A_1274 = vector.extract_strided_slice %add3A_256 {offsets = [15], sizes = [1], strides = [1]} : vector<16xi32> to vector<1xi32>
        %squeeze3A_1275 = vector.extract %slice3A_1274[0] : i32 from vector<1xi32>
        %add3A_1276 = arith.constant 15 : i32
        %add3A_1277 = arith.addi %mul3A_241, %add3A_1276 : i32
        %get3A_1278 = arith.index_cast %rem3A_181 : i32 to index
        %get3A_1279 = arith.index_cast %add3A_1277 : i32 to index
        %get3A_1280 = arith.constant 0 : index
        %get3A_1281 = tpu.vector_load %arg10[%get3A_1278, %get3A_1279, %get3A_1280] {strides = array<i32>} : memref<4x128x64xf32, #tpu.memory_space<vmem>>, vector<1x1x16xf32>,
        %get3A_1282 = vector.shape_cast %get3A_1281 : vector<1x1x16xf32> to vector<16xf32>
        %get3A_1283 = arith.index_cast %squeeze3A_1275 : i32 to index
        %get3A_1284 = arith.constant 0 : index
        %get3A_1285 = tpu.vector_load %arg11[%get3A_1283, %get3A_1284] {strides = array<i32>} : memref<400x64xf32, #tpu.memory_space<vmem>>, vector<1x16xf32>,
        %get3A_1286 = vector.shape_cast %get3A_1285 : vector<1x16xf32> to vector<16xf32>
        %add3A_1287 = arith.addf %get3A_1282, %get3A_1286 : vector<16xf32>
        %swap3A_1288 = arith.index_cast %rem3A_181 : i32 to index
        %swap3A_1289 = arith.index_cast %add3A_1277 : i32 to index
        %swap3A_1290 = arith.constant 0 : index
        %swap3A_1291 = tpu.vector_load %arg10[%swap3A_1288, %swap3A_1289, %swap3A_1290] {strides = array<i32>} : memref<4x128x64xf32, #tpu.memory_space<vmem>>, vector<1x1x16xf32>,
        %swap3A_1292 = vector.shape_cast %swap3A_1291 : vector<1x1x16xf32> to vector<16xf32>
        %swap3A_1293 = vector.shape_cast %add3A_1287 : vector<16xf32> to vector<1x1x16xf32>
        tpu.vector_store %arg10[%swap3A_1288, %swap3A_1289, %swap3A_1290], %swap3A_1293 {strides = array<i32>} : memref<4x128x64xf32, #tpu.memory_space<vmem>>, vector<1x1x16xf32>,
        %get3A_1294 = arith.index_cast %rem3A_181 : i32 to index
        %get3A_1295 = arith.index_cast %add3A_1277 : i32 to index
        %get3A_1296 = arith.constant 16 : index
        %get3A_1297 = tpu.vector_load %arg10[%get3A_1294, %get3A_1295, %get3A_1296] {strides = array<i32>} : memref<4x128x64xf32, #tpu.memory_space<vmem>>, vector<1x1x16xf32>,
        %get3A_1298 = vector.shape_cast %get3A_1297 : vector<1x1x16xf32> to vector<16xf32>
        %get3A_1299 = arith.index_cast %squeeze3A_1275 : i32 to index
        %get3A_1300 = arith.constant 16 : index
        %get3A_1301 = tpu.vector_load %arg11[%get3A_1299, %get3A_1300] {strides = array<i32>} : memref<400x64xf32, #tpu.memory_space<vmem>>, vector<1x16xf32>,
        %get3A_1302 = vector.shape_cast %get3A_1301 : vector<1x16xf32> to vector<16xf32>
        %add3A_1303 = arith.addf %get3A_1298, %get3A_1302 : vector<16xf32>
        %swap3A_1304 = arith.index_cast %rem3A_181 : i32 to index
        %swap3A_1305 = arith.index_cast %add3A_1277 : i32 to index
        %swap3A_1306 = arith.constant 16 : index
        %swap3A_1307 = tpu.vector_load %arg10[%swap3A_1304, %swap3A_1305, %swap3A_1306] {strides = array<i32>} : memref<4x128x64xf32, #tpu.memory_space<vmem>>, vector<1x1x16xf32>,
        %swap3A_1308 = vector.shape_cast %swap3A_1307 : vector<1x1x16xf32> to vector<16xf32>
        %swap3A_1309 = vector.shape_cast %add3A_1303 : vector<16xf32> to vector<1x1x16xf32>
        tpu.vector_store %arg10[%swap3A_1304, %swap3A_1305, %swap3A_1306], %swap3A_1309 {strides = array<i32>} : memref<4x128x64xf32, #tpu.memory_space<vmem>>, vector<1x1x16xf32>,
        %get3A_1310 = arith.index_cast %rem3A_181 : i32 to index
        %get3A_1311 = arith.index_cast %add3A_1277 : i32 to index
        %get3A_1312 = arith.constant 32 : index
        %get3A_1313 = tpu.vector_load %arg10[%get3A_1310, %get3A_1311, %get3A_1312] {strides = array<i32>} : memref<4x128x64xf32, #tpu.memory_space<vmem>>, vector<1x1x16xf32>,
        %get3A_1314 = vector.shape_cast %get3A_1313 : vector<1x1x16xf32> to vector<16xf32>
        %get3A_1315 = arith.index_cast %squeeze3A_1275 : i32 to index
        %get3A_1316 = arith.constant 32 : index
        %get3A_1317 = tpu.vector_load %arg11[%get3A_1315, %get3A_1316] {strides = array<i32>} : memref<400x64xf32, #tpu.memory_space<vmem>>, vector<1x16xf32>,
        %get3A_1318 = vector.shape_cast %get3A_1317 : vector<1x16xf32> to vector<16xf32>
        %add3A_1319 = arith.addf %get3A_1314, %get3A_1318 : vector<16xf32>
        %swap3A_1320 = arith.index_cast %rem3A_181 : i32 to index
        %swap3A_1321 = arith.index_cast %add3A_1277 : i32 to index
        %swap3A_1322 = arith.constant 32 : index
        %swap3A_1323 = tpu.vector_load %arg10[%swap3A_1320, %swap3A_1321, %swap3A_1322] {strides = array<i32>} : memref<4x128x64xf32, #tpu.memory_space<vmem>>, vector<1x1x16xf32>,
        %swap3A_1324 = vector.shape_cast %swap3A_1323 : vector<1x1x16xf32> to vector<16xf32>
        %swap3A_1325 = vector.shape_cast %add3A_1319 : vector<16xf32> to vector<1x1x16xf32>
        tpu.vector_store %arg10[%swap3A_1320, %swap3A_1321, %swap3A_1322], %swap3A_1325 {strides = array<i32>} : memref<4x128x64xf32, #tpu.memory_space<vmem>>, vector<1x1x16xf32>,
        %get3A_1326 = arith.index_cast %rem3A_181 : i32 to index
        %get3A_1327 = arith.index_cast %add3A_1277 : i32 to index
        %get3A_1328 = arith.constant 48 : index
        %get3A_1329 = tpu.vector_load %arg10[%get3A_1326, %get3A_1327, %get3A_1328] {strides = array<i32>} : memref<4x128x64xf32, #tpu.memory_space<vmem>>, vector<1x1x16xf32>,
        %get3A_1330 = vector.shape_cast %get3A_1329 : vector<1x1x16xf32> to vector<16xf32>
        %get3A_1331 = arith.index_cast %squeeze3A_1275 : i32 to index
        %get3A_1332 = arith.constant 48 : index
        %get3A_1333 = tpu.vector_load %arg11[%get3A_1331, %get3A_1332] {strides = array<i32>} : memref<400x64xf32, #tpu.memory_space<vmem>>, vector<1x16xf32>,
        %get3A_1334 = vector.shape_cast %get3A_1333 : vector<1x16xf32> to vector<16xf32>
        %add3A_1335 = arith.addf %get3A_1330, %get3A_1334 : vector<16xf32>
        %swap3A_1336 = arith.index_cast %rem3A_181 : i32 to index
        %swap3A_1337 = arith.index_cast %add3A_1277 : i32 to index
        %swap3A_1338 = arith.constant 48 : index
        %swap3A_1339 = tpu.vector_load %arg10[%swap3A_1336, %swap3A_1337, %swap3A_1338] {strides = array<i32>} : memref<4x128x64xf32, #tpu.memory_space<vmem>>, vector<1x1x16xf32>,
        %swap3A_1340 = vector.shape_cast %swap3A_1339 : vector<1x1x16xf32> to vector<16xf32>
        %swap3A_1341 = vector.shape_cast %add3A_1335 : vector<16xf32> to vector<1x1x16xf32>
        tpu.vector_store %arg10[%swap3A_1336, %swap3A_1337, %swap3A_1338], %swap3A_1341 {strides = array<i32>} : memref<4x128x64xf32, #tpu.memory_space<vmem>>, vector<1x1x16xf32>,
        %scan3A_1342 = arith.constant 0 : i32
        scf.yield %scan3A_1342 : i32
      }
      %scan3A_219 = arith.constant 8 : i32
      %rem3A_220 = arith.constant 4 : i32
      %rem3A_221 = arith.remsi %scan3A_178, %rem3A_220 : i32
      %mul3A_222 = arith.constant 128 : i32
      %mul3A_223 = arith.muli %scan3A_178, %mul3A_222 : i32
      %add3A_224 = arith.addi %mul3A_2, %mul3A_223 : i32
      %dma_start3A_225 = arith.constant 0 : i32
      %dma_start3A_226 = arith.constant 0 : i32
      %dma_start3A_227 = tpu.memref_slice %arg10[%rem3A_221, %dma_start3A_225, %dma_start3A_226] : memref<4x128x64xf32, #tpu.memory_space<vmem>> -> memref<1x128x64xf32, #tpu.memory_space<vmem>>
      %dma_start3A_228 = tpu.memref_squeeze %dma_start3A_227 : memref<1x128x64xf32, #tpu.memory_space<vmem>> -> memref<128x64xf32, #tpu.memory_space<vmem>>
      %dma_start3A_229 = arith.constant 0 : i32
      %dma_start3A_230 = tpu.memref_slice %arg7[%add3A_224, %dma_start3A_229] : memref<819200x64xf32, #tpu.memory_space<hbm>> -> memref<128x64xf32, #tpu.memory_space<hbm>>
      %dma_start3A_231 = arith.constant 0 : i32
      %dma_start3A_232 = tpu.memref_slice %arg7[%add3A_224, %dma_start3A_231] : memref<819200x64xf32, #tpu.memory_space<hbm>> -> memref<128x64xf32, #tpu.memory_space<hbm>>
      %dma_start3A_233 = arith.constant 0 : i32
      %dma_start3A_234 = arith.constant 0 : i32
      %dma_start3A_235 = tpu.memref_slice %arg10[%rem3A_221, %dma_start3A_233, %dma_start3A_234] : memref<4x128x64xf32, #tpu.memory_space<vmem>> -> memref<1x128x64xf32, #tpu.memory_space<vmem>>
      %dma_start3A_236 = tpu.memref_squeeze %dma_start3A_235 : memref<1x128x64xf32, #tpu.memory_space<vmem>> -> memref<128x64xf32, #tpu.memory_space<vmem>>
      tpu.enqueue_dma source(%dma_start3A_236 : memref<128x64xf32, #tpu.memory_space<vmem>>) target(%dma_start3A_232 : memref<128x64xf32, #tpu.memory_space<hbm>>) target_semaphore(%arg16 : memref<!tpu.dma_semaphore, #tpu.memory_space<semaphore_mem>>)
      %scan3A_237 = arith.constant 0 : i32
      scf.yield %scan3A_237 : i32
    }
    %scan3A_143 = arith.constant 200 : i32
    %rem3A_144 = arith.constant 198 : i32
    %rem3A_145 = arith.constant 4 : i32
    %rem3A_146 = arith.remsi %rem3A_144, %rem3A_145 : i32
    %add3A_147 = arith.constant 25344 : i32
    %add3A_148 = arith.addi %mul3A_2, %add3A_147 : i32
    %dma_wait3A_149 = arith.constant 0 : i32
    %dma_wait3A_150 = arith.constant 0 : i32
    %dma_wait3A_151 = tpu.memref_slice %arg10[%rem3A_146, %dma_wait3A_149, %dma_wait3A_150] : memref<4x128x64xf32, #tpu.memory_space<vmem>> -> memref<1x128x64xf32, #tpu.memory_space<vmem>>
    %dma_wait3A_152 = tpu.memref_squeeze %dma_wait3A_151 : memref<1x128x64xf32, #tpu.memory_space<vmem>> -> memref<128x64xf32, #tpu.memory_space<vmem>>
    %dma_wait3A_153 = arith.constant 0 : i32
    %dma_wait3A_154 = tpu.memref_slice %arg7[%add3A_148, %dma_wait3A_153] : memref<819200x64xf32, #tpu.memory_space<hbm>> -> memref<128x64xf32, #tpu.memory_space<hbm>>
    %dma_wait3A_155 = arith.constant 0 : i32
    %dma_wait3A_156 = tpu.memref_slice %arg7[%add3A_148, %dma_wait3A_155] : memref<819200x64xf32, #tpu.memory_space<hbm>> -> memref<128x64xf32, #tpu.memory_space<hbm>>
    %dma_wait3A_157 = arith.constant 0 : i32
    %dma_wait3A_158 = arith.constant 0 : i32
    %dma_wait3A_159 = tpu.memref_slice %arg10[%rem3A_146, %dma_wait3A_157, %dma_wait3A_158] : memref<4x128x64xf32, #tpu.memory_space<vmem>> -> memref<1x128x64xf32, #tpu.memory_space<vmem>>
    %dma_wait3A_160 = tpu.memref_squeeze %dma_wait3A_159 : memref<1x128x64xf32, #tpu.memory_space<vmem>> -> memref<128x64xf32, #tpu.memory_space<vmem>>
    tpu.wait_dma2 semaphore(%arg16 : memref<!tpu.dma_semaphore, #tpu.memory_space<semaphore_mem>>) src(%dma_wait3A_160 : memref<128x64xf32, #tpu.memory_space<vmem>>) dst(%dma_wait3A_156 : memref<128x64xf32, #tpu.memory_space<hbm>>)
    %rem3A_161 = arith.constant 199 : i32
    %rem3A_162 = arith.constant 4 : i32
    %rem3A_163 = arith.remsi %rem3A_161, %rem3A_162 : i32
    %add3A_164 = arith.constant 25472 : i32
    %add3A_165 = arith.addi %mul3A_2, %add3A_164 : i32
    %dma_wait3A_166 = arith.constant 0 : i32
    %dma_wait3A_167 = arith.constant 0 : i32
    %dma_wait3A_168 = tpu.memref_slice %arg10[%rem3A_163, %dma_wait3A_166, %dma_wait3A_167] : memref<4x128x64xf32, #tpu.memory_space<vmem>> -> memref<1x128x64xf32, #tpu.memory_space<vmem>>
    %dma_wait3A_169 = tpu.memref_squeeze %dma_wait3A_168 : memref<1x128x64xf32, #tpu.memory_space<vmem>> -> memref<128x64xf32, #tpu.memory_space<vmem>>
    %dma_wait3A_170 = arith.constant 0 : i32
    %dma_wait3A_171 = tpu.memref_slice %arg7[%add3A_165, %dma_wait3A_170] : memref<819200x64xf32, #tpu.memory_space<hbm>> -> memref<128x64xf32, #tpu.memory_space<hbm>>
    %dma_wait3A_172 = arith.constant 0 : i32
    %dma_wait3A_173 = tpu.memref_slice %arg7[%add3A_165, %dma_wait3A_172] : memref<819200x64xf32, #tpu.memory_space<hbm>> -> memref<128x64xf32, #tpu.memory_space<hbm>>
    %dma_wait3A_174 = arith.constant 0 : i32
    %dma_wait3A_175 = arith.constant 0 : i32
    %dma_wait3A_176 = tpu.memref_slice %arg10[%rem3A_163, %dma_wait3A_174, %dma_wait3A_175] : memref<4x128x64xf32, #tpu.memory_space<vmem>> -> memref<1x128x64xf32, #tpu.memory_space<vmem>>
    %dma_wait3A_177 = tpu.memref_squeeze %dma_wait3A_176 : memref<1x128x64xf32, #tpu.memory_space<vmem>> -> memref<128x64xf32, #tpu.memory_space<vmem>>
    tpu.wait_dma2 semaphore(%arg16 : memref<!tpu.dma_semaphore, #tpu.memory_space<semaphore_mem>>) src(%dma_wait3A_177 : memref<128x64xf32, #tpu.memory_space<vmem>>) dst(%dma_wait3A_173 : memref<128x64xf32, #tpu.memory_space<hbm>>)
    return
  }
}

</mosaic_0001>

<sc_bundles>
// kernel: kernel.3.cloned.1.call-start
scs
__scs_entry_jumppad:
0x0: {  	(pc) =	sbr.rel $0x88, $3  }
0x1: {  	(tag) =	ssettag $0x0;
	lr =	simm.s32 $0x1  }
0x2: {  	[smem:$0x3F9C] =	sst lr;
	_ =	strace $0xD0000000  }
0x3: {  	_ = 	snop  }
0x4: {  	_ = 	snop  }
0x5: {  	_ = 	snop  }
0x6: {  	_ = 	snop  }
0x7: {  	_ = 	snop  }
__scs_overlays_trampoline_lowered:
0x8: {  	[smem:$0x3FAB] =	sst s0  }
0x9: {  	[smem:$0x3FAC] =	sst s1  }
0xa: {  	[smem:$0x3FAD] =	sst s2  }
0xb: {  	[smem:$0x3FAE] =	sst s3  }
0xc: {  	[smem:$0x3FAF] =	sst s4  }
0xd: {  	[smem:$0x3FB0] =	sst s5  }
0xe: {  	[smem:$0x3FB1] =	sst s6  }
0xf: {  	[smem:$0x3FB2] =	sst s7  }
0x10: {  	[smem:$0x3FB3] =	sst s8  }
0x11: {  	[smem:$0x3FB4] =	sst s9;
	s0 =	simm.s32 @!p0 $0x0  }
0x12: {  	s1 =	sld [smem:$0x3F9A];
	s0 =	simm.s32 @p0 $0x1  }
0x13: {  	[smem:$0x3FB5] =	sst s0;
	s0 =	simm.s32 @!p1 $0x0  }
0x14: {  	s2 =	sld [smem:$0x3F99];
	s0 =	simm.s32 @p1 $0x1  }
0x15: {  	[smem:$0x3FB6] =	sst s0;
	s0 =	simm.s32 @!p2 $0x0  }
0x16: {  	s3 =	sld [smem:$0x3FDB];
	s0 =	simm.s32 @p2 $0x1  }
0x17: {  	s4 =	simm.s32 $0x1BF5;
	[smem:$0x3FB8] =	sst s0  }
0x18: {  	s0 =	sld [smem:$0x3F9B];
	_ =	swait.ge [sflag:s4], $0x0  }
0x19: {  	s7 =	sld [smem:$0x3F9C]  }
0x1a: {  	s8 =	sadd.s32 $0xFFFFE003, lr  }
0x1b: {  	s9 =	sadd.s32 $0xFFFFFEF7, lr;
	s5 =	simm.s32 $0xFFFFFFFF;
	p2 =	slt.u32 s8, $0xFFFFF086  }
0x1c: {  	p1 =	slt.u32 s9, $0xF7A;
	s5 =	simm.s32 @!p2 $0x0  }
0x1d: {  	s5 =	simm.s32 @p1 $0x1;
	p0 =	seq.s32 s7, s2  }
0x1e: {  	s7 =	smul.u32 @!p0 $0xF7A, s2;
	p2 =	seq.s32 @!p0 s5, $0x0  }
0x1f: {  	s9 =	smul.u32 $0xF7A, s1;
	s8 =	simm.s32 @!p0 $0x1BF5;
	p2 =	por !p2, p0  }
0x20: {  	[sflag:s8] =	ssyncset.s32 @!p0 $0xFFFFF086;
	s6 =	sadd.s32 @!p0 s3, s7;
	s7 =	simm.s32 @!p0 $0x108  }
0x21: {  	s3 =	sadd.s32 s3, s9;
	s6 =	sadd.s32 @!p0 $0x88, s6;
	s7 =	simm.s32 @p2 $0x1082  }
0x22: {  	[simem:s7], [sflag:s8] =	dma.local @!p0 [hbm:s6], $0xF7A  }
0x23: {  	s9 =	sor.u32 $0xD0000000, s2;
	s6 =	simm.s32 $0x108;
	_ =	swait.ge @!p0 [sflag:s8], $0x0  }
0x24: {  	s3 =	sadd.s32 $0x88, s3;
	s6 =	simm.s32 @!p1 $0x1082;
	[sflag:s4] =	ssyncset.s32 $0xFFFFF086  }
0x25: {  	[simem:s6], [sflag:s4] =	dma.local [hbm:s3], $0xF7A  }
0x26: {  	[smem:$0x3F9C] =	sst s1;
	(tag) =	ssettag s2;
	_ =	strace s9  }
0x27: {  	s1 =	sld [smem:$0x3FAC]  }
0x28: {  	s2 =	sld [smem:$0x3FAD]  }
0x29: {  	s4 =	sld [smem:$0x3FAF]  }
0x2a: {  	p0 =	seq.s32 s5, $0x0;
	s5 =	sld [smem:$0x3FB0]  }
0x2b: {  	s6 =	sld [smem:$0x3FB1]  }
0x2c: {  	s7 =	sld [smem:$0x3FB2]  }
0x2d: {  	s3 =	simm.s32 $0x108;
	s8 =	sld [smem:$0x3FB3]  }
0x2e: {  	s3 =	simm.s32 @!p0 $0x1082;
	s9 =	sld [smem:$0x3FB4]  }
0x2f: {  	lr =	sadd.s32 s0, s3;
	s0 =	sld [smem:$0x3FAB]  }
0x30: {  	s3 =	sld [smem:$0x3FAE]  }
0x31: {  	[smem:$0x3FB7] =	sst s10  }
0x32: {  	s10 =	sld [smem:$0x3FB5];
	_ =	sdelay $0x3  }
0x33: {  	p0 =	seq.s32 s10, $0x1;
	s10 =	sld [smem:$0x3FB7];
	_ =	sdelay $0x3  }
0x34: {  	[smem:$0x3FB7] =	sst s10  }
0x35: {  	s10 =	sld [smem:$0x3FB6];
	_ =	sdelay $0x3  }
0x36: {  	p1 =	seq.s32 s10, $0x1;
	s10 =	sld [smem:$0x3FB7];
	_ =	sdelay $0x3  }
0x37: {  	[smem:$0x3FB7] =	sst s10  }
0x38: {  	s10 =	sld [smem:$0x3FB8]  }
0x39: {  	_ = 	snop;
	(pc) =	sbr.ind lr, $3  }
0x3a: {  	_ = 	snop  }
0x3b: {  	_ = 	snop  }
0x3c: {  	p2 =	seq.s32 s10, $0x1;
	s10 =	sld [smem:$0x3FB7]  }
0x3d: {  	_ =	shalt  }
0x3e: {  	_ =	shalt  }
0x3f: {  	_ =	shalt  }
0x40: {  	_ =	shalt  }
0x41: {  	_ =	shalt  }
0x42: {  	_ =	shalt  }
0x43: {  	_ =	shalt  }
0x44: {  	_ =	shalt  }
0x45: {  	_ =	shalt  }
0x46: {  	_ =	shalt  }
0x47: {  	_ =	shalt  }
0x48: {  	_ =	shalt  }
0x49: {  	_ =	shalt  }
0x4a: {  	_ =	shalt  }
0x4b: {  	_ =	shalt  }
0x4c: {  	_ =	shalt  }
0x4d: {  	_ =	shalt  }
0x4e: {  	_ =	shalt  }
0x4f: {  	_ =	shalt  }
0x50: {  	_ =	shalt  }
0x51: {  	_ =	shalt  }
0x52: {  	_ =	shalt  }
0x53: {  	_ =	shalt  }
0x54: {  	_ =	shalt  }
0x55: {  	_ =	shalt  }
0x56: {  	_ =	shalt  }
0x57: {  	_ =	shalt  }
0x58: {  	_ =	shalt  }
0x59: {  	_ =	shalt  }
0x5a: {  	_ =	shalt  }
0x5b: {  	_ =	shalt  }
0x5c: {  	_ =	shalt  }
0x5d: {  	_ =	shalt  }
0x5e: {  	_ =	shalt  }
0x5f: {  	_ =	shalt  }
0x60: {  	_ =	shalt  }
0x61: {  	_ =	shalt  }
0x62: {  	_ =	shalt  }
0x63: {  	_ =	shalt  }
0x64: {  	_ =	shalt  }
0x65: {  	_ =	shalt  }
0x66: {  	_ =	shalt  }
0x67: {  	_ =	shalt  }
0x68: {  	_ =	shalt  }
0x69: {  	_ =	shalt  }
0x6a: {  	_ =	shalt  }
0x6b: {  	_ =	shalt  }
0x6c: {  	_ =	shalt  }
0x6d: {  	_ =	shalt  }
0x6e: {  	_ =	shalt  }
0x6f: {  	_ =	shalt  }
0x70: {  	_ =	shalt  }
0x71: {  	_ =	shalt  }
0x72: {  	_ =	shalt  }
0x73: {  	_ =	shalt  }
0x74: {  	_ =	shalt  }
0x75: {  	_ =	shalt  }
0x76: {  	_ =	shalt  }
0x77: {  	_ =	shalt  }
0x78: {  	_ =	shalt  }
0x79: {  	_ =	shalt  }
0x7a: {  	_ =	shalt  }
0x7b: {  	_ =	shalt  }
0x7c: {  	_ =	shalt  }
0x7d: {  	_ =	shalt  }
0x7e: {  	_ =	shalt  }
0x7f: {  	_ =	shalt  }
0x80: {  	_ =	shalt  }
0x81: {  	_ =	shalt  }
0x82: {  	_ =	shalt  }
0x83: {  	_ =	shalt  }
0x84: {  	_ =	shalt  }
0x85: {  	_ =	shalt  }
0x86: {  	_ =	shalt  }
0x87: {  	_ =	shalt  }
.Lfunc_end0:
.L_simem_size_0:
called_computation.1_lowered:
.L_overlay_start_0:
0x88: {  	s2 =	sld [smem:$0x3FD9]  }
0x89: {  	s3 =	sld [smem:$0x3FFE];
	_ =	sdelay $0x1  }
0x8a: {  	s1 =	srdreg.scid  }
0x8b: {  	s0 =	sand.u32 $0x1, s1  }
0x8c: {  	s17 =	sshll.u32 s0, $0xA;
	s2 =	sadd.s32 s3, s2  }
0x8d: {  	s2 =	sadd.s32 s2, s17  }
0x8e: {  	[smem:$0x3FC3] =	sst s2  }
0x8f: {  	_ = 	snop  }
0x90: {  	s2 =	sld [smem:$0x3FD0];
	(tm) =	ssettm $0x1  }
0x91: {  	s18 =	sld [smem:$0x3FFB];
	_ =	sdelay $0x3  }
0x92: {  	_ =	strace s18  }
0x93: {  	s3 =	sld [smem:$0x3FFC];
	_ =	sdelay $0x3  }
0x94: {  	_ =	strace s3  }
0x95: {  	s3 =	sld [smem:$0x3FFD];
	_ =	sdelay $0x3  }
0x96: {  	_ =	strace s3  }
0x97: {  	_ =	strace $0x8FFFFFFF  }
0x98: {  	s19 =	sld [smem:$0x3FDB];
	_ =	sdelay $0x1  }
0x99: {  	s4 =	simm.s32 $_scs_section_size  }
0x9a: {  	s5 =	simm.s32 $_size__tile_overlayer_lowered;
	s6 =	simm.s32 $_tile_overlayer_lowered  }
0x9b: {  	s22 =	simm.s32 $0x1BFF;
	s21 =	sshll.u32 s6, $0x1;
	s3 =	sadd.s32 s4, s19  }
0x9c: {  	s7 =	simm.s32 $0x0;
	s20 =	sshll.u32 s5, $0x1;
	s5 =	sadd.s32 s21, s3  }
0x9d: {  	[timem:s7], [sflag:s22] =	dma.local [hbm:s5], s20  }
0x9e: {  	_ =	swait.ge [sflag:s22], s20  }
0x9f: {  	s4 =	ssub.s32 $0x0, s20;
	[sflag:s22] =	ssyncset.done $0x0  }
0xa0: {  	[sflag:s22] =	ssyncadd.s32 s4;
	_ =	sdelay $0x1  }
0xa1: {  	s23 =	simm.s32 $0x1B8B  }
0xa2: {  	_ =	swait.ge [sflag:s23], $0x1  }
0xa3: {  	[sflag:s23] =	ssyncset.done $0x0  }
0xa4: {  	s25 =	simm.s32 $0x1B8E;
	s24 =	sld [smem:$0x3FFE];
	[sflag:s23] =	ssyncadd.s32 $0xFFFFFFFF  }
0xa5: {  	s26 =	simm.s32 $execute0_lowered;
	[smem:$0x3FD2] =	sst s25  }
0xa6: {  	s5 =	sshll.u32 s26, $0x1;
	_ =	strace $0x80000046;
	[dreg:$0x1] =	wrdreg $0xFFFFFFFF  }
0xa7: {  	s28 =	simm.s32 $_size_execute0_lowered;
	s3 =	sadd.s32 s3, s5;
	[dreg:$0x0] =	wrdreg $0x0  }
0xa8: {  	s5 =	sshll.u32 s28, $0x1;
	[dreg:$0x2] =	wrdreg s3  }
0xa9: {  	[dreg:$0x3] =	wrdreg s5  }
0xaa: {  	[dreg:$0x4] =	wrdreg $0xC0  }
0xab: {  	_ =	task [dreg:s7], $0x5FFFF  }
0xac: {  	[dreg:$0x1] =	wrdreg $0xFFFFFFFF  }
0xad: {  	[dreg:$0x0] =	wrdreg $0x60  }
0xae: {  	[dreg:$0x2] =	wrdreg s24  }
0xaf: {  	[dreg:$0x3] =	wrdreg s2  }
0xb0: {  	[dreg:$0x4] =	wrdreg $0x9  }
0xb1: {  	_ =	task.clear_ibuf [dreg:s7], $0x5FFFF;
	_ =	strace $0x90000046  }
0xb2: {  	s29 =	simm.s32 $0x9;
	_ =	strace $0x80000048  }
0xb3: {  	_ =	swait.ge [sflag:s29], $0x1  }
0xb4: {  	[sflag:s29] =	ssyncadd.s32 $0xFFFFFFFF  }
0xb5: {  	_ =	strace $0x90000048  }
0xb6: {  	_ =	sfence  }
0xb7: {  	s30 =	sld [smem:$0x0];
	_ =	sdelay $0x2  }
0xb8: {  	s31 =	sshll.u32 s1, $0xD;
	s1 =	sshrl.u32 s1, $0x2  }
0xb9: {  	s3 =	sand.u32 $0x4000, s31;
	s1 =	sadd.s32 s1, s30  }
0xba: {  	s0 =	sor.u32 s3, s0;
	s1 =	sshll.u32 s1, $0x11  }
0xbb: {  	s0 =	sor.u32 s1, s0  }
0xbc: {  	s0 =	sadd.s32 $0x8F2B, s0  }
0xbd: {  	[sflag:s0] =	ssyncadd.remote.s32 $0x1  }
0xbe: {  	_ =	sfence.sel $0xFFFF  }
0xbf: {  	[dreg:$0x0] =	wrdreg $0xFFFFFFFF;
	(pc) =	sbr.abs _section_cstart, $3  }
0xc0: {  	[dreg:$0x1] =	wrdreg $0xFFFFFFFF  }
0xc1: {  	_ =	task.clear_ibuf [dreg:s7], $0x2FFFF;
	_ =	strace $0x9FFFFFFF  }
0xc2: {  	(tm) =	ssettm $0x7FFFFFFF  }
0xc3: {  	_ =	shalt  }
tec
execute0_lowered:
.L_overlay_start_1:
0x0: {  	(tag) =	ssettag $0x1  }
0x1: {  	s0 =	rddreg [dreg:$0x0]  }
0x2: {  	s2 =	rddreg [dreg:$0x1];
	s1 =	srdreg.scid  }
0x3: {  	s4 =	stileid.u32;
	s3 =	simm.s32 $0x0;
	s18 =	simm.s32 $0x5  }
0x4: {  	s22 =	simm.s32 $0x80;
	s26 =	simm.s32 $0x1;
	s28 =	simm.s32 $0x2  }
0x5: {  	s31 =	simm.s32 $0x3;
	s1 =	sand.u32 $0x1, s1;
	s4 =	sshll.u32 s4, $0x1  }
0x6: {  	[smem:$0x7FF] =	sst s3;
	s6 =	sadd.s32 $0x1A400, s0;
	s7 =	sadd.s32 $0x33400, s0  }
0x7: {  	s8 =	sadd.s32 $0xA00, s0;
	s9 =	sadd.s32 $0xC00, s0;
	s5 =	sor.u32 s1, s4  }
0x8: {  	_ =	strace $0x80000047;
	s1 =	ssub.s32 $0x2, s1;
	s5 =	smul.u32 $0x6400, s5  }
0x9: {  	s4 =	sadd.s32 $0x1400, s0;
	s0 =	simm.s32 $0x4;
	s10 =	sshrl.u32 s1, $0x1  }
0xa: {  	s29 =	ssub.s32 s1, s10;
	s1 =	simm.s32 $0x0;
	s12 =	sshrl.u32 s5, $0x3  }
0xb: {  	s16 =	smax.u32 s29, $0x1;
	s10 =	sadd.s32 s4, s12;
	s30 =	sor.u32 $0x10, s12  }
0xc: {  	v0 =	vlaneseq.u32;
	s11 =	sadd.s32 s6, s12;
	s15 =	sor.u32 $0x20, s12;
	s12 =	sadd.s32 s4, s30  }
0xd: {  	v1 =	vadd.s32 $0xFFFFFF38, v0;
	s13 =	sadd.s32 s6, s30;
	s14 =	sadd.s32 s4, s15;
	s15 =	sadd.s32 s6, s15  }
.LBB2_1:
0xe: {  	s17 =	simm.s32 $0xE800  }
0xf: {  	[tilespmem:s17], [sflag:$0x5] =	stream.linear.gather [hbm4b:s8+s3], $0x80, $0x38;
	[tilespmem:$0xE880] =	vst v63  }
0x10: {  	_ =	swait.ge [sflag:s18], $0x80  }
0x11: {  	[sflag:s18] =	ssyncset.done $0x0  }
0x12: {  	s29 =	simm.s32 $0x8400;
	[sflag:s18] =	ssyncadd.s32 $0xFFFFFF80  }
0x13: {  	[tilespmem:s29], [sflag:$0x5] =	stream.linear.gather [hbm4b:s9+s3], $0x3200, $0x38;
	[tilespmem:$0xE880] =	vst v63  }
0x14: {  	_ =	swait.ge [sflag:s18], $0x3200  }
0x15: {  	[sflag:s18] =	ssyncset.done $0x0  }
0x16: {  	s30 =	simm.s32 $0xB600;
	[sflag:s18] =	ssyncadd.s32 $0xFFFFCE00  }
0x17: {  	[tilespmem:s30], [sflag:$0x5] =	stream.linear.gather [hbm4b:s9+s3], $0x3200, $0x38;
	[tilespmem:$0xE880] =	vst v63  }
0x18: {  	_ =	swait.ge [sflag:s18], $0x3200  }
0x19: {  	[sflag:s18] =	ssyncset.done $0x0  }
0x1a: {  	s17 =	simm.s32 $0x20;
	[sflag:s18] =	ssyncadd.s32 $0xFFFFCE00  }
0x1b: {  	s19 =	simm.s32 $0x180;
	v2 =	vld [tilespmem:s17+$0x83E0]  }
.LBB2_2:
0x1c: {  	p0 =	sne.s32 s19, $0xC780;
	v3 =	vld [tilespmem:$0xE800];
	_ =	sdelay $0x4  }
0x1d: {  	v2 =	vadd.f32 v3, v2;
	_ =	sdelay $0x1  }
0x1e: {  	[tilespmem:s17+$0x83E0] =	vst v2;
	v2 =	vld [tilespmem:s17+$0xB5E0]  }
0x1f: {  	v3 =	vld [tilespmem:$0xE840];
	_ =	sdelay $0x4  }
0x20: {  	v2 =	vadd.f32 v3, v2;
	_ =	sdelay $0x1  }
0x21: {  	[tilespmem:s17+$0xB5E0] =	vst v2;
	v2 =	vld [tilespmem:s17+$0x83F0]  }
0x22: {  	v3 =	vld [tilespmem:$0xE810];
	_ =	sdelay $0x4  }
0x23: {  	v2 =	vadd.f32 v3, v2;
	_ =	sdelay $0x1  }
0x24: {  	[tilespmem:s17+$0x83F0] =	vst v2;
	v2 =	vld [tilespmem:s17+$0xB5F0]  }
0x25: {  	v3 =	vld [tilespmem:$0xE850];
	_ =	sdelay $0x4  }
0x26: {  	v2 =	vadd.f32 v3, v2;
	_ =	sdelay $0x1  }
0x27: {  	[tilespmem:s17+$0xB5F0] =	vst v2;
	v2 =	vld [tilespmem:s17+$0x8400]  }
0x28: {  	v3 =	vld [tilespmem:$0xE820];
	_ =	sdelay $0x4  }
0x29: {  	v2 =	vadd.f32 v3, v2;
	_ =	sdelay $0x1  }
0x2a: {  	[tilespmem:s17+$0x8400] =	vst v2;
	v2 =	vld [tilespmem:s17+$0xB600]  }
0x2b: {  	v3 =	vld [tilespmem:$0xE860];
	_ =	sdelay $0x4  }
0x2c: {  	v2 =	vadd.f32 v3, v2;
	_ =	sdelay $0x1  }
0x2d: {  	[tilespmem:s17+$0xB600] =	vst v2;
	v2 =	vld [tilespmem:s17+$0x8410]  }
0x2e: {  	v3 =	vld [tilespmem:$0xE830];
	_ =	sdelay $0x4  }
0x2f: {  	v2 =	vadd.f32 v3, v2;
	_ =	sdelay $0x1  }
0x30: {  	[tilespmem:s17+$0x8410] =	vst v2;
	v2 =	vld [tilespmem:s17+$0xB610]  }
0x31: {  	v3 =	vld [tilespmem:$0xE870];
	_ =	sdelay $0x2  }
.Ltmp0:
0x32: {  	(pc) =	sbr.rel @p0 .LBB2_2-.Ltmp0, $4  }
0x33: {  	_ = 	snop  }
0x34: {  	v3 =	vadd.f32 v3, v2  }
0x35: {  	s20 =	sshra.s32 s19, $0x2  }
0x36: {  	s19 =	sadd.s32 $0x100, s19;
	v2 =	vld [tilespmem:s20+$0x83E0];
	[tilespmem:s17+$0xB610] =	vst v3;
	s17 =	smov.u32 s20  }
0x37: {  	v3 =	vld [tilespmem:$0xE800];
	_ =	sdelay $0x4  }
0x38: {  	v2 =	vadd.f32 v3, v2;
	_ =	sdelay $0x1  }
0x39: {  	[tilespmem:s17+$0x83E0] =	vst v2;
	v2 =	vld [tilespmem:s17+$0xB5E0]  }
0x3a: {  	v3 =	vld [tilespmem:$0xE840];
	_ =	sdelay $0x4  }
0x3b: {  	v2 =	vadd.f32 v3, v2;
	_ =	sdelay $0x1  }
0x3c: {  	[tilespmem:s17+$0xB5E0] =	vst v2;
	v2 =	vld [tilespmem:s17+$0x83F0]  }
0x3d: {  	v3 =	vld [tilespmem:$0xE810];
	_ =	sdelay $0x4  }
0x3e: {  	v2 =	vadd.f32 v3, v2;
	_ =	sdelay $0x1  }
0x3f: {  	[tilespmem:s17+$0x83F0] =	vst v2;
	v2 =	vld [tilespmem:s17+$0xB5F0]  }
0x40: {  	v3 =	vld [tilespmem:$0xE850];
	_ =	sdelay $0x4  }
0x41: {  	v2 =	vadd.f32 v3, v2;
	_ =	sdelay $0x1  }
0x42: {  	[tilespmem:s17+$0xB5F0] =	vst v2;
	v2 =	vld [tilespmem:s17+$0x8400]  }
0x43: {  	v3 =	vld [tilespmem:$0xE820];
	_ =	sdelay $0x4  }
0x44: {  	v2 =	vadd.f32 v3, v2;
	_ =	sdelay $0x1  }
0x45: {  	[tilespmem:s17+$0x8400] =	vst v2;
	v2 =	vld [tilespmem:s17+$0xB600]  }
0x46: {  	v3 =	vld [tilespmem:$0xE860];
	_ =	sdelay $0x4  }
0x47: {  	v2 =	vadd.f32 v3, v2;
	_ =	sdelay $0x1  }
0x48: {  	[tilespmem:s17+$0xB600] =	vst v2;
	v2 =	vld [tilespmem:s17+$0x8410]  }
0x49: {  	v3 =	vld [tilespmem:$0xE830];
	_ =	sdelay $0x4  }
0x4a: {  	v2 =	vadd.f32 v3, v2;
	_ =	sdelay $0x1  }
0x4b: {  	[tilespmem:s17+$0x8410] =	vst v2;
	v2 =	vld [tilespmem:s17+$0xB610]  }
0x4c: {  	v3 =	vld [tilespmem:$0xE870];
	_ =	sdelay $0x4  }
0x4d: {  	v2 =	vadd.f32 v3, v2;
	_ =	sdelay $0x1  }
0x4e: {  	[tilespmem:s17+$0xB610] =	vst v2;
	s17 =	simm.s32 $0x0  }
0x4f: {  	[tilespmem:s17], [sflag:$0x1] =	stream.linear.gather [hbm4b:s10+s17], $0x80, $0x38;
	[tilespmem:$0xE880] =	vst v63  }
0x50: {  	s19 =	simm.s32 $0x200  }
0x51: {  	[tilespmem:s19], [sflag:$0x2] =	stream.linear.gather [hbm4b:s11+s17], $0x80, $0x38;
	[tilespmem:$0xE880] =	vst v63  }
0x52: {  	_ = 	snop  }
0x53: {  	[tilespmem:s22], [sflag:$0x1] =	stream.linear.gather [hbm4b:s12+s17], $0x80, $0x38;
	[tilespmem:$0xE880] =	vst v63  }
0x54: {  	s23 =	simm.s32 $0x280  }
0x55: {  	[tilespmem:s23], [sflag:$0x2] =	stream.linear.gather [hbm4b:s13+s17], $0x80, $0x38;
	[tilespmem:$0xE880] =	vst v63  }
0x56: {  	s24 =	simm.s32 $0x100  }
0x57: {  	[tilespmem:s24], [sflag:$0x1] =	stream.linear.gather [hbm4b:s14+s17], $0x80, $0x38;
	[tilespmem:$0xE880] =	vst v63  }
0x58: {  	s25 =	simm.s32 $0x300  }
0x59: {  	[tilespmem:s25], [sflag:$0x2] =	stream.linear.gather [hbm4b:s15+s17], $0x80, $0x38;
	[tilespmem:$0xE880] =	vst v63  }
0x5a: {  	_ =	swait.ge [sflag:s26], $0x80  }
0x5b: {  	[sflag:s26] =	ssyncset.done $0x0  }
0x5c: {  	[sflag:s26] =	ssyncadd.s32 $0xFFFFFF80  }
0x5d: {  	_ =	swait.ge [sflag:s28], $0x80  }
0x5e: {  	[sflag:s28] =	ssyncset.done $0x0  }
0x5f: {  	s29 =	simm.s32 $0x400;
	[sflag:s28] =	ssyncadd.s32 $0xFFFFFF80  }
0x60: {  	[tilespmem:s29], [sflag:$0x3] =	stream.indirect.gather [hbm4b:s7+s22], $0x40, s17, s22, $0xb8;
	[tilespmem:$0xE880] =	vst v63  }
0x61: {  	_ =	swait.ge [sflag:s26], $0x80  }
0x62: {  	[sflag:s26] =	ssyncset.done $0x0  }
0x63: {  	[sflag:s26] =	ssyncadd.s32 $0xFFFFFF80  }
0x64: {  	_ =	swait.ge [sflag:s28], $0x80  }
0x65: {  	s30 =	simm.s32 $0x2400;
	[sflag:s28] =	ssyncset.done $0x0  }
0x66: {  	s20 =	simm.s32 $0x0;
	s19 =	simm.s32 $0x0;
	[sflag:s28] =	ssyncadd.s32 $0xFFFFFF80  }
0x67: {  	[tilespmem:s30], [sflag:$0x3] =	stream.indirect.gather [hbm4b:s7+s22], $0x40, s22, s22, $0xb8;
	[tilespmem:$0xE880] =	vst v63  }
.LBB2_4:
0x68: {  	p0 =	sgt.u32 s20, $0xC4  }
0x69: {  	s21 =	sshll.u32 @!p0 s20, $0x7  }
0x6a: {  	s21 =	sadd.s32 @!p0 $0x180, s21  }
0x6b: {  	s23 =	sadd.s32 @!p0 s5, s21  }
0x6c: {  	s23 =	sshrl.u32 @!p0 s23, $0x3  }
0x6d: {  	s25 =	simm.s32 @!p0 $0x0;
	s21 =	sand.u32 @!p0 $0x180, s21;
	s24 =	sadd.s32 @!p0 s4, s23  }
0x6e: {  	[tilespmem:s21], [sflag:$0x1] =	stream.linear.gather @!p0 [hbm4b:s24+s25], $0x80, $0x38;
	[tilespmem:$0xE880] =	vst v63  }
0x6f: {  	p1 =	slt.u32 @!p0 s20, $0x2;
	s23 =	sadd.s32 @!p0 s6, s23;
	s21 =	sor.u32 @!p0 $0x200, s21  }
0x70: {  	[tilespmem:s21], [sflag:$0x2] =	stream.linear.gather @!p0 [hbm4b:s23+s25], $0x80, $0x38;
	[tilespmem:$0xE880] =	vst v63  }
0x71: {  	p0 =	por p0, !p1  }
0x72: {  	s21 =	simm.s32 @p0 $0x4  }
0x73: {  	_ =	swait.ge @p0 [sflag:s21], $0x2000  }
0x74: {  	p1 =	sgt.u32 @p0 s20, $0xC5;
	[sflag:s21] =	ssyncset.done @p0 $0x0  }
0x75: {  	p1 =	por !p0, !p1;
	[sflag:s21] =	ssyncadd.s32 @p0 $0xFFFFE000  }
0x76: {  	_ =	swait.ge @p1 [sflag:s26], $0x80  }
0x77: {  	[sflag:s26] =	ssyncset.done @p1 $0x0  }
0x78: {  	s25 =	sand.u32 $0x3, s20;
	[sflag:s26] =	ssyncadd.s32 @p1 $0xFFFFFF80  }
0x79: {  	s21 =	sxor.u32 @p1 $0x2, s25;
	_ =	swait.ge @p1 [sflag:s28], $0x80  }
0x7a: {  	s24 =	sand.u32 $0x3, s17;
	s23 =	sshll.u32 @p1 s21, $0xD;
	[sflag:s28] =	ssyncset.done @p1 $0x0  }
0x7b: {  	s21 =	sshll.u32 @p1 s21, $0x7;
	s23 =	sor.u32 @p1 $0x400, s23;
	[sflag:s28] =	ssyncadd.s32 @p1 $0xFFFFFF80  }
0x7c: {  	[tilespmem:s23], [sflag:$0x3] =	stream.indirect.gather @p1 [hbm4b:s7+s22], $0x40, s21, s22, $0xb8;
	[tilespmem:$0xE880] =	vst v63  }
0x7d: {  	s30 =	sshll.u32 s24, $0x7;
	s23 =	smulhi.u32 $0x51EB851F, s19  }
0x7e: {  	s30 =	sor.u32 $0x200, s30  }
0x7f: {  	s29 =	simm.s32 $0x0;
	v2 =	vmov s30;
	s25 =	sshll.u32 s25, $0xD;
	s21 =	sshrl.u32 s23, $0x6  }
0x80: {  	s25 =	sor.u32 $0x400, s25;
	_ =	swait.ge [sflag:s31], $0x2000;
	s21 =	smul.u32 $0xC8, s21  }
0x81: {  	s23 =	sshll.u32 s24, $0xD;
	s24 =	sshll.u32 s20, $0x7;
	[sflag:s31] =	ssyncset.done $0x0  }
0x82: {  	s23 =	sor.u32 $0x600, s23;
	[sflag:s31] =	ssyncadd.s32 $0xFFFFE000;
	s21 =	ssub.s32 s19, s21  }
.LBB2_5:
0x83: {  	s30 =	sshra.s32 s29, $0x2  }
0x84: {  	v3 =	vld.idx.msk [tilespmem:v2+s30+$0x0 ss:$0x1], $0xffff;
	_ =	sdelay $0x3  }
0x85: {  	v4 =	vadd.s32 s21, v0  }
0x86: {  	v5 =	vadd.s32 s21, v1;
	vm0 =	vgt.u32 v4, $0xC7;
	v3 =	vmul.u32 $0xC8, v3  }
0x87: {  	v4 =	vsel vm0, v5, v4  }
0x88: {  	v3 =	vadd.s32 v4, v3  }
0x89: {  	v3 =	vshll.u32 v3, $0x8  }
0x8a: {  	v3 =	vshra.s32 v3, $0x2  }
0x8b: {  	(v2sf) =	vpush v3, $0x0;
	_ =	sdelay $0xe  }
0x8c: {  	v53 =	vld [tilespmem:s23+$0xFFFFFE00];
	s30 =	spop (v2sf)  }
0x8d: {  	v54 =	vld [tilespmem:s30+$0x8400];
	_ =	sdelay $0x4  }
0x8e: {  	v4 =	vadd.f32 v54, v53;
	_ =	sdelay $0x1  }
0x8f: {  	v55 =	vld [tilespmem:s23+$0xFFFFFE10];
	[tilespmem:s23+$0xFFFFFE00] =	vst v4  }
0x90: {  	v56 =	vld [tilespmem:s30+$0x8410];
	_ =	sdelay $0x4  }
0x91: {  	v4 =	vadd.f32 v56, v55;
	_ =	sdelay $0x1  }
0x92: {  	v57 =	vld [tilespmem:s23+$0xFFFFFE20];
	[tilespmem:s23+$0xFFFFFE10] =	vst v4  }
0x93: {  	(v2sf) =	vpush v3, $0x1;
	v58 =	vld [tilespmem:s30+$0x8420];
	_ =	sdelay $0x4  }
0x94: {  	v4 =	vadd.f32 v58, v57;
	_ =	sdelay $0x1  }
0x95: {  	v59 =	vld [tilespmem:s23+$0xFFFFFE30];
	[tilespmem:s23+$0xFFFFFE20] =	vst v4  }
0x96: {  	v60 =	vld [tilespmem:s30+$0x8430];
	_ =	sdelay $0x4  }
0x97: {  	v4 =	vadd.f32 v60, v59;
	_ =	sdelay $0x1  }
0x98: {  	v61 =	vld [tilespmem:s23+$0xFFFFFE40];
	s30 =	spop (v2sf);
	[tilespmem:s23+$0xFFFFFE30] =	vst v4  }
0x99: {  	v62 =	vld [tilespmem:s30+$0x8400];
	_ =	sdelay $0x4  }
0x9a: {  	v4 =	vadd.f32 v62, v61;
	_ =	sdelay $0x1  }
0x9b: {  	v63 =	vld [tilespmem:s23+$0xFFFFFE50];
	[tilespmem:s23+$0xFFFFFE40] =	vst v4  }
0x9c: {  	v8 =	vld [tilespmem:s30+$0x8410];
	_ =	sdelay $0x4  }
0x9d: {  	v4 =	vadd.f32 v8, v63;
	_ =	sdelay $0x1  }
0x9e: {  	v9 =	vld [tilespmem:s23+$0xFFFFFE60];
	[tilespmem:s23+$0xFFFFFE50] =	vst v4  }
0x9f: {  	(v2sf) =	vpush v3, $0x2;
	v10 =	vld [tilespmem:s30+$0x8420];
	_ =	sdelay $0x4  }
0xa0: {  	v4 =	vadd.f32 v10, v9;
	_ =	sdelay $0x1  }
0xa1: {  	v11 =	vld [tilespmem:s23+$0xFFFFFE70];
	[tilespmem:s23+$0xFFFFFE60] =	vst v4  }
0xa2: {  	v12 =	vld [tilespmem:s30+$0x8430];
	_ =	sdelay $0x4  }
0xa3: {  	v4 =	vadd.f32 v12, v11;
	_ =	sdelay $0x1  }
0xa4: {  	v13 =	vld [tilespmem:s23+$0xFFFFFE80];
	s30 =	spop (v2sf);
	[tilespmem:s23+$0xFFFFFE70] =	vst v4  }
0xa5: {  	v14 =	vld [tilespmem:s30+$0x8400];
	_ =	sdelay $0x4  }
0xa6: {  	v4 =	vadd.f32 v14, v13;
	_ =	sdelay $0x1  }
0xa7: {  	v15 =	vld [tilespmem:s23+$0xFFFFFE90];
	[tilespmem:s23+$0xFFFFFE80] =	vst v4  }
0xa8: {  	v16 =	vld [tilespmem:s30+$0x8410];
	_ =	sdelay $0x4  }
0xa9: {  	v4 =	vadd.f32 v16, v15;
	_ =	sdelay $0x1  }
0xaa: {  	v17 =	vld [tilespmem:s23+$0xFFFFFEA0];
	[tilespmem:s23+$0xFFFFFE90] =	vst v4  }
0xab: {  	(v2sf) =	vpush v3, $0x3;
	v18 =	vld [tilespmem:s30+$0x8420];
	_ =	sdelay $0x4  }
0xac: {  	v4 =	vadd.f32 v18, v17;
	_ =	sdelay $0x1  }
0xad: {  	v19 =	vld [tilespmem:s23+$0xFFFFFEB0];
	[tilespmem:s23+$0xFFFFFEA0] =	vst v4  }
0xae: {  	v20 =	vld [tilespmem:s30+$0x8430];
	_ =	sdelay $0x4  }
0xaf: {  	v4 =	vadd.f32 v20, v19;
	_ =	sdelay $0x1  }
0xb0: {  	v21 =	vld [tilespmem:s23+$0xFFFFFEC0];
	s30 =	spop (v2sf);
	[tilespmem:s23+$0xFFFFFEB0] =	vst v4  }
0xb1: {  	v22 =	vld [tilespmem:s30+$0x8400];
	_ =	sdelay $0x4  }
0xb2: {  	v4 =	vadd.f32 v22, v21;
	_ =	sdelay $0x1  }
0xb3: {  	v23 =	vld [tilespmem:s23+$0xFFFFFED0];
	[tilespmem:s23+$0xFFFFFEC0] =	vst v4  }
0xb4: {  	v24 =	vld [tilespmem:s30+$0x8410];
	_ =	sdelay $0x4  }
0xb5: {  	v4 =	vadd.f32 v24, v23;
	_ =	sdelay $0x1  }
0xb6: {  	v25 =	vld [tilespmem:s23+$0xFFFFFEE0];
	[tilespmem:s23+$0xFFFFFED0] =	vst v4  }
0xb7: {  	(v2sf) =	vpush v3, $0x4;
	v26 =	vld [tilespmem:s30+$0x8420];
	_ =	sdelay $0x4  }
0xb8: {  	v4 =	vadd.f32 v26, v25;
	_ =	sdelay $0x1  }
0xb9: {  	v27 =	vld [tilespmem:s23+$0xFFFFFEF0];
	[tilespmem:s23+$0xFFFFFEE0] =	vst v4  }
0xba: {  	v28 =	vld [tilespmem:s30+$0x8430];
	_ =	sdelay $0x4  }
0xbb: {  	v4 =	vadd.f32 v28, v27;
	_ =	sdelay $0x1  }
0xbc: {  	v29 =	vld [tilespmem:s23+$0xFFFFFF00];
	s30 =	spop (v2sf);
	[tilespmem:s23+$0xFFFFFEF0] =	vst v4  }
0xbd: {  	v30 =	vld [tilespmem:s30+$0x8400];
	_ =	sdelay $0x4  }
0xbe: {  	v4 =	vadd.f32 v30, v29;
	_ =	sdelay $0x1  }
0xbf: {  	v31 =	vld [tilespmem:s23+$0xFFFFFF10];
	[tilespmem:s23+$0xFFFFFF00] =	vst v4  }
0xc0: {  	v32 =	vld [tilespmem:s30+$0x8410];
	_ =	sdelay $0x4  }
0xc1: {  	v4 =	vadd.f32 v32, v31;
	_ =	sdelay $0x1  }
0xc2: {  	v33 =	vld [tilespmem:s23+$0xFFFFFF20];
	[tilespmem:s23+$0xFFFFFF10] =	vst v4  }
0xc3: {  	(v2sf) =	vpush v3, $0x5;
	v34 =	vld [tilespmem:s30+$0x8420];
	_ =	sdelay $0x4  }
0xc4: {  	v4 =	vadd.f32 v34, v33;
	_ =	sdelay $0x1  }
0xc5: {  	v35 =	vld [tilespmem:s23+$0xFFFFFF30];
	[tilespmem:s23+$0xFFFFFF20] =	vst v4  }
0xc6: {  	v36 =	vld [tilespmem:s30+$0x8430];
	_ =	sdelay $0x4  }
0xc7: {  	v4 =	vadd.f32 v36, v35;
	_ =	sdelay $0x1  }
0xc8: {  	v37 =	vld [tilespmem:s23+$0xFFFFFF40];
	s30 =	spop (v2sf);
	[tilespmem:s23+$0xFFFFFF30] =	vst v4  }
0xc9: {  	v38 =	vld [tilespmem:s30+$0x8400];
	_ =	sdelay $0x4  }
0xca: {  	v4 =	vadd.f32 v38, v37;
	_ =	sdelay $0x1  }
0xcb: {  	v39 =	vld [tilespmem:s23+$0xFFFFFF50];
	[tilespmem:s23+$0xFFFFFF40] =	vst v4  }
0xcc: {  	v40 =	vld [tilespmem:s30+$0x8410];
	_ =	sdelay $0x4  }
0xcd: {  	v4 =	vadd.f32 v40, v39;
	_ =	sdelay $0x1  }
0xce: {  	v41 =	vld [tilespmem:s23+$0xFFFFFF60];
	[tilespmem:s23+$0xFFFFFF50] =	vst v4  }
0xcf: {  	(v2sf) =	vpush v3, $0x6;
	v42 =	vld [tilespmem:s30+$0x8420];
	_ =	sdelay $0x4  }
0xd0: {  	v4 =	vadd.f32 v42, v41;
	_ =	sdelay $0x1  }
0xd1: {  	v43 =	vld [tilespmem:s23+$0xFFFFFF70];
	[tilespmem:s23+$0xFFFFFF60] =	vst v4  }
0xd2: {  	v44 =	vld [tilespmem:s30+$0x8430];
	_ =	sdelay $0x4  }
0xd3: {  	v4 =	vadd.f32 v44, v43;
	_ =	sdelay $0x1  }
0xd4: {  	v45 =	vld [tilespmem:s23+$0xFFFFFF80];
	s30 =	spop (v2sf);
	[tilespmem:s23+$0xFFFFFF70] =	vst v4  }
0xd5: {  	v46 =	vld [tilespmem:s30+$0x8400];
	_ =	sdelay $0x4  }
0xd6: {  	v4 =	vadd.f32 v46, v45;
	_ =	sdelay $0x1  }
0xd7: {  	v47 =	vld [tilespmem:s23+$0xFFFFFF90];
	[tilespmem:s23+$0xFFFFFF80] =	vst v4  }
0xd8: {  	v48 =	vld [tilespmem:s30+$0x8410];
	_ =	sdelay $0x4  }
0xd9: {  	v4 =	vadd.f32 v48, v47;
	_ =	sdelay $0x1  }
0xda: {  	v49 =	vld [tilespmem:s23+$0xFFFFFFA0];
	[tilespmem:s23+$0xFFFFFF90] =	vst v4  }
0xdb: {  	(v2sf) =	vpush v3, $0x7;
	v50 =	vld [tilespmem:s30+$0x8420];
	_ =	sdelay $0x4  }
0xdc: {  	v4 =	vadd.f32 v50, v49;
	_ =	sdelay $0x1  }
0xdd: {  	v51 =	vld [tilespmem:s23+$0xFFFFFFB0];
	[tilespmem:s23+$0xFFFFFFA0] =	vst v4  }
0xde: {  	v52 =	vld [tilespmem:s30+$0x8430];
	_ =	sdelay $0x4  }
0xdf: {  	v4 =	vadd.f32 v52, v51;
	_ =	sdelay $0x1  }
0xe0: {  	v53 =	vld [tilespmem:s23+$0xFFFFFFC0];
	s30 =	spop (v2sf);
	[tilespmem:s23+$0xFFFFFFB0] =	vst v4  }
0xe1: {  	v54 =	vld [tilespmem:s30+$0x8400];
	_ =	sdelay $0x4  }
0xe2: {  	v4 =	vadd.f32 v54, v53;
	_ =	sdelay $0x1  }
0xe3: {  	v55 =	vld [tilespmem:s23+$0xFFFFFFD0];
	[tilespmem:s23+$0xFFFFFFC0] =	vst v4  }
0xe4: {  	v56 =	vld [tilespmem:s30+$0x8410];
	_ =	sdelay $0x4  }
0xe5: {  	v4 =	vadd.f32 v56, v55;
	_ =	sdelay $0x1  }
0xe6: {  	v57 =	vld [tilespmem:s23+$0xFFFFFFE0];
	[tilespmem:s23+$0xFFFFFFD0] =	vst v4  }
0xe7: {  	(v2sf) =	vpush v3, $0x8;
	v58 =	vld [tilespmem:s30+$0x8420];
	_ =	sdelay $0x4  }
0xe8: {  	v4 =	vadd.f32 v58, v57;
	_ =	sdelay $0x1  }
0xe9: {  	v59 =	vld [tilespmem:s23+$0xFFFFFFF0];
	[tilespmem:s23+$0xFFFFFFE0] =	vst v4  }
0xea: {  	v60 =	vld [tilespmem:s30+$0x8430];
	_ =	sdelay $0x4  }
0xeb: {  	v4 =	vadd.f32 v60, v59;
	_ =	sdelay $0x1  }
0xec: {  	v61 =	vld [tilespmem:s23+$0x0];
	s30 =	spop (v2sf);
	[tilespmem:s23+$0xFFFFFFF0] =	vst v4  }
0xed: {  	v62 =	vld [tilespmem:s30+$0x8400];
	_ =	sdelay $0x4  }
0xee: {  	v4 =	vadd.f32 v62, v61;
	_ =	sdelay $0x1  }
0xef: {  	v63 =	vld [tilespmem:s23+$0x10];
	[tilespmem:s23+$0x0] =	vst v4  }
0xf0: {  	v8 =	vld [tilespmem:s30+$0x8410];
	_ =	sdelay $0x4  }
0xf1: {  	v4 =	vadd.f32 v8, v63;
	_ =	sdelay $0x1  }
0xf2: {  	v9 =	vld [tilespmem:s23+$0x20];
	[tilespmem:s23+$0x10] =	vst v4  }
0xf3: {  	(v2sf) =	vpush v3, $0x9;
	v10 =	vld [tilespmem:s30+$0x8420];
	_ =	sdelay $0x4  }
0xf4: {  	v4 =	vadd.f32 v10, v9;
	_ =	sdelay $0x1  }
0xf5: {  	v11 =	vld [tilespmem:s23+$0x30];
	[tilespmem:s23+$0x20] =	vst v4  }
0xf6: {  	v12 =	vld [tilespmem:s30+$0x8430];
	_ =	sdelay $0x4  }
0xf7: {  	v4 =	vadd.f32 v12, v11;
	_ =	sdelay $0x1  }
0xf8: {  	v13 =	vld [tilespmem:s23+$0x40];
	s30 =	spop (v2sf);
	[tilespmem:s23+$0x30] =	vst v4  }
0xf9: {  	v14 =	vld [tilespmem:s30+$0x8400];
	_ =	sdelay $0x4  }
0xfa: {  	v4 =	vadd.f32 v14, v13;
	_ =	sdelay $0x1  }
0xfb: {  	v15 =	vld [tilespmem:s23+$0x50];
	[tilespmem:s23+$0x40] =	vst v4  }
0xfc: {  	v16 =	vld [tilespmem:s30+$0x8410];
	_ =	sdelay $0x4  }
0xfd: {  	v4 =	vadd.f32 v16, v15;
	_ =	sdelay $0x1  }
0xfe: {  	v17 =	vld [tilespmem:s23+$0x60];
	[tilespmem:s23+$0x50] =	vst v4  }
0xff: {  	(v2sf) =	vpush v3, $0xA;
	v18 =	vld [tilespmem:s30+$0x8420];
	_ =	sdelay $0x4  }
0x100: {  	v4 =	vadd.f32 v18, v17;
	_ =	sdelay $0x1  }
0x101: {  	v19 =	vld [tilespmem:s23+$0x70];
	[tilespmem:s23+$0x60] =	vst v4  }
0x102: {  	v20 =	vld [tilespmem:s30+$0x8430];
	_ =	sdelay $0x4  }
0x103: {  	v4 =	vadd.f32 v20, v19;
	_ =	sdelay $0x1  }
0x104: {  	v21 =	vld [tilespmem:s23+$0x80];
	s30 =	spop (v2sf);
	[tilespmem:s23+$0x70] =	vst v4  }
0x105: {  	v22 =	vld [tilespmem:s30+$0x8400];
	_ =	sdelay $0x4  }
0x106: {  	v4 =	vadd.f32 v22, v21;
	_ =	sdelay $0x1  }
0x107: {  	v23 =	vld [tilespmem:s23+$0x90];
	[tilespmem:s23+$0x80] =	vst v4  }
0x108: {  	v24 =	vld [tilespmem:s30+$0x8410];
	_ =	sdelay $0x4  }
0x109: {  	v4 =	vadd.f32 v24, v23;
	_ =	sdelay $0x1  }
0x10a: {  	v25 =	vld [tilespmem:s23+$0xA0];
	[tilespmem:s23+$0x90] =	vst v4  }
0x10b: {  	(v2sf) =	vpush v3, $0xB;
	v26 =	vld [tilespmem:s30+$0x8420];
	_ =	sdelay $0x4  }
0x10c: {  	v4 =	vadd.f32 v26, v25;
	_ =	sdelay $0x1  }
0x10d: {  	v27 =	vld [tilespmem:s23+$0xB0];
	[tilespmem:s23+$0xA0] =	vst v4  }
0x10e: {  	v28 =	vld [tilespmem:s30+$0x8430];
	_ =	sdelay $0x4  }
0x10f: {  	v4 =	vadd.f32 v28, v27;
	_ =	sdelay $0x1  }
0x110: {  	v29 =	vld [tilespmem:s23+$0xC0];
	s30 =	spop (v2sf);
	[tilespmem:s23+$0xB0] =	vst v4  }
0x111: {  	v30 =	vld [tilespmem:s30+$0x8400];
	_ =	sdelay $0x4  }
0x112: {  	v4 =	vadd.f32 v30, v29;
	_ =	sdelay $0x1  }
0x113: {  	v31 =	vld [tilespmem:s23+$0xD0];
	[tilespmem:s23+$0xC0] =	vst v4  }
0x114: {  	v32 =	vld [tilespmem:s30+$0x8410];
	_ =	sdelay $0x4  }
0x115: {  	v4 =	vadd.f32 v32, v31;
	_ =	sdelay $0x1  }
0x116: {  	v33 =	vld [tilespmem:s23+$0xE0];
	[tilespmem:s23+$0xD0] =	vst v4  }
0x117: {  	(v2sf) =	vpush v3, $0xC;
	v34 =	vld [tilespmem:s30+$0x8420];
	_ =	sdelay $0x4  }
0x118: {  	v4 =	vadd.f32 v34, v33;
	_ =	sdelay $0x1  }
0x119: {  	v35 =	vld [tilespmem:s23+$0xF0];
	[tilespmem:s23+$0xE0] =	vst v4  }
0x11a: {  	v36 =	vld [tilespmem:s30+$0x8430];
	_ =	sdelay $0x4  }
0x11b: {  	v4 =	vadd.f32 v36, v35;
	_ =	sdelay $0x1  }
0x11c: {  	v37 =	vld [tilespmem:s23+$0x100];
	s30 =	spop (v2sf);
	[tilespmem:s23+$0xF0] =	vst v4  }
0x11d: {  	v38 =	vld [tilespmem:s30+$0x8400];
	_ =	sdelay $0x4  }
0x11e: {  	v4 =	vadd.f32 v38, v37;
	_ =	sdelay $0x1  }
0x11f: {  	v39 =	vld [tilespmem:s23+$0x110];
	[tilespmem:s23+$0x100] =	vst v4  }
0x120: {  	v40 =	vld [tilespmem:s30+$0x8410];
	_ =	sdelay $0x4  }
0x121: {  	v4 =	vadd.f32 v40, v39;
	_ =	sdelay $0x1  }
0x122: {  	v41 =	vld [tilespmem:s23+$0x120];
	[tilespmem:s23+$0x110] =	vst v4  }
0x123: {  	(v2sf) =	vpush v3, $0xD;
	v42 =	vld [tilespmem:s30+$0x8420];
	_ =	sdelay $0x4  }
0x124: {  	v4 =	vadd.f32 v42, v41;
	_ =	sdelay $0x1  }
0x125: {  	v43 =	vld [tilespmem:s23+$0x130];
	[tilespmem:s23+$0x120] =	vst v4  }
0x126: {  	v44 =	vld [tilespmem:s30+$0x8430];
	_ =	sdelay $0x4  }
0x127: {  	v4 =	vadd.f32 v44, v43;
	_ =	sdelay $0x1  }
0x128: {  	v45 =	vld [tilespmem:s23+$0x140];
	s30 =	spop (v2sf);
	[tilespmem:s23+$0x130] =	vst v4  }
0x129: {  	v46 =	vld [tilespmem:s30+$0x8400];
	_ =	sdelay $0x4  }
0x12a: {  	v4 =	vadd.f32 v46, v45;
	_ =	sdelay $0x1  }
0x12b: {  	v47 =	vld [tilespmem:s23+$0x150];
	[tilespmem:s23+$0x140] =	vst v4  }
0x12c: {  	v48 =	vld [tilespmem:s30+$0x8410];
	_ =	sdelay $0x4  }
0x12d: {  	v4 =	vadd.f32 v48, v47;
	_ =	sdelay $0x1  }
0x12e: {  	v49 =	vld [tilespmem:s23+$0x160];
	[tilespmem:s23+$0x150] =	vst v4  }
0x12f: {  	(v2sf) =	vpush v3, $0xE;
	v50 =	vld [tilespmem:s30+$0x8420];
	_ =	sdelay $0x4  }
0x130: {  	v4 =	vadd.f32 v50, v49;
	_ =	sdelay $0x1  }
0x131: {  	v51 =	vld [tilespmem:s23+$0x170];
	[tilespmem:s23+$0x160] =	vst v4  }
0x132: {  	v52 =	vld [tilespmem:s30+$0x8430];
	_ =	sdelay $0x4  }
0x133: {  	v4 =	vadd.f32 v52, v51;
	_ =	sdelay $0x1  }
0x134: {  	v53 =	vld [tilespmem:s23+$0x180];
	s30 =	spop (v2sf);
	[tilespmem:s23+$0x170] =	vst v4  }
0x135: {  	v54 =	vld [tilespmem:s30+$0x8400];
	_ =	sdelay $0x4  }
0x136: {  	v4 =	vadd.f32 v54, v53;
	_ =	sdelay $0x1  }
0x137: {  	v55 =	vld [tilespmem:s23+$0x190];
	[tilespmem:s23+$0x180] =	vst v4  }
0x138: {  	v56 =	vld [tilespmem:s30+$0x8410];
	_ =	sdelay $0x4  }
0x139: {  	v4 =	vadd.f32 v56, v55;
	_ =	sdelay $0x1  }
0x13a: {  	v57 =	vld [tilespmem:s23+$0x1A0];
	[tilespmem:s23+$0x190] =	vst v4  }
0x13b: {  	(v2sf) =	vpush v3, $0xF;
	v58 =	vld [tilespmem:s30+$0x8420];
	_ =	sdelay $0x4  }
0x13c: {  	v3 =	vadd.f32 v58, v57;
	_ =	sdelay $0x1  }
0x13d: {  	[tilespmem:s23+$0x1A0] =	vst v3;
	v3 =	vld [tilespmem:s23+$0x1B0]  }
0x13e: {  	v59 =	vld [tilespmem:s30+$0x8430];
	_ =	sdelay $0x4  }
0x13f: {  	v3 =	vadd.f32 v59, v3;
	_ =	sdelay $0x1  }
0x140: {  	s30 =	spop (v2sf);
	[tilespmem:s23+$0x1B0] =	vst v3;
	v3 =	vld [tilespmem:s23+$0x1C0]  }
0x141: {  	v60 =	vld [tilespmem:s30+$0x8400];
	_ =	sdelay $0x4  }
0x142: {  	v3 =	vadd.f32 v60, v3;
	_ =	sdelay $0x1  }
0x143: {  	[tilespmem:s23+$0x1C0] =	vst v3;
	v3 =	vld [tilespmem:s23+$0x1D0]  }
0x144: {  	v61 =	vld [tilespmem:s30+$0x8410];
	_ =	sdelay $0x4  }
0x145: {  	v3 =	vadd.f32 v61, v3;
	_ =	sdelay $0x1  }
0x146: {  	[tilespmem:s23+$0x1D0] =	vst v3;
	v3 =	vld [tilespmem:s23+$0x1E0]  }
0x147: {  	v62 =	vld [tilespmem:s30+$0x8420];
	_ =	sdelay $0x4  }
0x148: {  	v3 =	vadd.f32 v62, v3;
	_ =	sdelay $0x1  }
0x149: {  	[tilespmem:s23+$0x1E0] =	vst v3;
	v3 =	vld [tilespmem:s23+$0x1F0]  }
0x14a: {  	v63 =	vld [tilespmem:s30+$0x8430];
	_ =	sdelay $0x1  }
0x14b: {  	p0 =	sne.s32 s29, $0x1C0  }
.Ltmp1:
0x14c: {  	_ = 	snop;
	(pc) =	sbr.rel @p0 .LBB2_5-.Ltmp1, $3  }
0x14d: {  	_ = 	snop  }
0x14e: {  	v3 =	vadd.f32 v63, v3;
	_ =	sdelay $0x1  }
0x14f: {  	s21 =	sadd.s32 $0x10, s21;
	s29 =	sadd.s32 $0x40, s29;
	[tilespmem:s23+$0x1F0] =	vst v3;
	s23 =	sadd.s32 $0x400, s23  }
0x150: {  	s20 =	sadd.s32 $0x1, s20  }
0x151: {  	p0 =	sne.s32 s20, $0xC8  }
.Ltmp2:
0x152: {  	_ = 	snop;
	(pc) =	sbr.rel @p0 .LBB2_4-.Ltmp2, $4  }
0x153: {  	s21 =	sadd.s32 s5, s24  }
0x154: {  	s21 =	sshll.u32 s21, $0x3  }
0x155: {  	s19 =	sadd.s32 $0x80, s19;
	s17 =	sadd.s32 $0x1, s17;
	s21 =	sadd.s32 s2, s21  }
0x156: {  	[hbm4b:s21+s3] =	stream.linear.scatter [tilespmem:s25], [sflag:$0x4], $0x2000, $0x38;
	[tilespmem:$0xE880] =	vst v63  }
0x157: {  	s1 =	sadd.s32 $0x1, s1  }
0x158: {  	_ =	swait.ge [sflag:s0], $0x2000;
	p0 =	sne.s32 s1, s16  }
.Ltmp3:
0x159: {  	[sflag:s0] =	ssyncset.done $0x0;
	(pc) =	sbr.rel @p0 .LBB2_1-.Ltmp3, $4  }
0x15a: {  	[sflag:s0] =	ssyncadd.s32 $0xFFFFE000  }
0x15b: {  	_ =	swait.ge [sflag:s0], $0x2000  }
0x15c: {  	[sflag:s0] =	ssyncset.done $0x0  }
0x15d: {  	[sflag:s0] =	ssyncadd.s32 $0xFFFFE000  }
0x15e: {  	_ =	sfence.sel $0x180000  }
0x15f: {  	[bflag:$0x0] =	sbarrier.arrive $0xFFFF  }
0x160: {  	_ =	strace $0x90000047  }
0x161: {  	s0 =	stileid.u32;
	[bflag:$0x2] =	sbarrier.arrive $0xFFFF  }
0x162: {  	p0 =	sne.s32 s0, $0x0;
	s0 =	rddreg [dreg:$0x2]  }
0x163: {  	s0 =	sadd.s32 @!p0 $0x100000, s0  }
0x164: {  	[sflag:s0] =	ssyncadd.tile.s32 @!p0 $0x1;
	_ =	shalt  }
.Lfunc_end2:
_tile_overlayer_lowered:
.L_overlay_start_2:
0x165: {  	(tag) =	ssettag $0x2  }
0x166: {  	s0 =	rddreg [dreg:$0x0];
	s2 =	stileid.u32  }
0x167: {  	s1 =	rddreg [dreg:$0x1];
	p0 =	sne.s32 s2, $0x0  }
0x168: {  	s3 =	rddreg [dreg:$0x2];
	[bflag:$0x3] =	sbarrier.arrive $0xFFFF;
	s2 =	simm.s32 @!p0 $0x1C05  }
0x169: {  	[timem:s3], [sflag:s2] =	dma.local @!p0 [hbm:s0], s1  }
0x16a: {  	s0 =	simm.s32 @!p0 $0x5  }
0x16b: {  	_ =	swait.ge @!p0 [sflag:s0], s1  }
0x16c: {  	s1 =	ssub.s32 @!p0 $0x0, s1;
	[sflag:s0] =	ssyncset.done @!p0 $0x0  }
0x16d: {  	[sflag:s0] =	ssyncadd.s32 @!p0 s1  }
0x16e: {  	[bflag:$0x3] =	sbarrier.arrive $0xFFFF  }
0x16f: {  	_ =	shalt  }

// kernel: sparse-core-data-format-call.cloned.1.call-start
scs
called_computation_lowered:
.L_overlay_start_0:
0x0: {  	s2 =	sld [smem:$0x3FD9]  }
0x1: {  	s3 =	sld [smem:$0x3FFE];
	_ =	sdelay $0x1  }
0x2: {  	s1 =	srdreg.scid  }
0x3: {  	s0 =	sand.u32 $0x1, s1  }
0x4: {  	s18 =	sshll.u32 s0, $0xA;
	s2 =	sadd.s32 s3, s2  }
0x5: {  	s2 =	sadd.s32 s2, s18  }
0x6: {  	[smem:$0x3FC3] =	sst s2  }
0x7: {  	_ = 	snop  }
0x8: {  	s2 =	sld [smem:$0x3FD0];
	(tm) =	ssettm $0x1  }
0x9: {  	s19 =	sld [smem:$0x3FFB];
	_ =	sdelay $0x3  }
0xa: {  	_ =	strace s19  }
0xb: {  	s3 =	sld [smem:$0x3FFC];
	_ =	sdelay $0x3  }
0xc: {  	_ =	strace s3  }
0xd: {  	s3 =	sld [smem:$0x3FFD];
	_ =	sdelay $0x3  }
0xe: {  	_ =	strace s3  }
0xf: {  	_ =	strace $0x8FFFFFFF  }
0x10: {  	s20 =	sld [smem:$0x3FDB];
	_ =	sdelay $0x1  }
0x11: {  	s4 =	simm.s32 $_scs_section_size  }
0x12: {  	s5 =	simm.s32 $_size__tile_overlayer_lowered;
	s6 =	simm.s32 $_tile_overlayer_lowered  }
0x13: {  	s23 =	simm.s32 $0x1BFF;
	s22 =	sshll.u32 s6, $0x1;
	s3 =	sadd.s32 s4, s20  }
0x14: {  	s7 =	simm.s32 $0x0;
	s21 =	sshll.u32 s5, $0x1;
	s5 =	sadd.s32 s22, s3  }
0x15: {  	[timem:s7], [sflag:s23] =	dma.local [hbm:s5], s21  }
0x16: {  	_ =	swait.ge [sflag:s23], s21  }
0x17: {  	s4 =	ssub.s32 $0x0, s21;
	[sflag:s23] =	ssyncset.done $0x0  }
0x18: {  	[sflag:s23] =	ssyncadd.s32 s4;
	_ =	sdelay $0x1  }
0x19: {  	s24 =	simm.s32 $0x1B8B  }
0x1a: {  	_ =	swait.ge [sflag:s24], $0x1  }
0x1b: {  	[sflag:s24] =	ssyncset.done $0x0  }
0x1c: {  	s26 =	simm.s32 $0x1B8E;
	s25 =	sld [smem:$0x3FFE];
	[sflag:s24] =	ssyncadd.s32 $0xFFFFFFFF  }
0x1d: {  	s27 =	simm.s32 $execute0_lowered;
	[smem:$0x3FD2] =	sst s26  }
0x1e: {  	s5 =	sshll.u32 s27, $0x1;
	_ =	strace $0x80000049;
	[dreg:$0x1] =	wrdreg $0xFFFFFFFF  }
0x1f: {  	s28 =	simm.s32 $_size_execute0_lowered;
	s3 =	sadd.s32 s3, s5;
	[dreg:$0x0] =	wrdreg $0x0  }
0x20: {  	s5 =	sshll.u32 s28, $0x1;
	[dreg:$0x2] =	wrdreg s3  }
0x21: {  	[dreg:$0x3] =	wrdreg s5  }
0x22: {  	[dreg:$0x4] =	wrdreg $0xC0  }
0x23: {  	_ =	task [dreg:s7], $0x5FFFF  }
0x24: {  	[dreg:$0x1] =	wrdreg $0xFFFFFFFF  }
0x25: {  	[dreg:$0x0] =	wrdreg $0x60  }
0x26: {  	[dreg:$0x2] =	wrdreg s25  }
0x27: {  	[dreg:$0x3] =	wrdreg s2  }
0x28: {  	[dreg:$0x4] =	wrdreg $0x9  }
0x29: {  	_ =	task.clear_ibuf [dreg:s7], $0x5FFFF;
	_ =	strace $0x90000049  }
0x2a: {  	s29 =	simm.s32 $0x9;
	_ =	strace $0x8000004B  }
0x2b: {  	_ =	swait.ge [sflag:s29], $0x1  }
0x2c: {  	[sflag:s29] =	ssyncadd.s32 $0xFFFFFFFF  }
0x2d: {  	_ =	strace $0x9000004B  }
0x2e: {  	_ =	sfence  }
0x2f: {  	s30 =	sld [smem:$0x0];
	_ =	sdelay $0x2  }
0x30: {  	s31 =	sshll.u32 s1, $0xD;
	s1 =	sshrl.u32 s1, $0x2  }
0x31: {  	s3 =	sand.u32 $0x4000, s31;
	s1 =	sadd.s32 s1, s30  }
0x32: {  	s0 =	sor.u32 s3, s0;
	s1 =	sshll.u32 s1, $0x11  }
0x33: {  	s0 =	sor.u32 s1, s0  }
0x34: {  	s0 =	sadd.s32 $0x8F2B, s0  }
0x35: {  	[sflag:s0] =	ssyncadd.remote.s32 $0x1  }
0x36: {  	_ =	sfence.sel $0xFFFF  }
0x37: {  	[dreg:$0x0] =	wrdreg $0xFFFFFFFF;
	(pc) =	sbr.abs _section_cstart, $3  }
0x38: {  	[dreg:$0x1] =	wrdreg $0xFFFFFFFF  }
0x39: {  	_ =	task.clear_ibuf [dreg:s7], $0x2FFFF;
	_ =	strace $0x9FFFFFFF  }
0x3a: {  	(tm) =	ssettm $0x7FFFFFFF  }
0x3b: {  	_ =	shalt  }
tec
execute0_lowered:
.L_overlay_start_1:
0x0: {  	(tag) =	ssettag $0x1  }
0x1: {  	s0 =	srdreg.scid  }
0x2: {  	s1 =	sshll.u32 s0, $0x4  }
0x3: {  	s0 =	stileid.u32;
	s1 =	sand.u32 $0x10, s1  }
0x4: {  	s1 =	sor.u32 s0, s1  }
0x5: {  	s6 =	rddreg [dreg:$0x0];
	s4 =	simm.s32 $0x1;
	s2 =	sshll.u32 s1, $0x7  }
0x6: {  	s7 =	simm.s32 $0x2;
	s12 =	simm.s32 $0x0;
	s1 =	ssub.s32 $0x1000, s2  }
0x7: {  	s8 =	simm.s32 $0x8000;
	s13 =	simm.s32 $0x0;
	s3 =	sand.u32 $0xF80, s1  }
0x8: {  	s9 =	simm.s32 $0x0;
	s5 =	sshrl.u32 s1, $0xC;
	p0 =	sne.s32 s3, $0x0  }
.Ltmp0:
0x9: {  	s1 =	rddreg [dreg:$0x2];
	s4 =	simm.s32 @!p0 $0x0;
	(pc) =	sbr.rel .LBB1_1-.Ltmp0, $4  }
0xa: {  	s11 =	simm.s32 $0x0;
	s3 =	rddreg [dreg:$0x1];
	s5 =	sadd.s32 s4, s5  }
0xb: {  	_ =	strace $0x8000004A;
	s4 =	simm.s32 $0x1;
	s5 =	smul.u32 $0xC8, s5  }
0xc: {  	s6 =	sadd.s32 $0xA00, s6;
	s10 =	smov.u32 s2;
	[sflag:s4] =	ssyncpa.u1 $0x0  }
0xd: {  	p0 =	por $0x0, $0x0;
	[sflag:s7] =	ssyncpa.u1 $0x0;
	s7 =	sor.u32 $0x1, s5  }
.LBB1_4:
0xe: {  	s16 =	sshll.u32 s13, $0x3;
	s17 =	sand.u32 $0x78, s13  }
0xf: {  	s30 =	sand.u32 $0x7E00, s13;
	s12 =	sshll.u32 s12, $0xF;
	s16 =	sand.u32 $0xC00, s16  }
0x10: {  	[tilespmem:s15+$0x810 ss:$0x81] =	vst.msk $0xffff, v2;
	s31 =	sand.u32 $0x7, s13;
	s16 =	sor.u32 s17, s16;
	s17 =	sadd.s32 s3, s30  }
0x11: {  	[tilespmem:s15+$0x1020 ss:$0x81] =	vst.msk $0xffff, v0;
	s13 =	sshll.u32 s31, $0x12;
	s12 =	sadd.s32 s12, s17;
	s16 =	sshrl.u32 s16, $0x3  }
0x12: {  	[tilespmem:s15+$0x0 ss:$0x81] =	vst.msk $0xffff, v1;
	s13 =	sor.u32 $0x400, s13;
	s12 =	sadd.s32 s16, s12  }
0x13: {  	[hbm4b:s12+s13] =	stream.strided.scatter [tilespmem:s14], [sflag:$0x2], $0x2000, s8, s13, $0x20;
	[tilespmem:$0x8080] =	vst v63  }
.LBB1_5:
0x14: {  	s14 =	sadd.s32 $0x1, s9  }
0x15: {  	s12 =	sadd.s32 $0x1000, s10;
	s16 =	smov.u32 s10;
	p2 =	sgt.s32 s14, $0xC7  }
0x16: {  	s16 =	smov.u32 @p2 s12  }
0x17: {  	s14 =	simm.s32 @p2 $0x0;
	p2 =	sgt.s32 s16, $0xFFF  }
0x18: {  	s16 =	smov.u32 @p2 s2;
	p2 =	sne.s32 s11, s7  }
.Ltmp1:
0x19: {  	p1 =	slt.u32 s11, $0x2;
	(pc) =	sbr.rel @!p2 .LBB1_6-.Ltmp1, $4  }
0x1a: {  	s15 =	simm.s32 @!p1 $0x2  }
0x1b: {  	s13 =	smov.u32 s10;
	p0 =	por !p0, !p0;
	_ =	swait.ge @!p1 [sflag:s15], $0x2000  }
0x1c: {  	s12 =	smov.u32 s9;
	[sflag:s15] =	ssyncset.done @!p1 $0x0;
	s9 =	smov.u32 s14  }
0x1d: {  	s11 =	sadd.s32 $0x1, s11;
	[sflag:s15] =	ssyncadd.s32 @!p1 $0xFFFFE000;
	s10 =	smov.u32 s16  }
.LBB1_1:
0x1e: {  	p1 =	sge.u32 s11, s5  }
0x1f: {  	s14 =	sand.u32 @!p1 $0x1FFFFFF, s9  }
0x20: {  	s15 =	smulhi.u32 @!p1 $0x147AE15, s14;
	_ =	sdelay $0x1  }
0x21: {  	s15 =	smul.u32 @!p1 $0xC8, s15  }
0x22: {  	s16 =	sxor.u32 @!p1 $0xFFFFFFFF, s11;
	s17 =	smul.u32 @!p1 $0xC80, s10  }
0x23: {  	s31 =	sadd.s32 $0xFFFFFFFF, s11;
	s16 =	sshll.u32 @!p1 s16, $0xD;
	s14 =	ssub.s32 @!p1 s14, s15  }
0x24: {  	s15 =	sand.u32 @!p1 $0x2000, s16;
	s16 =	sadd.s32 @!p1 s6, s17;
	s14 =	sshll.u32 @!p1 s14, $0x4  }
0x25: {  	s17 =	simm.s32 @!p1 $0x6400;
	s14 =	sadd.s32 @!p1 s14, s16;
	s16 =	simm.s32 @!p1 $0x40  }
0x26: {  	[tilespmem:s15], [sflag:$0x1] =	stream.strided.gather @!p1 [hbm4b:s14+s16], $0x2000, s17, s16, $0x38;
	[tilespmem:$0x8080] =	vst v63  }
0x27: {  	p1 =	sge.u32 s31, s5  }
.Ltmp2:
0x28: {  	_ = 	snop;
	(pc) =	sbr.rel @p1 .LBB1_5-.Ltmp2, $1  }
0x29: {  	_ =	sdelay $0x3  }
0x2a: {  	s14 =	simm.s32 $0x1  }
0x2b: {  	_ =	swait.ge [sflag:s4], $0x2000;
	s14 =	simm.s32 @!p0 $0x0  }
0x2c: {  	[sflag:s4] =	ssyncset.done $0x0;
	s15 =	sshll.u32 s14, $0xD  }
0x2d: {  	[sflag:s4] =	ssyncadd.s32 $0xFFFFE000;
	s18 =	sor.u32 $0x20, s15  }
0x2e: {  	s14 =	smul.u32 $0x8100, s14;
	v3 =	vld [tilespmem:s18+$0x10]  }
0x2f: {  	s30 =	sand.u32 $0x1, s11;
	v2 =	vld [tilespmem:s18+$0xFFFFFFF0]  }
0x30: {  	s15 =	smul.u32 $0x8100, s30;
	s14 =	sshrl.u32 s14, $0x2;
	v0 =	vld [tilespmem:s18+$0x0]  }
0x31: {  	v1 =	vld [tilespmem:s18+$0xFFFFFFE0];
	s16 =	sor.u32 $0x4000, s14  }
0x32: {  	s31 =	sshrl.u32 s15, $0x2;
	s15 =	sadd.s32 $0x0, s16  }
0x33: {  	s17 =	simm.s32 $0x4;
	s18 =	sadd.s32 $0x40, s18;
	s14 =	sor.u32 $0x4000, s31;
	[tilespmem:s15+$0x1830 ss:$0x81] =	vst.msk $0xffff, v3  }
.LBB1_3:
0x34: {  	v3 =	vld [tilespmem:s18+$0x10];
	p1 =	sne.s32 s17, $0x1FC;
	[tilespmem:s15+$0x810 ss:$0x81] =	vst.msk $0xffff, v2;
	s19 =	smov.u32 s17;
	s17 =	sadd.s32 $0x4, s17  }
.Ltmp3:
0x35: {  	v2 =	vld [tilespmem:s18+$0xFFFFFFF0];
	[tilespmem:s15+$0x1020 ss:$0x81] =	vst.msk $0xffff, v0;
	(pc) =	sbr.rel @p1 .LBB1_3-.Ltmp3, $4  }
0x36: {  	v0 =	vld [tilespmem:s18+$0x0];
	[tilespmem:s15+$0x0 ss:$0x81] =	vst.msk $0xffff, v1  }
0x37: {  	s15 =	sshra.s32 s19, $0x2;
	v1 =	vld [tilespmem:s18+$0xFFFFFFE0]  }
0x38: {  	s15 =	sadd.s32 s15, s16  }
0x39: {  	s18 =	sadd.s32 $0x40, s18;
	[tilespmem:s15+$0x1830 ss:$0x81] =	vst.msk $0xffff, v3  }
.Ltmp4:
0x3a: {  	_ = 	snop;
	(pc) =	sbr.rel .LBB1_4-.Ltmp4, $1  }
0x3b: {  	_ =	sdelay $0x3  }
.LBB1_6:
0x3c: {  	_ =	sfence.sel $0x180000  }
0x3d: {  	s2 =	simm.s32 $0x1;
	[bflag:$0x0] =	sbarrier.arrive $0xFFFF  }
0x3e: {  	s31 =	simm.s32 $0x2;
	[sflag:s2] =	ssyncpa.u1 $0x1  }
0x3f: {  	[sflag:s31] =	ssyncpa.u1 $0x1  }
0x40: {  	p0 =	sne.s32 s0, $0x0;
	_ =	strace $0x9000004A  }
0x41: {  	s0 =	sadd.s32 @!p0 $0x100000, s1;
	[bflag:$0x2] =	sbarrier.arrive $0xFFFF  }
0x42: {  	[sflag:s0] =	ssyncadd.tile.s32 @!p0 $0x1;
	_ =	shalt  }
.Lfunc_end1:
_tile_overlayer_lowered:
.L_overlay_start_2:
0x43: {  	(tag) =	ssettag $0x2  }
0x44: {  	s0 =	rddreg [dreg:$0x0];
	s2 =	stileid.u32  }
0x45: {  	s1 =	rddreg [dreg:$0x1];
	p0 =	sne.s32 s2, $0x0  }
0x46: {  	s3 =	rddreg [dreg:$0x2];
	[bflag:$0x3] =	sbarrier.arrive $0xFFFF;
	s2 =	simm.s32 @!p0 $0x1C01  }
0x47: {  	[timem:s3], [sflag:s2] =	dma.local @!p0 [hbm:s0], s1  }
0x48: {  	s0 =	simm.s32 @!p0 $0x1  }
0x49: {  	_ =	swait.ge @!p0 [sflag:s0], s1  }
0x4a: {  	s1 =	ssub.s32 @!p0 $0x0, s1;
	[sflag:s0] =	ssyncset.done @!p0 $0x0  }
0x4b: {  	[sflag:s0] =	ssyncadd.s32 @!p0 s1  }
0x4c: {  	[bflag:$0x3] =	sbarrier.arrive $0xFFFF  }
0x4d: {  	_ =	shalt  }

</sc_bundles>
